<compile_context>
chip_gen: v7x
topology: tpu7x:2x2x1
jax: 0.10.2.dev20260603
libtpu: 0.0.44.dev20260713+nightly
codegen_flags: <defaults>
</compile_context>

<pallas_src>
import jax
import jax.numpy as jnp
from jax import lax
from jax.experimental import pallas as pl
from jax.experimental.pallas import tpu as pltpu
from jax.experimental.pallas import tpu_sc as plsc

NC = 2
NS = 16
NW = NC * NS
K = 128




def _make_deg_kernel(NP, CHUNKS):
    rpt = NP // NS

    def body(dst_hbm, zrow_hbm, out_hbm, dstv, onesv, accsh, ssem):
        c = lax.axis_index("c")
        s = lax.axis_index("s")
        wid = s * NC + c
        pltpu.sync_copy(dst_hbm.at[wid], dstv)
        for j in range(K // 16):
            onesv[pl.ds(j * 16, 16)] = jnp.full((16,), 1.0, jnp.float32)
        pltpu.sync_copy(zrow_hbm, accsh.at[pl.ds(s * rpt, rpt)])
        plsc.subcore_barrier()

        def fire(i, carry):
            pltpu.async_copy(onesv, accsh.at[dstv.at[i]], ssem, add=True)
            return carry

        lax.fori_loop(0, CHUNKS, fire, 0)

        def drain(i, carry):
            pltpu.make_async_copy(onesv, accsh.at[dstv.at[i]], ssem).wait()
            return carry

        lax.fori_loop(0, CHUNKS, drain, 0)
        plsc.subcore_barrier()
        pltpu.sync_copy(accsh.at[pl.ds(s * rpt, rpt)],
                        out_hbm.at[pl.ds(c * NP + s * rpt, rpt)])

    return pl.kernel(
        body,
        out_type=jax.ShapeDtypeStruct((NC * NP,), jnp.float32),
        mesh=plsc.VectorSubcoreMesh(core_axis_name="c", subcore_axis_name="s"),
        compiler_params=pltpu.CompilerParams(use_tc_tiling_on_sc=True),
        scratch_types=[
            pltpu.VMEM((CHUNKS, K), jnp.int32),
            pltpu.VMEM((K,), jnp.float32),
            pltpu.VMEM_SHARED((NP,), jnp.float32),
            pltpu.SemaphoreType.DMA,
        ],
    )


def _make_agg_kernel(NP, F, CHUNKS, KC, tc_tiling, NB=4):
    rpt = NP // NS
    HC = CHUNKS // NB

    def body(y_hbm, src_hbm, dst_hbm, zrows_hbm, out_hbm,
             srcv, dstv, *rest):
        c = lax.axis_index("c")
        s = lax.axis_index("s")
        wid = s * NC + c
        rows = rest[0:NB]
        accsh = rest[NB]
        sems = rest[NB + 1:]
        gsem = sems[0:NB]
        ssem = sems[NB:2 * NB]
        isem = sems[2 * NB:3 * NB]
        jsem = sems[3 * NB:4 * NB]
        pltpu.sync_copy(zrows_hbm, accsh.at[pl.ds(s * rpt, rpt)])
        plsc.subcore_barrier()

        for k in range(NB):
            pltpu.async_copy(src_hbm.at[wid, k], srcv.at[k], isem[k])
        for k in range(NB - 1):
            pltpu.async_copy(dst_hbm.at[wid, k], dstv.at[k], jsem[k])
        for k in range(NB - 1):
            pltpu.make_async_copy(src_hbm.at[wid, k], srcv.at[k],
                                  isem[k]).wait()
            pltpu.async_copy(y_hbm.at[srcv.at[k]], rows[k], gsem[k])

        def step(g, carry):
            for jj in range(NB):
                j = NB * g + jj
                q = jj
                qn = (jj + NB - 1) % NB
                pltpu.make_async_copy(y_hbm.at[srcv.at[q]], rows[q],
                                      gsem[q]).wait()
                pltpu.make_async_copy(dst_hbm.at[wid, j], dstv.at[q],
                                      jsem[q]).wait()
                pltpu.async_copy(rows[q], accsh.at[dstv.at[q]], ssem[q],
                                 add=True)

                @pl.when(g < HC - 1)
                def _():
                    pltpu.async_copy(src_hbm.at[wid, j + NB], srcv.at[q],
                                     isem[q])

                def _issue_next(j=j, q=q, qn=qn):
                    def _ss():
                        pltpu.make_async_copy(
                            rows[qn], accsh.at[dstv.at[qn]],
                            ssem[qn]).wait()
                    if jj == 0:
                        pl.when(g > 0)(_ss)
                    else:
                        _ss()
                    pltpu.async_copy(dst_hbm.at[wid, j + NB - 1],
                                     dstv.at[qn], jsem[qn])
                    pltpu.make_async_copy(src_hbm.at[wid, j + NB - 1],
                                          srcv.at[qn], isem[qn]).wait()
                    pltpu.async_copy(y_hbm.at[srcv.at[qn]], rows[qn],
                                     gsem[qn])

                if jj == 0:
                    _issue_next()
                else:
                    pl.when(g < HC - 1)(_issue_next)
            return carry

        lax.fori_loop(0, HC, step, 0)
        for k in range(NB):
            pltpu.make_async_copy(rows[k], accsh.at[dstv.at[k]],
                                  ssem[k]).wait()
        plsc.subcore_barrier()
        pltpu.sync_copy(accsh.at[pl.ds(s * rpt, rpt)],
                        out_hbm.at[c, pl.ds(s * rpt, rpt)])

    return pl.kernel(
        body,
        out_type=jax.ShapeDtypeStruct((NC, NP, F), jnp.float32),
        mesh=plsc.VectorSubcoreMesh(core_axis_name="c", subcore_axis_name="s"),
        compiler_params=pltpu.CompilerParams(use_tc_tiling_on_sc=tc_tiling),
        scratch_types=[
            pltpu.VMEM((NB, KC), jnp.int32),
            pltpu.VMEM((NB, KC), jnp.int32),
        ] + [pltpu.VMEM((KC, F), jnp.float32)] * NB + [
            pltpu.VMEM_SHARED((NP, F), jnp.float32),
        ] + [pltpu.SemaphoreType.DMA] * (4 * NB),
    )




def _make_scale_body(N, BN):
    def _scale_body(d0, d1, x, y, dinv):
        i = pl.program_id(0)
        deg = d0[...] + d1[...] + 1.0
        r = lax.rsqrt(deg)
        rows = i * BN + lax.broadcasted_iota(jnp.int32, (BN, 1), 0)
        y[...] = jnp.where(rows < N, x[...] * r, 0.0)
        dinv[...] = r
    return _scale_body


def _mm_body(p0, p1, y1, dinv, w1, b1, w2, z):
    agg = (p0[...][0] + p1[...][0] + y1[...]) * dinv[...]
    h = jnp.dot(agg, w1[...], preferred_element_type=jnp.float32) + b1[...]
    h = jnp.maximum(h, 0.0)
    z[...] = jnp.dot(h, w2[...], preferred_element_type=jnp.float32) * dinv[...]


def _out_body(q0, q1, z, dinv, b2, o):
    o[...] = (q0[...][0] + q1[...][0] + z[...]) * dinv[...] + b2[...]




def kernel(x, edge_index, W1, b1, W2, b2):
    N, Fin = x.shape
    H = W1.shape[1]
    C = W2.shape[1]
    E = edge_index.shape[1]

    NP = ((N + NS * 128 - 1) // (NS * 128)) * (NS * 128)
    K1 = 80
    EW = -(-E // (NW * 4 * K)) * 4 * K
    EP = NW * EW
    C1 = EW // K1
    CHUNKS = EW // K
    BN = 2048

    pad = EP - E
    padidx = N + (jnp.arange(pad, dtype=edge_index.dtype) & 127)
    srcp = jnp.concatenate([edge_index[0], padidx]).reshape(NW, EW)
    dstp = jnp.concatenate([edge_index[1], padidx]).reshape(NW, EW)
    src3 = srcp.reshape(NW, CHUNKS, K)
    dst3 = dstp.reshape(NW, CHUNKS, K)
    src3a = srcp.reshape(NW, C1, K1)
    dst3a = dstp.reshape(NW, C1, K1)
    rpt = NP // NS
    zrow = jnp.zeros((rpt,), jnp.float32)
    zrows1 = jnp.zeros((rpt, Fin), jnp.float32)
    zrows2 = jnp.zeros((rpt, C), jnp.float32)

    dp = _make_deg_kernel(NP, CHUNKS)(dst3, zrow)[:, None]
    grid = (NP // BN,)
    row = lambda i: (i, 0)
    nb = NP // BN
    y1, dinv = pl.pallas_call(
        _make_scale_body(N, BN),
        grid=grid,
        in_specs=[pl.BlockSpec((BN, 1), row),
                  pl.BlockSpec((BN, 1), lambda i: (i + nb, 0)),
                  pl.BlockSpec((BN, Fin), row)],
        out_specs=[pl.BlockSpec((BN, Fin), row), pl.BlockSpec((BN, 1), row)],
        out_shape=[jax.ShapeDtypeStruct((NP, Fin), jnp.float32),
                   jax.ShapeDtypeStruct((NP, 1), jnp.float32)],
    )(dp, dp, x)

    p = _make_agg_kernel(NP, Fin, C1, K1, True)(y1, src3a, dst3a, zrows1)

    full = lambda i: (0, 0)
    z = pl.pallas_call(
        _mm_body,
        grid=grid,
        in_specs=[pl.BlockSpec((1, BN, Fin), lambda i: (0, i, 0)),
                  pl.BlockSpec((1, BN, Fin), lambda i: (1, i, 0)),
                  pl.BlockSpec((BN, Fin), row), pl.BlockSpec((BN, 1), row),
                  pl.BlockSpec((Fin, H), full), pl.BlockSpec((1, H), full),
                  pl.BlockSpec((H, C), full)],
        out_specs=pl.BlockSpec((BN, C), row),
        out_shape=jax.ShapeDtypeStruct((NP, C), jnp.float32),
    )(p, p, y1, dinv, W1, b1.reshape(1, H), W2)

    q = _make_agg_kernel(NP, C, CHUNKS, K, False)(z, src3, dst3, zrows2)

    BO = 2000
    rowo = lambda i: (i, 0)
    out = pl.pallas_call(
        _out_body,
        grid=(N // BO,),
        in_specs=[pl.BlockSpec((1, BO, C), lambda i: (0, i, 0)),
                  pl.BlockSpec((1, BO, C), lambda i: (1, i, 0)),
                  pl.BlockSpec((BO, C), rowo), pl.BlockSpec((BO, 1), rowo),
                  pl.BlockSpec((1, C), full)],
        out_specs=pl.BlockSpec((BO, C), rowo),
        out_shape=jax.ShapeDtypeStruct((N, C), jnp.float32),
    )(q, q, z, dinv, b2.reshape(1, C))
    return out

# --- scband reference (transcript-rebuilt; emitter-appended) ---
"""Pipeline reference for scband-gcnsmall-12043088298516 (READ-ONLY COPY).

The authoritative reference and input builder live on the scoring server;
editing this copy changes nothing except your own understanding.
"""

import jax, jax.numpy as jnp
import numpy as np

N = 10000
E = 320000
F_IN = 128
H = 256
C = 16


def gcn_conv(x, edge_index, W, b):
    n = x.shape[0]
    loops = jnp.arange(n, dtype=edge_index.dtype)
    src = jnp.concatenate([edge_index[0], loops])
    dst = jnp.concatenate([edge_index[1], loops])
    deg = jax.ops.segment_sum(jnp.ones(src.shape[0], dtype=x.dtype), dst, num_segments=n)
    dinv = jnp.where(deg > 0, deg ** -0.5, 0.0)
    norm = dinv[src] * dinv[dst]
    xw = x @ W
    msg = xw[src] * norm[:, None]
    out = jnp.zeros((n, W.shape[1]), dtype=x.dtype).at[dst].add(msg)
    return out + b


def setup_inputs(seed: int = 0) -> dict:
    key = jax.random.key(seed)
    k1, k2, k3, k4 = jax.random.split(key, 4)
    x = jax.random.normal(k1, (N, F_IN), dtype=jnp.float32)
    edge_index = jax.random.randint(k2, (2, E), 0, N, dtype=jnp.int32)
    W1 = jax.random.normal(k3, (F_IN, H), dtype=jnp.float32) * 0.05
    b1 = jnp.zeros((H,), dtype=jnp.float32)
    W2 = jax.random.normal(k4, (H, C), dtype=jnp.float32) * 0.05
    b2 = jnp.zeros((C,), dtype=jnp.float32)
    return {"x": x, "edge_index": edge_index, "W1": W1, "b1": b1, "W2": W2, "b2": b2}


def reference(x, edge_index, W1, b1, W2, b2):
    h = gcn_conv(x, edge_index, W1, b1)
    h = jax.nn.relu(h)
    # F.dropout with training=False (eval mode) is identity
    out = gcn_conv(h, edge_index, W2, b2)
    return out

if __name__ == "__main__":
    import jax
    _d = setup_inputs()
    print(jax.jit(kernel)(*tuple(_d.values())))

</pallas_src>

<mosaic_0001>
#map = affine_map<(d0, d1) -> (0, 0)>
#map1 = affine_map<(d0, d1) -> (0, 0, 0)>
module attributes {stable_mosaic.version = 14 : i64} {
  func.func @body(%arg0: i32, %arg1: i32, %arg2: memref<10240x128xf32, #tpu.memory_space<hbm>>, %arg3: memref<32x128x80xi32, #tpu.memory_space<hbm>>, %arg4: memref<32x128x80xi32, #tpu.memory_space<hbm>>, %arg5: memref<640x128xf32, #tpu.memory_space<hbm>>, %arg6: memref<2x10240x128xf32, #tpu.memory_space<hbm>>, %arg7: memref<4x80xi32, #tpu.memory_space<vmem>>, %arg8: memref<4x80xi32, #tpu.memory_space<vmem>>, %arg9: memref<80x128xf32, #tpu.memory_space<vmem>>, %arg10: memref<80x128xf32, #tpu.memory_space<vmem>>, %arg11: memref<80x128xf32, #tpu.memory_space<vmem>>, %arg12: memref<80x128xf32, #tpu.memory_space<vmem>>, %arg13: memref<10240x128xf32, #tpu.memory_space<vmem_shared>>, %arg14: memref<!tpu.dma_semaphore, #tpu.memory_space<semaphore_mem>>, %arg15: memref<!tpu.dma_semaphore, #tpu.memory_space<semaphore_mem>>, %arg16: memref<!tpu.dma_semaphore, #tpu.memory_space<semaphore_mem>>, %arg17: memref<!tpu.dma_semaphore, #tpu.memory_space<semaphore_mem>>, %arg18: memref<!tpu.dma_semaphore, #tpu.memory_space<semaphore_mem>>, %arg19: memref<!tpu.dma_semaphore, #tpu.memory_space<semaphore_mem>>, %arg20: memref<!tpu.dma_semaphore, #tpu.memory_space<semaphore_mem>>, %arg21: memref<!tpu.dma_semaphore, #tpu.memory_space<semaphore_mem>>, %arg22: memref<!tpu.dma_semaphore, #tpu.memory_space<semaphore_mem>>, %arg23: memref<!tpu.dma_semaphore, #tpu.memory_space<semaphore_mem>>, %arg24: memref<!tpu.dma_semaphore, #tpu.memory_space<semaphore_mem>>, %arg25: memref<!tpu.dma_semaphore, #tpu.memory_space<semaphore_mem>>, %arg26: memref<!tpu.dma_semaphore, #tpu.memory_space<semaphore_mem>>, %arg27: memref<!tpu.dma_semaphore, #tpu.memory_space<semaphore_mem>>, %arg28: memref<!tpu.dma_semaphore, #tpu.memory_space<semaphore_mem>>, %arg29: memref<!tpu.dma_semaphore, #tpu.memory_space<semaphore_mem>>) attributes {dimension_semantics = [#tpu.dimension_semantics<core_parallel>, #tpu.dimension_semantics<subcore_parallel>], iteration_bounds = array<i64: 2, 16>, scalar_prefetch = 0 : i64, scratch_operands = 23 : i64, tpu.core_type = #tpu.core_type<sc_vector_subcore>, window_params = [{transform_indices = #map}, {transform_indices = #map1}, {transform_indices = #map1}, {transform_indices = #map}, {transform_indices = #map1}]} {
    %mul3A = arith.constant 2 : i32
    %mul3A_0 = arith.muli %arg1, %mul3A : i32
    %add3A = arith.addi %mul3A_0, %arg0 : i32
    %mul3A_1 = arith.constant 640 : i32
    %mul3A_2 = arith.muli %arg1, %mul3A_1 : i32
    "tpu.region"() ({
      %run_scoped3A = tpu.sem_alloc : memref<!tpu.dma_semaphore, #tpu.memory_space<semaphore_mem>>
      %dma_start3A_200 = arith.constant 0 : i32
      %dma_start3A_201 = tpu.memref_slice %arg13[%mul3A_2, %dma_start3A_200] : memref<10240x128xf32, #tpu.memory_space<vmem_shared>> -> memref<640x128xf32, #tpu.memory_space<vmem_shared>>
      tpu.enqueue_dma source(%arg5 : memref<640x128xf32, #tpu.memory_space<hbm>>) target(%dma_start3A_201 : memref<640x128xf32, #tpu.memory_space<vmem_shared>>) target_semaphore(%run_scoped3A : memref<!tpu.dma_semaphore, #tpu.memory_space<semaphore_mem>>)
      %dma_wait3A_202 = arith.constant 0 : i32
      %dma_wait3A_203 = tpu.memref_slice %arg13[%mul3A_2, %dma_wait3A_202] : memref<10240x128xf32, #tpu.memory_space<vmem_shared>> -> memref<640x128xf32, #tpu.memory_space<vmem_shared>>
      tpu.wait_dma2 semaphore(%run_scoped3A : memref<!tpu.dma_semaphore, #tpu.memory_space<semaphore_mem>>) src(%arg5 : memref<640x128xf32, #tpu.memory_space<hbm>>) dst(%dma_wait3A_203 : memref<640x128xf32, #tpu.memory_space<vmem_shared>>)
      tpu.yield
    }) : () -> ()
    %barrier3A = arith.constant 0 : index
    tpu.barrier barrier_id(%barrier3A)
    %dma_start3A = arith.constant 0 : i32
    %dma_start3A_3 = arith.constant 0 : i32
    %dma_start3A_4 = arith.constant 0 : i32
    %dma_start3A_5 = tpu.memref_slice %arg7[%dma_start3A_3, %dma_start3A_4] : memref<4x80xi32, #tpu.memory_space<vmem>> -> memref<1x80xi32, #tpu.memory_space<vmem>>
    %dma_start3A_6 = tpu.memref_squeeze %dma_start3A_5 : memref<1x80xi32, #tpu.memory_space<vmem>> -> memref<80xi32, #tpu.memory_space<vmem>>
    %dma_start3A_7 = arith.constant 0 : i32
    %dma_start3A_8 = tpu.memref_slice %arg3[%add3A, %dma_start3A, %dma_start3A_7] : memref<32x128x80xi32, #tpu.memory_space<hbm>> -> memref<1x1x80xi32, #tpu.memory_space<hbm>>
    %dma_start3A_9 = tpu.memref_squeeze %dma_start3A_8 : memref<1x1x80xi32, #tpu.memory_space<hbm>> -> memref<80xi32, #tpu.memory_space<hbm>>
    %dma_start3A_10 = arith.constant 0 : i32
    %dma_start3A_11 = tpu.memref_slice %arg7[%dma_start3A_3, %dma_start3A_10] : memref<4x80xi32, #tpu.memory_space<vmem>> -> memref<1x80xi32, #tpu.memory_space<vmem>>
    %dma_start3A_12 = tpu.memref_squeeze %dma_start3A_11 : memref<1x80xi32, #tpu.memory_space<vmem>> -> memref<80xi32, #tpu.memory_space<vmem>>
    %dma_start3A_13 = arith.constant 0 : i32
    %dma_start3A_14 = tpu.memref_slice %arg3[%add3A, %dma_start3A, %dma_start3A_13] : memref<32x128x80xi32, #tpu.memory_space<hbm>> -> memref<1x1x80xi32, #tpu.memory_space<hbm>>
    %dma_start3A_15 = tpu.memref_squeeze %dma_start3A_14 : memref<1x1x80xi32, #tpu.memory_space<hbm>> -> memref<80xi32, #tpu.memory_space<hbm>>
    tpu.enqueue_dma source(%dma_start3A_15 : memref<80xi32, #tpu.memory_space<hbm>>) target(%dma_start3A_12 : memref<80xi32, #tpu.memory_space<vmem>>) target_semaphore(%arg22 : memref<!tpu.dma_semaphore, #tpu.memory_space<semaphore_mem>>)
    %dma_start3A_16 = arith.constant 1 : i32
    %dma_start3A_17 = arith.constant 1 : i32
    %dma_start3A_18 = arith.constant 0 : i32
    %dma_start3A_19 = tpu.memref_slice %arg7[%dma_start3A_17, %dma_start3A_18] : memref<4x80xi32, #tpu.memory_space<vmem>> -> memref<1x80xi32, #tpu.memory_space<vmem>>
    %dma_start3A_20 = tpu.memref_squeeze %dma_start3A_19 : memref<1x80xi32, #tpu.memory_space<vmem>> -> memref<80xi32, #tpu.memory_space<vmem>>
    %dma_start3A_21 = arith.constant 0 : i32
    %dma_start3A_22 = tpu.memref_slice %arg3[%add3A, %dma_start3A_16, %dma_start3A_21] : memref<32x128x80xi32, #tpu.memory_space<hbm>> -> memref<1x1x80xi32, #tpu.memory_space<hbm>>
    %dma_start3A_23 = tpu.memref_squeeze %dma_start3A_22 : memref<1x1x80xi32, #tpu.memory_space<hbm>> -> memref<80xi32, #tpu.memory_space<hbm>>
    %dma_start3A_24 = arith.constant 0 : i32
    %dma_start3A_25 = tpu.memref_slice %arg7[%dma_start3A_17, %dma_start3A_24] : memref<4x80xi32, #tpu.memory_space<vmem>> -> memref<1x80xi32, #tpu.memory_space<vmem>>
    %dma_start3A_26 = tpu.memref_squeeze %dma_start3A_25 : memref<1x80xi32, #tpu.memory_space<vmem>> -> memref<80xi32, #tpu.memory_space<vmem>>
    %dma_start3A_27 = arith.constant 0 : i32
    %dma_start3A_28 = tpu.memref_slice %arg3[%add3A, %dma_start3A_16, %dma_start3A_27] : memref<32x128x80xi32, #tpu.memory_space<hbm>> -> memref<1x1x80xi32, #tpu.memory_space<hbm>>
    %dma_start3A_29 = tpu.memref_squeeze %dma_start3A_28 : memref<1x1x80xi32, #tpu.memory_space<hbm>> -> memref<80xi32, #tpu.memory_space<hbm>>
    tpu.enqueue_dma source(%dma_start3A_29 : memref<80xi32, #tpu.memory_space<hbm>>) target(%dma_start3A_26 : memref<80xi32, #tpu.memory_space<vmem>>) target_semaphore(%arg23 : memref<!tpu.dma_semaphore, #tpu.memory_space<semaphore_mem>>)
    %dma_start3A_30 = arith.constant 2 : i32
    %dma_start3A_31 = arith.constant 2 : i32
    %dma_start3A_32 = arith.constant 0 : i32
    %dma_start3A_33 = tpu.memref_slice %arg7[%dma_start3A_31, %dma_start3A_32] : memref<4x80xi32, #tpu.memory_space<vmem>> -> memref<1x80xi32, #tpu.memory_space<vmem>>
    %dma_start3A_34 = tpu.memref_squeeze %dma_start3A_33 : memref<1x80xi32, #tpu.memory_space<vmem>> -> memref<80xi32, #tpu.memory_space<vmem>>
    %dma_start3A_35 = arith.constant 0 : i32
    %dma_start3A_36 = tpu.memref_slice %arg3[%add3A, %dma_start3A_30, %dma_start3A_35] : memref<32x128x80xi32, #tpu.memory_space<hbm>> -> memref<1x1x80xi32, #tpu.memory_space<hbm>>
    %dma_start3A_37 = tpu.memref_squeeze %dma_start3A_36 : memref<1x1x80xi32, #tpu.memory_space<hbm>> -> memref<80xi32, #tpu.memory_space<hbm>>
    %dma_start3A_38 = arith.constant 0 : i32
    %dma_start3A_39 = tpu.memref_slice %arg7[%dma_start3A_31, %dma_start3A_38] : memref<4x80xi32, #tpu.memory_space<vmem>> -> memref<1x80xi32, #tpu.memory_space<vmem>>
    %dma_start3A_40 = tpu.memref_squeeze %dma_start3A_39 : memref<1x80xi32, #tpu.memory_space<vmem>> -> memref<80xi32, #tpu.memory_space<vmem>>
    %dma_start3A_41 = arith.constant 0 : i32
    %dma_start3A_42 = tpu.memref_slice %arg3[%add3A, %dma_start3A_30, %dma_start3A_41] : memref<32x128x80xi32, #tpu.memory_space<hbm>> -> memref<1x1x80xi32, #tpu.memory_space<hbm>>
    %dma_start3A_43 = tpu.memref_squeeze %dma_start3A_42 : memref<1x1x80xi32, #tpu.memory_space<hbm>> -> memref<80xi32, #tpu.memory_space<hbm>>
    tpu.enqueue_dma source(%dma_start3A_43 : memref<80xi32, #tpu.memory_space<hbm>>) target(%dma_start3A_40 : memref<80xi32, #tpu.memory_space<vmem>>) target_semaphore(%arg24 : memref<!tpu.dma_semaphore, #tpu.memory_space<semaphore_mem>>)
    %dma_start3A_44 = arith.constant 3 : i32
    %dma_start3A_45 = arith.constant 3 : i32
    %dma_start3A_46 = arith.constant 0 : i32
    %dma_start3A_47 = tpu.memref_slice %arg7[%dma_start3A_45, %dma_start3A_46] : memref<4x80xi32, #tpu.memory_space<vmem>> -> memref<1x80xi32, #tpu.memory_space<vmem>>
    %dma_start3A_48 = tpu.memref_squeeze %dma_start3A_47 : memref<1x80xi32, #tpu.memory_space<vmem>> -> memref<80xi32, #tpu.memory_space<vmem>>
    %dma_start3A_49 = arith.constant 0 : i32
    %dma_start3A_50 = tpu.memref_slice %arg3[%add3A, %dma_start3A_44, %dma_start3A_49] : memref<32x128x80xi32, #tpu.memory_space<hbm>> -> memref<1x1x80xi32, #tpu.memory_space<hbm>>
    %dma_start3A_51 = tpu.memref_squeeze %dma_start3A_50 : memref<1x1x80xi32, #tpu.memory_space<hbm>> -> memref<80xi32, #tpu.memory_space<hbm>>
    %dma_start3A_52 = arith.constant 0 : i32
    %dma_start3A_53 = tpu.memref_slice %arg7[%dma_start3A_45, %dma_start3A_52] : memref<4x80xi32, #tpu.memory_space<vmem>> -> memref<1x80xi32, #tpu.memory_space<vmem>>
    %dma_start3A_54 = tpu.memref_squeeze %dma_start3A_53 : memref<1x80xi32, #tpu.memory_space<vmem>> -> memref<80xi32, #tpu.memory_space<vmem>>
    %dma_start3A_55 = arith.constant 0 : i32
    %dma_start3A_56 = tpu.memref_slice %arg3[%add3A, %dma_start3A_44, %dma_start3A_55] : memref<32x128x80xi32, #tpu.memory_space<hbm>> -> memref<1x1x80xi32, #tpu.memory_space<hbm>>
    %dma_start3A_57 = tpu.memref_squeeze %dma_start3A_56 : memref<1x1x80xi32, #tpu.memory_space<hbm>> -> memref<80xi32, #tpu.memory_space<hbm>>
    tpu.enqueue_dma source(%dma_start3A_57 : memref<80xi32, #tpu.memory_space<hbm>>) target(%dma_start3A_54 : memref<80xi32, #tpu.memory_space<vmem>>) target_semaphore(%arg25 : memref<!tpu.dma_semaphore, #tpu.memory_space<semaphore_mem>>)
    %dma_start3A_58 = arith.constant 0 : i32
    %dma_start3A_59 = arith.constant 0 : i32
    %dma_start3A_60 = arith.constant 0 : i32
    %dma_start3A_61 = tpu.memref_slice %arg8[%dma_start3A_59, %dma_start3A_60] : memref<4x80xi32, #tpu.memory_space<vmem>> -> memref<1x80xi32, #tpu.memory_space<vmem>>
    %dma_start3A_62 = tpu.memref_squeeze %dma_start3A_61 : memref<1x80xi32, #tpu.memory_space<vmem>> -> memref<80xi32, #tpu.memory_space<vmem>>
    %dma_start3A_63 = arith.constant 0 : i32
    %dma_start3A_64 = tpu.memref_slice %arg4[%add3A, %dma_start3A_58, %dma_start3A_63] : memref<32x128x80xi32, #tpu.memory_space<hbm>> -> memref<1x1x80xi32, #tpu.memory_space<hbm>>
    %dma_start3A_65 = tpu.memref_squeeze %dma_start3A_64 : memref<1x1x80xi32, #tpu.memory_space<hbm>> -> memref<80xi32, #tpu.memory_space<hbm>>
    %dma_start3A_66 = arith.constant 0 : i32
    %dma_start3A_67 = tpu.memref_slice %arg8[%dma_start3A_59, %dma_start3A_66] : memref<4x80xi32, #tpu.memory_space<vmem>> -> memref<1x80xi32, #tpu.memory_space<vmem>>
    %dma_start3A_68 = tpu.memref_squeeze %dma_start3A_67 : memref<1x80xi32, #tpu.memory_space<vmem>> -> memref<80xi32, #tpu.memory_space<vmem>>
    %dma_start3A_69 = arith.constant 0 : i32
    %dma_start3A_70 = tpu.memref_slice %arg4[%add3A, %dma_start3A_58, %dma_start3A_69] : memref<32x128x80xi32, #tpu.memory_space<hbm>> -> memref<1x1x80xi32, #tpu.memory_space<hbm>>
    %dma_start3A_71 = tpu.memref_squeeze %dma_start3A_70 : memref<1x1x80xi32, #tpu.memory_space<hbm>> -> memref<80xi32, #tpu.memory_space<hbm>>
    tpu.enqueue_dma source(%dma_start3A_71 : memref<80xi32, #tpu.memory_space<hbm>>) target(%dma_start3A_68 : memref<80xi32, #tpu.memory_space<vmem>>) target_semaphore(%arg26 : memref<!tpu.dma_semaphore, #tpu.memory_space<semaphore_mem>>)
    %dma_start3A_72 = arith.constant 1 : i32
    %dma_start3A_73 = arith.constant 1 : i32
    %dma_start3A_74 = arith.constant 0 : i32
    %dma_start3A_75 = tpu.memref_slice %arg8[%dma_start3A_73, %dma_start3A_74] : memref<4x80xi32, #tpu.memory_space<vmem>> -> memref<1x80xi32, #tpu.memory_space<vmem>>
    %dma_start3A_76 = tpu.memref_squeeze %dma_start3A_75 : memref<1x80xi32, #tpu.memory_space<vmem>> -> memref<80xi32, #tpu.memory_space<vmem>>
    %dma_start3A_77 = arith.constant 0 : i32
    %dma_start3A_78 = tpu.memref_slice %arg4[%add3A, %dma_start3A_72, %dma_start3A_77] : memref<32x128x80xi32, #tpu.memory_space<hbm>> -> memref<1x1x80xi32, #tpu.memory_space<hbm>>
    %dma_start3A_79 = tpu.memref_squeeze %dma_start3A_78 : memref<1x1x80xi32, #tpu.memory_space<hbm>> -> memref<80xi32, #tpu.memory_space<hbm>>
    %dma_start3A_80 = arith.constant 0 : i32
    %dma_start3A_81 = tpu.memref_slice %arg8[%dma_start3A_73, %dma_start3A_80] : memref<4x80xi32, #tpu.memory_space<vmem>> -> memref<1x80xi32, #tpu.memory_space<vmem>>
    %dma_start3A_82 = tpu.memref_squeeze %dma_start3A_81 : memref<1x80xi32, #tpu.memory_space<vmem>> -> memref<80xi32, #tpu.memory_space<vmem>>
    %dma_start3A_83 = arith.constant 0 : i32
    %dma_start3A_84 = tpu.memref_slice %arg4[%add3A, %dma_start3A_72, %dma_start3A_83] : memref<32x128x80xi32, #tpu.memory_space<hbm>> -> memref<1x1x80xi32, #tpu.memory_space<hbm>>
    %dma_start3A_85 = tpu.memref_squeeze %dma_start3A_84 : memref<1x1x80xi32, #tpu.memory_space<hbm>> -> memref<80xi32, #tpu.memory_space<hbm>>
    tpu.enqueue_dma source(%dma_start3A_85 : memref<80xi32, #tpu.memory_space<hbm>>) target(%dma_start3A_82 : memref<80xi32, #tpu.memory_space<vmem>>) target_semaphore(%arg27 : memref<!tpu.dma_semaphore, #tpu.memory_space<semaphore_mem>>)
    %dma_start3A_86 = arith.constant 2 : i32
    %dma_start3A_87 = arith.constant 2 : i32
    %dma_start3A_88 = arith.constant 0 : i32
    %dma_start3A_89 = tpu.memref_slice %arg8[%dma_start3A_87, %dma_start3A_88] : memref<4x80xi32, #tpu.memory_space<vmem>> -> memref<1x80xi32, #tpu.memory_space<vmem>>
    %dma_start3A_90 = tpu.memref_squeeze %dma_start3A_89 : memref<1x80xi32, #tpu.memory_space<vmem>> -> memref<80xi32, #tpu.memory_space<vmem>>
    %dma_start3A_91 = arith.constant 0 : i32
    %dma_start3A_92 = tpu.memref_slice %arg4[%add3A, %dma_start3A_86, %dma_start3A_91] : memref<32x128x80xi32, #tpu.memory_space<hbm>> -> memref<1x1x80xi32, #tpu.memory_space<hbm>>
    %dma_start3A_93 = tpu.memref_squeeze %dma_start3A_92 : memref<1x1x80xi32, #tpu.memory_space<hbm>> -> memref<80xi32, #tpu.memory_space<hbm>>
    %dma_start3A_94 = arith.constant 0 : i32
    %dma_start3A_95 = tpu.memref_slice %arg8[%dma_start3A_87, %dma_start3A_94] : memref<4x80xi32, #tpu.memory_space<vmem>> -> memref<1x80xi32, #tpu.memory_space<vmem>>
    %dma_start3A_96 = tpu.memref_squeeze %dma_start3A_95 : memref<1x80xi32, #tpu.memory_space<vmem>> -> memref<80xi32, #tpu.memory_space<vmem>>
    %dma_start3A_97 = arith.constant 0 : i32
    %dma_start3A_98 = tpu.memref_slice %arg4[%add3A, %dma_start3A_86, %dma_start3A_97] : memref<32x128x80xi32, #tpu.memory_space<hbm>> -> memref<1x1x80xi32, #tpu.memory_space<hbm>>
    %dma_start3A_99 = tpu.memref_squeeze %dma_start3A_98 : memref<1x1x80xi32, #tpu.memory_space<hbm>> -> memref<80xi32, #tpu.memory_space<hbm>>
    tpu.enqueue_dma source(%dma_start3A_99 : memref<80xi32, #tpu.memory_space<hbm>>) target(%dma_start3A_96 : memref<80xi32, #tpu.memory_space<vmem>>) target_semaphore(%arg28 : memref<!tpu.dma_semaphore, #tpu.memory_space<semaphore_mem>>)
    %dma_wait3A = arith.constant 0 : i32
    %dma_wait3A_100 = arith.constant 0 : i32
    %dma_wait3A_101 = arith.constant 0 : i32
    %dma_wait3A_102 = tpu.memref_slice %arg7[%dma_wait3A_100, %dma_wait3A_101] : memref<4x80xi32, #tpu.memory_space<vmem>> -> memref<1x80xi32, #tpu.memory_space<vmem>>
    %dma_wait3A_103 = tpu.memref_squeeze %dma_wait3A_102 : memref<1x80xi32, #tpu.memory_space<vmem>> -> memref<80xi32, #tpu.memory_space<vmem>>
    %dma_wait3A_104 = arith.constant 0 : i32
    %dma_wait3A_105 = tpu.memref_slice %arg3[%add3A, %dma_wait3A, %dma_wait3A_104] : memref<32x128x80xi32, #tpu.memory_space<hbm>> -> memref<1x1x80xi32, #tpu.memory_space<hbm>>
    %dma_wait3A_106 = tpu.memref_squeeze %dma_wait3A_105 : memref<1x1x80xi32, #tpu.memory_space<hbm>> -> memref<80xi32, #tpu.memory_space<hbm>>
    %dma_wait3A_107 = arith.constant 0 : i32
    %dma_wait3A_108 = tpu.memref_slice %arg7[%dma_wait3A_100, %dma_wait3A_107] : memref<4x80xi32, #tpu.memory_space<vmem>> -> memref<1x80xi32, #tpu.memory_space<vmem>>
    %dma_wait3A_109 = tpu.memref_squeeze %dma_wait3A_108 : memref<1x80xi32, #tpu.memory_space<vmem>> -> memref<80xi32, #tpu.memory_space<vmem>>
    %dma_wait3A_110 = arith.constant 0 : i32
    %dma_wait3A_111 = tpu.memref_slice %arg3[%add3A, %dma_wait3A, %dma_wait3A_110] : memref<32x128x80xi32, #tpu.memory_space<hbm>> -> memref<1x1x80xi32, #tpu.memory_space<hbm>>
    %dma_wait3A_112 = tpu.memref_squeeze %dma_wait3A_111 : memref<1x1x80xi32, #tpu.memory_space<hbm>> -> memref<80xi32, #tpu.memory_space<hbm>>
    tpu.wait_dma2 semaphore(%arg22 : memref<!tpu.dma_semaphore, #tpu.memory_space<semaphore_mem>>) src(%dma_wait3A_112 : memref<80xi32, #tpu.memory_space<hbm>>) dst(%dma_wait3A_109 : memref<80xi32, #tpu.memory_space<vmem>>)
    %dma_start3A_113 = arith.constant 0 : i32
    %dma_start3A_114 = arith.constant 0 : i32
    %dma_start3A_115 = tpu.memref_slice %arg7[%dma_start3A_113, %dma_start3A_114] : memref<4x80xi32, #tpu.memory_space<vmem>> -> memref<1x80xi32, #tpu.memory_space<vmem>>
    %dma_start3A_116 = tpu.memref_squeeze %dma_start3A_115 : memref<1x80xi32, #tpu.memory_space<vmem>> -> memref<80xi32, #tpu.memory_space<vmem>>
    %dma_start3A_117 = arith.constant 0 : i32
    %dma_start3A_118 = arith.constant 0 : i32
    %dma_start3A_119 = tpu.memref_slice %arg2[%dma_start3A_117, %dma_start3A_118] : memref<10240x128xf32, #tpu.memory_space<hbm>> -> memref<10240x128xf32, #tpu.memory_space<hbm>>
    tpu.enqueue_indirect_dma source(%dma_start3A_119 : memref<10240x128xf32, #tpu.memory_space<hbm>>) target(%arg9 : memref<80x128xf32, #tpu.memory_space<vmem>>) offsets(%dma_start3A_116 : memref<80xi32, #tpu.memory_space<vmem>>) semaphore(%arg14 : memref<!tpu.dma_semaphore, #tpu.memory_space<semaphore_mem>>)
    %dma_wait3A_120 = arith.constant 1 : i32
    %dma_wait3A_121 = arith.constant 1 : i32
    %dma_wait3A_122 = arith.constant 0 : i32
    %dma_wait3A_123 = tpu.memref_slice %arg7[%dma_wait3A_121, %dma_wait3A_122] : memref<4x80xi32, #tpu.memory_space<vmem>> -> memref<1x80xi32, #tpu.memory_space<vmem>>
    %dma_wait3A_124 = tpu.memref_squeeze %dma_wait3A_123 : memref<1x80xi32, #tpu.memory_space<vmem>> -> memref<80xi32, #tpu.memory_space<vmem>>
    %dma_wait3A_125 = arith.constant 0 : i32
    %dma_wait3A_126 = tpu.memref_slice %arg3[%add3A, %dma_wait3A_120, %dma_wait3A_125] : memref<32x128x80xi32, #tpu.memory_space<hbm>> -> memref<1x1x80xi32, #tpu.memory_space<hbm>>
    %dma_wait3A_127 = tpu.memref_squeeze %dma_wait3A_126 : memref<1x1x80xi32, #tpu.memory_space<hbm>> -> memref<80xi32, #tpu.memory_space<hbm>>
    %dma_wait3A_128 = arith.constant 0 : i32
    %dma_wait3A_129 = tpu.memref_slice %arg7[%dma_wait3A_121, %dma_wait3A_128] : memref<4x80xi32, #tpu.memory_space<vmem>> -> memref<1x80xi32, #tpu.memory_space<vmem>>
    %dma_wait3A_130 = tpu.memref_squeeze %dma_wait3A_129 : memref<1x80xi32, #tpu.memory_space<vmem>> -> memref<80xi32, #tpu.memory_space<vmem>>
    %dma_wait3A_131 = arith.constant 0 : i32
    %dma_wait3A_132 = tpu.memref_slice %arg3[%add3A, %dma_wait3A_120, %dma_wait3A_131] : memref<32x128x80xi32, #tpu.memory_space<hbm>> -> memref<1x1x80xi32, #tpu.memory_space<hbm>>
    %dma_wait3A_133 = tpu.memref_squeeze %dma_wait3A_132 : memref<1x1x80xi32, #tpu.memory_space<hbm>> -> memref<80xi32, #tpu.memory_space<hbm>>
    tpu.wait_dma2 semaphore(%arg23 : memref<!tpu.dma_semaphore, #tpu.memory_space<semaphore_mem>>) src(%dma_wait3A_133 : memref<80xi32, #tpu.memory_space<hbm>>) dst(%dma_wait3A_130 : memref<80xi32, #tpu.memory_space<vmem>>)
    %dma_start3A_134 = arith.constant 1 : i32
    %dma_start3A_135 = arith.constant 0 : i32
    %dma_start3A_136 = tpu.memref_slice %arg7[%dma_start3A_134, %dma_start3A_135] : memref<4x80xi32, #tpu.memory_space<vmem>> -> memref<1x80xi32, #tpu.memory_space<vmem>>
    %dma_start3A_137 = tpu.memref_squeeze %dma_start3A_136 : memref<1x80xi32, #tpu.memory_space<vmem>> -> memref<80xi32, #tpu.memory_space<vmem>>
    %dma_start3A_138 = arith.constant 0 : i32
    %dma_start3A_139 = arith.constant 0 : i32
    %dma_start3A_140 = tpu.memref_slice %arg2[%dma_start3A_138, %dma_start3A_139] : memref<10240x128xf32, #tpu.memory_space<hbm>> -> memref<10240x128xf32, #tpu.memory_space<hbm>>
    tpu.enqueue_indirect_dma source(%dma_start3A_140 : memref<10240x128xf32, #tpu.memory_space<hbm>>) target(%arg10 : memref<80x128xf32, #tpu.memory_space<vmem>>) offsets(%dma_start3A_137 : memref<80xi32, #tpu.memory_space<vmem>>) semaphore(%arg15 : memref<!tpu.dma_semaphore, #tpu.memory_space<semaphore_mem>>)
    %dma_wait3A_141 = arith.constant 2 : i32
    %dma_wait3A_142 = arith.constant 2 : i32
    %dma_wait3A_143 = arith.constant 0 : i32
    %dma_wait3A_144 = tpu.memref_slice %arg7[%dma_wait3A_142, %dma_wait3A_143] : memref<4x80xi32, #tpu.memory_space<vmem>> -> memref<1x80xi32, #tpu.memory_space<vmem>>
    %dma_wait3A_145 = tpu.memref_squeeze %dma_wait3A_144 : memref<1x80xi32, #tpu.memory_space<vmem>> -> memref<80xi32, #tpu.memory_space<vmem>>
    %dma_wait3A_146 = arith.constant 0 : i32
    %dma_wait3A_147 = tpu.memref_slice %arg3[%add3A, %dma_wait3A_141, %dma_wait3A_146] : memref<32x128x80xi32, #tpu.memory_space<hbm>> -> memref<1x1x80xi32, #tpu.memory_space<hbm>>
    %dma_wait3A_148 = tpu.memref_squeeze %dma_wait3A_147 : memref<1x1x80xi32, #tpu.memory_space<hbm>> -> memref<80xi32, #tpu.memory_space<hbm>>
    %dma_wait3A_149 = arith.constant 0 : i32
    %dma_wait3A_150 = tpu.memref_slice %arg7[%dma_wait3A_142, %dma_wait3A_149] : memref<4x80xi32, #tpu.memory_space<vmem>> -> memref<1x80xi32, #tpu.memory_space<vmem>>
    %dma_wait3A_151 = tpu.memref_squeeze %dma_wait3A_150 : memref<1x80xi32, #tpu.memory_space<vmem>> -> memref<80xi32, #tpu.memory_space<vmem>>
    %dma_wait3A_152 = arith.constant 0 : i32
    %dma_wait3A_153 = tpu.memref_slice %arg3[%add3A, %dma_wait3A_141, %dma_wait3A_152] : memref<32x128x80xi32, #tpu.memory_space<hbm>> -> memref<1x1x80xi32, #tpu.memory_space<hbm>>
    %dma_wait3A_154 = tpu.memref_squeeze %dma_wait3A_153 : memref<1x1x80xi32, #tpu.memory_space<hbm>> -> memref<80xi32, #tpu.memory_space<hbm>>
    tpu.wait_dma2 semaphore(%arg24 : memref<!tpu.dma_semaphore, #tpu.memory_space<semaphore_mem>>) src(%dma_wait3A_154 : memref<80xi32, #tpu.memory_space<hbm>>) dst(%dma_wait3A_151 : memref<80xi32, #tpu.memory_space<vmem>>)
    %dma_start3A_155 = arith.constant 2 : i32
    %dma_start3A_156 = arith.constant 0 : i32
    %dma_start3A_157 = tpu.memref_slice %arg7[%dma_start3A_155, %dma_start3A_156] : memref<4x80xi32, #tpu.memory_space<vmem>> -> memref<1x80xi32, #tpu.memory_space<vmem>>
    %dma_start3A_158 = tpu.memref_squeeze %dma_start3A_157 : memref<1x80xi32, #tpu.memory_space<vmem>> -> memref<80xi32, #tpu.memory_space<vmem>>
    %dma_start3A_159 = arith.constant 0 : i32
    %dma_start3A_160 = arith.constant 0 : i32
    %dma_start3A_161 = tpu.memref_slice %arg2[%dma_start3A_159, %dma_start3A_160] : memref<10240x128xf32, #tpu.memory_space<hbm>> -> memref<10240x128xf32, #tpu.memory_space<hbm>>
    tpu.enqueue_indirect_dma source(%dma_start3A_161 : memref<10240x128xf32, #tpu.memory_space<hbm>>) target(%arg11 : memref<80x128xf32, #tpu.memory_space<vmem>>) offsets(%dma_start3A_158 : memref<80xi32, #tpu.memory_space<vmem>>) semaphore(%arg16 : memref<!tpu.dma_semaphore, #tpu.memory_space<semaphore_mem>>)
    %scan3A = arith.constant 0 : i32
    %scan3A_162 = arith.constant 0 : i32
    %scan3A_163 = arith.constant 32 : i32
    %scan3A_164 = arith.addi %scan3A_162, %scan3A_163 : i32
    %scan3A_165 = arith.constant 1 : i32
    scf.for %scan3A_200 = %scan3A_162 to %scan3A_164 step %scan3A_165  : i32 {
      %mul3A_201 = arith.constant 4 : i32
      %mul3A_202 = arith.muli %mul3A_201, %scan3A_200 : i32
      %add3A_203 = arith.constant 0 : i32
      %add3A_204 = arith.addi %mul3A_202, %add3A_203 : i32
      %dma_wait3A_205 = arith.constant 0 : i32
      %dma_wait3A_206 = arith.constant 0 : i32
      %dma_wait3A_207 = tpu.memref_slice %arg7[%dma_wait3A_205, %dma_wait3A_206] : memref<4x80xi32, #tpu.memory_space<vmem>> -> memref<1x80xi32, #tpu.memory_space<vmem>>
      %dma_wait3A_208 = tpu.memref_squeeze %dma_wait3A_207 : memref<1x80xi32, #tpu.memory_space<vmem>> -> memref<80xi32, #tpu.memory_space<vmem>>
      %dma_wait3A_209 = arith.constant 0 : i32
      %dma_wait3A_210 = arith.constant 0 : i32
      %dma_wait3A_211 = tpu.memref_slice %arg2[%dma_wait3A_209, %dma_wait3A_210] : memref<10240x128xf32, #tpu.memory_space<hbm>> -> memref<10240x128xf32, #tpu.memory_space<hbm>>
      tpu.wait_indirect_dma semaphore(%arg14 : memref<!tpu.dma_semaphore, #tpu.memory_space<semaphore_mem>>) src(%dma_wait3A_211 : memref<10240x128xf32, #tpu.memory_space<hbm>>) dst(%arg9 : memref<80x128xf32, #tpu.memory_space<vmem>>)
      %dma_wait3A_212 = arith.constant 0 : i32
      %dma_wait3A_213 = arith.constant 0 : i32
      %dma_wait3A_214 = tpu.memref_slice %arg8[%dma_wait3A_212, %dma_wait3A_213] : memref<4x80xi32, #tpu.memory_space<vmem>> -> memref<1x80xi32, #tpu.memory_space<vmem>>
      %dma_wait3A_215 = tpu.memref_squeeze %dma_wait3A_214 : memref<1x80xi32, #tpu.memory_space<vmem>> -> memref<80xi32, #tpu.memory_space<vmem>>
      %dma_wait3A_216 = arith.constant 0 : i32
      %dma_wait3A_217 = tpu.memref_slice %arg4[%add3A, %add3A_204, %dma_wait3A_216] : memref<32x128x80xi32, #tpu.memory_space<hbm>> -> memref<1x1x80xi32, #tpu.memory_space<hbm>>
      %dma_wait3A_218 = tpu.memref_squeeze %dma_wait3A_217 : memref<1x1x80xi32, #tpu.memory_space<hbm>> -> memref<80xi32, #tpu.memory_space<hbm>>
      %dma_wait3A_219 = arith.constant 0 : i32
      %dma_wait3A_220 = tpu.memref_slice %arg8[%dma_wait3A_212, %dma_wait3A_219] : memref<4x80xi32, #tpu.memory_space<vmem>> -> memref<1x80xi32, #tpu.memory_space<vmem>>
      %dma_wait3A_221 = tpu.memref_squeeze %dma_wait3A_220 : memref<1x80xi32, #tpu.memory_space<vmem>> -> memref<80xi32, #tpu.memory_space<vmem>>
      %dma_wait3A_222 = arith.constant 0 : i32
      %dma_wait3A_223 = tpu.memref_slice %arg4[%add3A, %add3A_204, %dma_wait3A_222] : memref<32x128x80xi32, #tpu.memory_space<hbm>> -> memref<1x1x80xi32, #tpu.memory_space<hbm>>
      %dma_wait3A_224 = tpu.memref_squeeze %dma_wait3A_223 : memref<1x1x80xi32, #tpu.memory_space<hbm>> -> memref<80xi32, #tpu.memory_space<hbm>>
      tpu.wait_dma2 semaphore(%arg26 : memref<!tpu.dma_semaphore, #tpu.memory_space<semaphore_mem>>) src(%dma_wait3A_224 : memref<80xi32, #tpu.memory_space<hbm>>) dst(%dma_wait3A_221 : memref<80xi32, #tpu.memory_space<vmem>>)
      %dma_start3A_225 = arith.constant 0 : i32
      %dma_start3A_226 = arith.constant 0 : i32
      %dma_start3A_227 = tpu.memref_slice %arg8[%dma_start3A_225, %dma_start3A_226] : memref<4x80xi32, #tpu.memory_space<vmem>> -> memref<1x80xi32, #tpu.memory_space<vmem>>
      %dma_start3A_228 = tpu.memref_squeeze %dma_start3A_227 : memref<1x80xi32, #tpu.memory_space<vmem>> -> memref<80xi32, #tpu.memory_space<vmem>>
      %dma_start3A_229 = arith.constant 0 : i32
      %dma_start3A_230 = arith.constant 0 : i32
      %dma_start3A_231 = tpu.memref_slice %arg13[%dma_start3A_229, %dma_start3A_230] : memref<10240x128xf32, #tpu.memory_space<vmem_shared>> -> memref<10240x128xf32, #tpu.memory_space<vmem_shared>>
      tpu.enqueue_indirect_dma source(%arg9 : memref<80x128xf32, #tpu.memory_space<vmem>>) target(%dma_start3A_231 : memref<10240x128xf32, #tpu.memory_space<vmem_shared>>) offsets(%dma_start3A_228 : memref<80xi32, #tpu.memory_space<vmem>>) semaphore(%arg18 : memref<!tpu.dma_semaphore, #tpu.memory_space<semaphore_mem>>) {add = true}
      %lt3A = arith.constant 31 : i32
      %lt3A_232 = arith.cmpi slt, %scan3A_200, %lt3A : i32
      %convert_element_type3A = arith.extui %lt3A_232 : i1 to i32
      %cond3A = arith.constant 0 : i32
      %cond3A_233 = arith.cmpi ne, %convert_element_type3A, %cond3A : i32
      scf.if %cond3A_233 {
        %add3A_401 = arith.constant 4 : i32
        %add3A_402 = arith.addi %add3A_204, %add3A_401 : i32
        %dma_start3A_403 = arith.constant 0 : i32
        %dma_start3A_404 = arith.constant 0 : i32
        %dma_start3A_405 = tpu.memref_slice %arg7[%dma_start3A_403, %dma_start3A_404] : memref<4x80xi32, #tpu.memory_space<vmem>> -> memref<1x80xi32, #tpu.memory_space<vmem>>
        %dma_start3A_406 = tpu.memref_squeeze %dma_start3A_405 : memref<1x80xi32, #tpu.memory_space<vmem>> -> memref<80xi32, #tpu.memory_space<vmem>>
        %dma_start3A_407 = arith.constant 0 : i32
        %dma_start3A_408 = tpu.memref_slice %arg3[%add3A, %add3A_402, %dma_start3A_407] : memref<32x128x80xi32, #tpu.memory_space<hbm>> -> memref<1x1x80xi32, #tpu.memory_space<hbm>>
        %dma_start3A_409 = tpu.memref_squeeze %dma_start3A_408 : memref<1x1x80xi32, #tpu.memory_space<hbm>> -> memref<80xi32, #tpu.memory_space<hbm>>
        %dma_start3A_410 = arith.constant 0 : i32
        %dma_start3A_411 = tpu.memref_slice %arg7[%dma_start3A_403, %dma_start3A_410] : memref<4x80xi32, #tpu.memory_space<vmem>> -> memref<1x80xi32, #tpu.memory_space<vmem>>
        %dma_start3A_412 = tpu.memref_squeeze %dma_start3A_411 : memref<1x80xi32, #tpu.memory_space<vmem>> -> memref<80xi32, #tpu.memory_space<vmem>>
        %dma_start3A_413 = arith.constant 0 : i32
        %dma_start3A_414 = tpu.memref_slice %arg3[%add3A, %add3A_402, %dma_start3A_413] : memref<32x128x80xi32, #tpu.memory_space<hbm>> -> memref<1x1x80xi32, #tpu.memory_space<hbm>>
        %dma_start3A_415 = tpu.memref_squeeze %dma_start3A_414 : memref<1x1x80xi32, #tpu.memory_space<hbm>> -> memref<80xi32, #tpu.memory_space<hbm>>
        tpu.enqueue_dma source(%dma_start3A_415 : memref<80xi32, #tpu.memory_space<hbm>>) target(%dma_start3A_412 : memref<80xi32, #tpu.memory_space<vmem>>) target_semaphore(%arg22 : memref<!tpu.dma_semaphore, #tpu.memory_space<semaphore_mem>>)
      } else {
      }
      %gt3A = arith.constant 0 : i32
      %gt3A_234 = arith.cmpi sgt, %scan3A_200, %gt3A : i32
      %convert_element_type3A_235 = arith.extui %gt3A_234 : i1 to i32
      %cond3A_236 = arith.constant 0 : i32
      %cond3A_237 = arith.cmpi ne, %convert_element_type3A_235, %cond3A_236 : i32
      scf.if %cond3A_237 {
        %dma_wait3A_401 = arith.constant 3 : i32
        %dma_wait3A_402 = arith.constant 0 : i32
        %dma_wait3A_403 = tpu.memref_slice %arg8[%dma_wait3A_401, %dma_wait3A_402] : memref<4x80xi32, #tpu.memory_space<vmem>> -> memref<1x80xi32, #tpu.memory_space<vmem>>
        %dma_wait3A_404 = tpu.memref_squeeze %dma_wait3A_403 : memref<1x80xi32, #tpu.memory_space<vmem>> -> memref<80xi32, #tpu.memory_space<vmem>>
        %dma_wait3A_405 = arith.constant 0 : i32
        %dma_wait3A_406 = arith.constant 0 : i32
        %dma_wait3A_407 = tpu.memref_slice %arg13[%dma_wait3A_405, %dma_wait3A_406] : memref<10240x128xf32, #tpu.memory_space<vmem_shared>> -> memref<10240x128xf32, #tpu.memory_space<vmem_shared>>
        tpu.wait_indirect_dma semaphore(%arg21 : memref<!tpu.dma_semaphore, #tpu.memory_space<semaphore_mem>>) src(%arg12 : memref<80x128xf32, #tpu.memory_space<vmem>>) dst(%dma_wait3A_407 : memref<10240x128xf32, #tpu.memory_space<vmem_shared>>)
      } else {
      }
      %add3A_238 = arith.constant 4 : i32
      %add3A_239 = arith.addi %add3A_204, %add3A_238 : i32
      %sub3A = arith.constant 1 : i32
      %sub3A_240 = arith.subi %add3A_239, %sub3A : i32
      %dma_start3A_241 = arith.constant 3 : i32
      %dma_start3A_242 = arith.constant 0 : i32
      %dma_start3A_243 = tpu.memref_slice %arg8[%dma_start3A_241, %dma_start3A_242] : memref<4x80xi32, #tpu.memory_space<vmem>> -> memref<1x80xi32, #tpu.memory_space<vmem>>
      %dma_start3A_244 = tpu.memref_squeeze %dma_start3A_243 : memref<1x80xi32, #tpu.memory_space<vmem>> -> memref<80xi32, #tpu.memory_space<vmem>>
      %dma_start3A_245 = arith.constant 0 : i32
      %dma_start3A_246 = tpu.memref_slice %arg4[%add3A, %sub3A_240, %dma_start3A_245] : memref<32x128x80xi32, #tpu.memory_space<hbm>> -> memref<1x1x80xi32, #tpu.memory_space<hbm>>
      %dma_start3A_247 = tpu.memref_squeeze %dma_start3A_246 : memref<1x1x80xi32, #tpu.memory_space<hbm>> -> memref<80xi32, #tpu.memory_space<hbm>>
      %dma_start3A_248 = arith.constant 0 : i32
      %dma_start3A_249 = tpu.memref_slice %arg8[%dma_start3A_241, %dma_start3A_248] : memref<4x80xi32, #tpu.memory_space<vmem>> -> memref<1x80xi32, #tpu.memory_space<vmem>>
      %dma_start3A_250 = tpu.memref_squeeze %dma_start3A_249 : memref<1x80xi32, #tpu.memory_space<vmem>> -> memref<80xi32, #tpu.memory_space<vmem>>
      %dma_start3A_251 = arith.constant 0 : i32
      %dma_start3A_252 = tpu.memref_slice %arg4[%add3A, %sub3A_240, %dma_start3A_251] : memref<32x128x80xi32, #tpu.memory_space<hbm>> -> memref<1x1x80xi32, #tpu.memory_space<hbm>>
      %dma_start3A_253 = tpu.memref_squeeze %dma_start3A_252 : memref<1x1x80xi32, #tpu.memory_space<hbm>> -> memref<80xi32, #tpu.memory_space<hbm>>
      tpu.enqueue_dma source(%dma_start3A_253 : memref<80xi32, #tpu.memory_space<hbm>>) target(%dma_start3A_250 : memref<80xi32, #tpu.memory_space<vmem>>) target_semaphore(%arg29 : memref<!tpu.dma_semaphore, #tpu.memory_space<semaphore_mem>>)
      %add3A_254 = arith.constant 4 : i32
      %add3A_255 = arith.addi %add3A_204, %add3A_254 : i32
      %sub3A_256 = arith.constant 1 : i32
      %sub3A_257 = arith.subi %add3A_255, %sub3A_256 : i32
      %dma_wait3A_258 = arith.constant 3 : i32
      %dma_wait3A_259 = arith.constant 0 : i32
      %dma_wait3A_260 = tpu.memref_slice %arg7[%dma_wait3A_258, %dma_wait3A_259] : memref<4x80xi32, #tpu.memory_space<vmem>> -> memref<1x80xi32, #tpu.memory_space<vmem>>
      %dma_wait3A_261 = tpu.memref_squeeze %dma_wait3A_260 : memref<1x80xi32, #tpu.memory_space<vmem>> -> memref<80xi32, #tpu.memory_space<vmem>>
      %dma_wait3A_262 = arith.constant 0 : i32
      %dma_wait3A_263 = tpu.memref_slice %arg3[%add3A, %sub3A_257, %dma_wait3A_262] : memref<32x128x80xi32, #tpu.memory_space<hbm>> -> memref<1x1x80xi32, #tpu.memory_space<hbm>>
      %dma_wait3A_264 = tpu.memref_squeeze %dma_wait3A_263 : memref<1x1x80xi32, #tpu.memory_space<hbm>> -> memref<80xi32, #tpu.memory_space<hbm>>
      %dma_wait3A_265 = arith.constant 0 : i32
      %dma_wait3A_266 = tpu.memref_slice %arg7[%dma_wait3A_258, %dma_wait3A_265] : memref<4x80xi32, #tpu.memory_space<vmem>> -> memref<1x80xi32, #tpu.memory_space<vmem>>
      %dma_wait3A_267 = tpu.memref_squeeze %dma_wait3A_266 : memref<1x80xi32, #tpu.memory_space<vmem>> -> memref<80xi32, #tpu.memory_space<vmem>>
      %dma_wait3A_268 = arith.constant 0 : i32
      %dma_wait3A_269 = tpu.memref_slice %arg3[%add3A, %sub3A_257, %dma_wait3A_268] : memref<32x128x80xi32, #tpu.memory_space<hbm>> -> memref<1x1x80xi32, #tpu.memory_space<hbm>>
      %dma_wait3A_270 = tpu.memref_squeeze %dma_wait3A_269 : memref<1x1x80xi32, #tpu.memory_space<hbm>> -> memref<80xi32, #tpu.memory_space<hbm>>
      tpu.wait_dma2 semaphore(%arg25 : memref<!tpu.dma_semaphore, #tpu.memory_space<semaphore_mem>>) src(%dma_wait3A_270 : memref<80xi32, #tpu.memory_space<hbm>>) dst(%dma_wait3A_267 : memref<80xi32, #tpu.memory_space<vmem>>)
      %dma_start3A_271 = arith.constant 3 : i32
      %dma_start3A_272 = arith.constant 0 : i32
      %dma_start3A_273 = tpu.memref_slice %arg7[%dma_start3A_271, %dma_start3A_272] : memref<4x80xi32, #tpu.memory_space<vmem>> -> memref<1x80xi32, #tpu.memory_space<vmem>>
      %dma_start3A_274 = tpu.memref_squeeze %dma_start3A_273 : memref<1x80xi32, #tpu.memory_space<vmem>> -> memref<80xi32, #tpu.memory_space<vmem>>
      %dma_start3A_275 = arith.constant 0 : i32
      %dma_start3A_276 = arith.constant 0 : i32
      %dma_start3A_277 = tpu.memref_slice %arg2[%dma_start3A_275, %dma_start3A_276] : memref<10240x128xf32, #tpu.memory_space<hbm>> -> memref<10240x128xf32, #tpu.memory_space<hbm>>
      tpu.enqueue_indirect_dma source(%dma_start3A_277 : memref<10240x128xf32, #tpu.memory_space<hbm>>) target(%arg12 : memref<80x128xf32, #tpu.memory_space<vmem>>) offsets(%dma_start3A_274 : memref<80xi32, #tpu.memory_space<vmem>>) semaphore(%arg17 : memref<!tpu.dma_semaphore, #tpu.memory_space<semaphore_mem>>)
      %mul3A_278 = arith.constant 4 : i32
      %mul3A_279 = arith.muli %mul3A_278, %scan3A_200 : i32
      %add3A_280 = arith.constant 1 : i32
      %add3A_281 = arith.addi %mul3A_279, %add3A_280 : i32
      %dma_wait3A_282 = arith.constant 1 : i32
      %dma_wait3A_283 = arith.constant 0 : i32
      %dma_wait3A_284 = tpu.memref_slice %arg7[%dma_wait3A_282, %dma_wait3A_283] : memref<4x80xi32, #tpu.memory_space<vmem>> -> memref<1x80xi32, #tpu.memory_space<vmem>>
      %dma_wait3A_285 = tpu.memref_squeeze %dma_wait3A_284 : memref<1x80xi32, #tpu.memory_space<vmem>> -> memref<80xi32, #tpu.memory_space<vmem>>
      %dma_wait3A_286 = arith.constant 0 : i32
      %dma_wait3A_287 = arith.constant 0 : i32
      %dma_wait3A_288 = tpu.memref_slice %arg2[%dma_wait3A_286, %dma_wait3A_287] : memref<10240x128xf32, #tpu.memory_space<hbm>> -> memref<10240x128xf32, #tpu.memory_space<hbm>>
      tpu.wait_indirect_dma semaphore(%arg15 : memref<!tpu.dma_semaphore, #tpu.memory_space<semaphore_mem>>) src(%dma_wait3A_288 : memref<10240x128xf32, #tpu.memory_space<hbm>>) dst(%arg10 : memref<80x128xf32, #tpu.memory_space<vmem>>)
      %dma_wait3A_289 = arith.constant 1 : i32
      %dma_wait3A_290 = arith.constant 0 : i32
      %dma_wait3A_291 = tpu.memref_slice %arg8[%dma_wait3A_289, %dma_wait3A_290] : memref<4x80xi32, #tpu.memory_space<vmem>> -> memref<1x80xi32, #tpu.memory_space<vmem>>
      %dma_wait3A_292 = tpu.memref_squeeze %dma_wait3A_291 : memref<1x80xi32, #tpu.memory_space<vmem>> -> memref<80xi32, #tpu.memory_space<vmem>>
      %dma_wait3A_293 = arith.constant 0 : i32
      %dma_wait3A_294 = tpu.memref_slice %arg4[%add3A, %add3A_281, %dma_wait3A_293] : memref<32x128x80xi32, #tpu.memory_space<hbm>> -> memref<1x1x80xi32, #tpu.memory_space<hbm>>
      %dma_wait3A_295 = tpu.memref_squeeze %dma_wait3A_294 : memref<1x1x80xi32, #tpu.memory_space<hbm>> -> memref<80xi32, #tpu.memory_space<hbm>>
      %dma_wait3A_296 = arith.constant 0 : i32
      %dma_wait3A_297 = tpu.memref_slice %arg8[%dma_wait3A_289, %dma_wait3A_296] : memref<4x80xi32, #tpu.memory_space<vmem>> -> memref<1x80xi32, #tpu.memory_space<vmem>>
      %dma_wait3A_298 = tpu.memref_squeeze %dma_wait3A_297 : memref<1x80xi32, #tpu.memory_space<vmem>> -> memref<80xi32, #tpu.memory_space<vmem>>
      %dma_wait3A_299 = arith.constant 0 : i32
      %dma_wait3A_300 = tpu.memref_slice %arg4[%add3A, %add3A_281, %dma_wait3A_299] : memref<32x128x80xi32, #tpu.memory_space<hbm>> -> memref<1x1x80xi32, #tpu.memory_space<hbm>>
      %dma_wait3A_301 = tpu.memref_squeeze %dma_wait3A_300 : memref<1x1x80xi32, #tpu.memory_space<hbm>> -> memref<80xi32, #tpu.memory_space<hbm>>
      tpu.wait_dma2 semaphore(%arg27 : memref<!tpu.dma_semaphore, #tpu.memory_space<semaphore_mem>>) src(%dma_wait3A_301 : memref<80xi32, #tpu.memory_space<hbm>>) dst(%dma_wait3A_298 : memref<80xi32, #tpu.memory_space<vmem>>)
      %dma_start3A_302 = arith.constant 1 : i32
      %dma_start3A_303 = arith.constant 0 : i32
      %dma_start3A_304 = tpu.memref_slice %arg8[%dma_start3A_302, %dma_start3A_303] : memref<4x80xi32, #tpu.memory_space<vmem>> -> memref<1x80xi32, #tpu.memory_space<vmem>>
      %dma_start3A_305 = tpu.memref_squeeze %dma_start3A_304 : memref<1x80xi32, #tpu.memory_space<vmem>> -> memref<80xi32, #tpu.memory_space<vmem>>
      %dma_start3A_306 = arith.constant 0 : i32
      %dma_start3A_307 = arith.constant 0 : i32
      %dma_start3A_308 = tpu.memref_slice %arg13[%dma_start3A_306, %dma_start3A_307] : memref<10240x128xf32, #tpu.memory_space<vmem_shared>> -> memref<10240x128xf32, #tpu.memory_space<vmem_shared>>
      tpu.enqueue_indirect_dma source(%arg10 : memref<80x128xf32, #tpu.memory_space<vmem>>) target(%dma_start3A_308 : memref<10240x128xf32, #tpu.memory_space<vmem_shared>>) offsets(%dma_start3A_305 : memref<80xi32, #tpu.memory_space<vmem>>) semaphore(%arg19 : memref<!tpu.dma_semaphore, #tpu.memory_space<semaphore_mem>>) {add = true}
      %lt3A_309 = arith.constant 31 : i32
      %lt3A_310 = arith.cmpi slt, %scan3A_200, %lt3A_309 : i32
      %convert_element_type3A_311 = arith.extui %lt3A_310 : i1 to i32
      %cond3A_312 = arith.constant 0 : i32
      %cond3A_313 = arith.cmpi ne, %convert_element_type3A_311, %cond3A_312 : i32
      scf.if %cond3A_313 {
        %add3A_401 = arith.constant 4 : i32
        %add3A_402 = arith.addi %add3A_281, %add3A_401 : i32
        %dma_start3A_403 = arith.constant 1 : i32
        %dma_start3A_404 = arith.constant 0 : i32
        %dma_start3A_405 = tpu.memref_slice %arg7[%dma_start3A_403, %dma_start3A_404] : memref<4x80xi32, #tpu.memory_space<vmem>> -> memref<1x80xi32, #tpu.memory_space<vmem>>
        %dma_start3A_406 = tpu.memref_squeeze %dma_start3A_405 : memref<1x80xi32, #tpu.memory_space<vmem>> -> memref<80xi32, #tpu.memory_space<vmem>>
        %dma_start3A_407 = arith.constant 0 : i32
        %dma_start3A_408 = tpu.memref_slice %arg3[%add3A, %add3A_402, %dma_start3A_407] : memref<32x128x80xi32, #tpu.memory_space<hbm>> -> memref<1x1x80xi32, #tpu.memory_space<hbm>>
        %dma_start3A_409 = tpu.memref_squeeze %dma_start3A_408 : memref<1x1x80xi32, #tpu.memory_space<hbm>> -> memref<80xi32, #tpu.memory_space<hbm>>
        %dma_start3A_410 = arith.constant 0 : i32
        %dma_start3A_411 = tpu.memref_slice %arg7[%dma_start3A_403, %dma_start3A_410] : memref<4x80xi32, #tpu.memory_space<vmem>> -> memref<1x80xi32, #tpu.memory_space<vmem>>
        %dma_start3A_412 = tpu.memref_squeeze %dma_start3A_411 : memref<1x80xi32, #tpu.memory_space<vmem>> -> memref<80xi32, #tpu.memory_space<vmem>>
        %dma_start3A_413 = arith.constant 0 : i32
        %dma_start3A_414 = tpu.memref_slice %arg3[%add3A, %add3A_402, %dma_start3A_413] : memref<32x128x80xi32, #tpu.memory_space<hbm>> -> memref<1x1x80xi32, #tpu.memory_space<hbm>>
        %dma_start3A_415 = tpu.memref_squeeze %dma_start3A_414 : memref<1x1x80xi32, #tpu.memory_space<hbm>> -> memref<80xi32, #tpu.memory_space<hbm>>
        tpu.enqueue_dma source(%dma_start3A_415 : memref<80xi32, #tpu.memory_space<hbm>>) target(%dma_start3A_412 : memref<80xi32, #tpu.memory_space<vmem>>) target_semaphore(%arg23 : memref<!tpu.dma_semaphore, #tpu.memory_space<semaphore_mem>>)
      } else {
      }
      %lt3A_314 = arith.constant 31 : i32
      %lt3A_315 = arith.cmpi slt, %scan3A_200, %lt3A_314 : i32
      %convert_element_type3A_316 = arith.extui %lt3A_315 : i1 to i32
      %cond3A_317 = arith.constant 0 : i32
      %cond3A_318 = arith.cmpi ne, %convert_element_type3A_316, %cond3A_317 : i32
      scf.if %cond3A_318 {
        %dma_wait3A_401 = arith.constant 0 : i32
        %dma_wait3A_402 = arith.constant 0 : i32
        %dma_wait3A_403 = tpu.memref_slice %arg8[%dma_wait3A_401, %dma_wait3A_402] : memref<4x80xi32, #tpu.memory_space<vmem>> -> memref<1x80xi32, #tpu.memory_space<vmem>>
        %dma_wait3A_404 = tpu.memref_squeeze %dma_wait3A_403 : memref<1x80xi32, #tpu.memory_space<vmem>> -> memref<80xi32, #tpu.memory_space<vmem>>
        %dma_wait3A_405 = arith.constant 0 : i32
        %dma_wait3A_406 = arith.constant 0 : i32
        %dma_wait3A_407 = tpu.memref_slice %arg13[%dma_wait3A_405, %dma_wait3A_406] : memref<10240x128xf32, #tpu.memory_space<vmem_shared>> -> memref<10240x128xf32, #tpu.memory_space<vmem_shared>>
        tpu.wait_indirect_dma semaphore(%arg18 : memref<!tpu.dma_semaphore, #tpu.memory_space<semaphore_mem>>) src(%arg9 : memref<80x128xf32, #tpu.memory_space<vmem>>) dst(%dma_wait3A_407 : memref<10240x128xf32, #tpu.memory_space<vmem_shared>>)
        %add3A_408 = arith.constant 4 : i32
        %add3A_409 = arith.addi %add3A_281, %add3A_408 : i32
        %sub3A_410 = arith.constant 1 : i32
        %sub3A_411 = arith.subi %add3A_409, %sub3A_410 : i32
        %dma_start3A_412 = arith.constant 0 : i32
        %dma_start3A_413 = arith.constant 0 : i32
        %dma_start3A_414 = tpu.memref_slice %arg8[%dma_start3A_412, %dma_start3A_413] : memref<4x80xi32, #tpu.memory_space<vmem>> -> memref<1x80xi32, #tpu.memory_space<vmem>>
        %dma_start3A_415 = tpu.memref_squeeze %dma_start3A_414 : memref<1x80xi32, #tpu.memory_space<vmem>> -> memref<80xi32, #tpu.memory_space<vmem>>
        %dma_start3A_416 = arith.constant 0 : i32
        %dma_start3A_417 = tpu.memref_slice %arg4[%add3A, %sub3A_411, %dma_start3A_416] : memref<32x128x80xi32, #tpu.memory_space<hbm>> -> memref<1x1x80xi32, #tpu.memory_space<hbm>>
        %dma_start3A_418 = tpu.memref_squeeze %dma_start3A_417 : memref<1x1x80xi32, #tpu.memory_space<hbm>> -> memref<80xi32, #tpu.memory_space<hbm>>
        %dma_start3A_419 = arith.constant 0 : i32
        %dma_start3A_420 = tpu.memref_slice %arg8[%dma_start3A_412, %dma_start3A_419] : memref<4x80xi32, #tpu.memory_space<vmem>> -> memref<1x80xi32, #tpu.memory_space<vmem>>
        %dma_start3A_421 = tpu.memref_squeeze %dma_start3A_420 : memref<1x80xi32, #tpu.memory_space<vmem>> -> memref<80xi32, #tpu.memory_space<vmem>>
        %dma_start3A_422 = arith.constant 0 : i32
        %dma_start3A_423 = tpu.memref_slice %arg4[%add3A, %sub3A_411, %dma_start3A_422] : memref<32x128x80xi32, #tpu.memory_space<hbm>> -> memref<1x1x80xi32, #tpu.memory_space<hbm>>
        %dma_start3A_424 = tpu.memref_squeeze %dma_start3A_423 : memref<1x1x80xi32, #tpu.memory_space<hbm>> -> memref<80xi32, #tpu.memory_space<hbm>>
        tpu.enqueue_dma source(%dma_start3A_424 : memref<80xi32, #tpu.memory_space<hbm>>) target(%dma_start3A_421 : memref<80xi32, #tpu.memory_space<vmem>>) target_semaphore(%arg26 : memref<!tpu.dma_semaphore, #tpu.memory_space<semaphore_mem>>)
        %add3A_425 = arith.constant 4 : i32
        %add3A_426 = arith.addi %add3A_281, %add3A_425 : i32
        %sub3A_427 = arith.constant 1 : i32
        %sub3A_428 = arith.subi %add3A_426, %sub3A_427 : i32
        %dma_wait3A_429 = arith.constant 0 : i32
        %dma_wait3A_430 = arith.constant 0 : i32
        %dma_wait3A_431 = tpu.memref_slice %arg7[%dma_wait3A_429, %dma_wait3A_430] : memref<4x80xi32, #tpu.memory_space<vmem>> -> memref<1x80xi32, #tpu.memory_space<vmem>>
        %dma_wait3A_432 = tpu.memref_squeeze %dma_wait3A_431 : memref<1x80xi32, #tpu.memory_space<vmem>> -> memref<80xi32, #tpu.memory_space<vmem>>
        %dma_wait3A_433 = arith.constant 0 : i32
        %dma_wait3A_434 = tpu.memref_slice %arg3[%add3A, %sub3A_428, %dma_wait3A_433] : memref<32x128x80xi32, #tpu.memory_space<hbm>> -> memref<1x1x80xi32, #tpu.memory_space<hbm>>
        %dma_wait3A_435 = tpu.memref_squeeze %dma_wait3A_434 : memref<1x1x80xi32, #tpu.memory_space<hbm>> -> memref<80xi32, #tpu.memory_space<hbm>>
        %dma_wait3A_436 = arith.constant 0 : i32
        %dma_wait3A_437 = tpu.memref_slice %arg7[%dma_wait3A_429, %dma_wait3A_436] : memref<4x80xi32, #tpu.memory_space<vmem>> -> memref<1x80xi32, #tpu.memory_space<vmem>>
        %dma_wait3A_438 = tpu.memref_squeeze %dma_wait3A_437 : memref<1x80xi32, #tpu.memory_space<vmem>> -> memref<80xi32, #tpu.memory_space<vmem>>
        %dma_wait3A_439 = arith.constant 0 : i32
        %dma_wait3A_440 = tpu.memref_slice %arg3[%add3A, %sub3A_428, %dma_wait3A_439] : memref<32x128x80xi32, #tpu.memory_space<hbm>> -> memref<1x1x80xi32, #tpu.memory_space<hbm>>
        %dma_wait3A_441 = tpu.memref_squeeze %dma_wait3A_440 : memref<1x1x80xi32, #tpu.memory_space<hbm>> -> memref<80xi32, #tpu.memory_space<hbm>>
        tpu.wait_dma2 semaphore(%arg22 : memref<!tpu.dma_semaphore, #tpu.memory_space<semaphore_mem>>) src(%dma_wait3A_441 : memref<80xi32, #tpu.memory_space<hbm>>) dst(%dma_wait3A_438 : memref<80xi32, #tpu.memory_space<vmem>>)
        %dma_start3A_442 = arith.constant 0 : i32
        %dma_start3A_443 = arith.constant 0 : i32
        %dma_start3A_444 = tpu.memref_slice %arg7[%dma_start3A_442, %dma_start3A_443] : memref<4x80xi32, #tpu.memory_space<vmem>> -> memref<1x80xi32, #tpu.memory_space<vmem>>
        %dma_start3A_445 = tpu.memref_squeeze %dma_start3A_444 : memref<1x80xi32, #tpu.memory_space<vmem>> -> memref<80xi32, #tpu.memory_space<vmem>>
        %dma_start3A_446 = arith.constant 0 : i32
        %dma_start3A_447 = arith.constant 0 : i32
        %dma_start3A_448 = tpu.memref_slice %arg2[%dma_start3A_446, %dma_start3A_447] : memref<10240x128xf32, #tpu.memory_space<hbm>> -> memref<10240x128xf32, #tpu.memory_space<hbm>>
        tpu.enqueue_indirect_dma source(%dma_start3A_448 : memref<10240x128xf32, #tpu.memory_space<hbm>>) target(%arg9 : memref<80x128xf32, #tpu.memory_space<vmem>>) offsets(%dma_start3A_445 : memref<80xi32, #tpu.memory_space<vmem>>) semaphore(%arg14 : memref<!tpu.dma_semaphore, #tpu.memory_space<semaphore_mem>>)
      } else {
      }
      %mul3A_319 = arith.constant 4 : i32
      %mul3A_320 = arith.muli %mul3A_319, %scan3A_200 : i32
      %add3A_321 = arith.constant 2 : i32
      %add3A_322 = arith.addi %mul3A_320, %add3A_321 : i32
      %dma_wait3A_323 = arith.constant 2 : i32
      %dma_wait3A_324 = arith.constant 0 : i32
      %dma_wait3A_325 = tpu.memref_slice %arg7[%dma_wait3A_323, %dma_wait3A_324] : memref<4x80xi32, #tpu.memory_space<vmem>> -> memref<1x80xi32, #tpu.memory_space<vmem>>
      %dma_wait3A_326 = tpu.memref_squeeze %dma_wait3A_325 : memref<1x80xi32, #tpu.memory_space<vmem>> -> memref<80xi32, #tpu.memory_space<vmem>>
      %dma_wait3A_327 = arith.constant 0 : i32
      %dma_wait3A_328 = arith.constant 0 : i32
      %dma_wait3A_329 = tpu.memref_slice %arg2[%dma_wait3A_327, %dma_wait3A_328] : memref<10240x128xf32, #tpu.memory_space<hbm>> -> memref<10240x128xf32, #tpu.memory_space<hbm>>
      tpu.wait_indirect_dma semaphore(%arg16 : memref<!tpu.dma_semaphore, #tpu.memory_space<semaphore_mem>>) src(%dma_wait3A_329 : memref<10240x128xf32, #tpu.memory_space<hbm>>) dst(%arg11 : memref<80x128xf32, #tpu.memory_space<vmem>>)
      %dma_wait3A_330 = arith.constant 2 : i32
      %dma_wait3A_331 = arith.constant 0 : i32
      %dma_wait3A_332 = tpu.memref_slice %arg8[%dma_wait3A_330, %dma_wait3A_331] : memref<4x80xi32, #tpu.memory_space<vmem>> -> memref<1x80xi32, #tpu.memory_space<vmem>>
      %dma_wait3A_333 = tpu.memref_squeeze %dma_wait3A_332 : memref<1x80xi32, #tpu.memory_space<vmem>> -> memref<80xi32, #tpu.memory_space<vmem>>
      %dma_wait3A_334 = arith.constant 0 : i32
      %dma_wait3A_335 = tpu.memref_slice %arg4[%add3A, %add3A_322, %dma_wait3A_334] : memref<32x128x80xi32, #tpu.memory_space<hbm>> -> memref<1x1x80xi32, #tpu.memory_space<hbm>>
      %dma_wait3A_336 = tpu.memref_squeeze %dma_wait3A_335 : memref<1x1x80xi32, #tpu.memory_space<hbm>> -> memref<80xi32, #tpu.memory_space<hbm>>
      %dma_wait3A_337 = arith.constant 0 : i32
      %dma_wait3A_338 = tpu.memref_slice %arg8[%dma_wait3A_330, %dma_wait3A_337] : memref<4x80xi32, #tpu.memory_space<vmem>> -> memref<1x80xi32, #tpu.memory_space<vmem>>
      %dma_wait3A_339 = tpu.memref_squeeze %dma_wait3A_338 : memref<1x80xi32, #tpu.memory_space<vmem>> -> memref<80xi32, #tpu.memory_space<vmem>>
      %dma_wait3A_340 = arith.constant 0 : i32
      %dma_wait3A_341 = tpu.memref_slice %arg4[%add3A, %add3A_322, %dma_wait3A_340] : memref<32x128x80xi32, #tpu.memory_space<hbm>> -> memref<1x1x80xi32, #tpu.memory_space<hbm>>
      %dma_wait3A_342 = tpu.memref_squeeze %dma_wait3A_341 : memref<1x1x80xi32, #tpu.memory_space<hbm>> -> memref<80xi32, #tpu.memory_space<hbm>>
      tpu.wait_dma2 semaphore(%arg28 : memref<!tpu.dma_semaphore, #tpu.memory_space<semaphore_mem>>) src(%dma_wait3A_342 : memref<80xi32, #tpu.memory_space<hbm>>) dst(%dma_wait3A_339 : memref<80xi32, #tpu.memory_space<vmem>>)
      %dma_start3A_343 = arith.constant 2 : i32
      %dma_start3A_344 = arith.constant 0 : i32
      %dma_start3A_345 = tpu.memref_slice %arg8[%dma_start3A_343, %dma_start3A_344] : memref<4x80xi32, #tpu.memory_space<vmem>> -> memref<1x80xi32, #tpu.memory_space<vmem>>
      %dma_start3A_346 = tpu.memref_squeeze %dma_start3A_345 : memref<1x80xi32, #tpu.memory_space<vmem>> -> memref<80xi32, #tpu.memory_space<vmem>>
      %dma_start3A_347 = arith.constant 0 : i32
      %dma_start3A_348 = arith.constant 0 : i32
      %dma_start3A_349 = tpu.memref_slice %arg13[%dma_start3A_347, %dma_start3A_348] : memref<10240x128xf32, #tpu.memory_space<vmem_shared>> -> memref<10240x128xf32, #tpu.memory_space<vmem_shared>>
      tpu.enqueue_indirect_dma source(%arg11 : memref<80x128xf32, #tpu.memory_space<vmem>>) target(%dma_start3A_349 : memref<10240x128xf32, #tpu.memory_space<vmem_shared>>) offsets(%dma_start3A_346 : memref<80xi32, #tpu.memory_space<vmem>>) semaphore(%arg20 : memref<!tpu.dma_semaphore, #tpu.memory_space<semaphore_mem>>) {add = true}
      %lt3A_350 = arith.constant 31 : i32
      %lt3A_351 = arith.cmpi slt, %scan3A_200, %lt3A_350 : i32
      %convert_element_type3A_352 = arith.extui %lt3A_351 : i1 to i32
      %cond3A_353 = arith.constant 0 : i32
      %cond3A_354 = arith.cmpi ne, %convert_element_type3A_352, %cond3A_353 : i32
      scf.if %cond3A_354 {
        %add3A_401 = arith.constant 4 : i32
        %add3A_402 = arith.addi %add3A_322, %add3A_401 : i32
        %dma_start3A_403 = arith.constant 2 : i32
        %dma_start3A_404 = arith.constant 0 : i32
        %dma_start3A_405 = tpu.memref_slice %arg7[%dma_start3A_403, %dma_start3A_404] : memref<4x80xi32, #tpu.memory_space<vmem>> -> memref<1x80xi32, #tpu.memory_space<vmem>>
        %dma_start3A_406 = tpu.memref_squeeze %dma_start3A_405 : memref<1x80xi32, #tpu.memory_space<vmem>> -> memref<80xi32, #tpu.memory_space<vmem>>
        %dma_start3A_407 = arith.constant 0 : i32
        %dma_start3A_408 = tpu.memref_slice %arg3[%add3A, %add3A_402, %dma_start3A_407] : memref<32x128x80xi32, #tpu.memory_space<hbm>> -> memref<1x1x80xi32, #tpu.memory_space<hbm>>
        %dma_start3A_409 = tpu.memref_squeeze %dma_start3A_408 : memref<1x1x80xi32, #tpu.memory_space<hbm>> -> memref<80xi32, #tpu.memory_space<hbm>>
        %dma_start3A_410 = arith.constant 0 : i32
        %dma_start3A_411 = tpu.memref_slice %arg7[%dma_start3A_403, %dma_start3A_410] : memref<4x80xi32, #tpu.memory_space<vmem>> -> memref<1x80xi32, #tpu.memory_space<vmem>>
        %dma_start3A_412 = tpu.memref_squeeze %dma_start3A_411 : memref<1x80xi32, #tpu.memory_space<vmem>> -> memref<80xi32, #tpu.memory_space<vmem>>
        %dma_start3A_413 = arith.constant 0 : i32
        %dma_start3A_414 = tpu.memref_slice %arg3[%add3A, %add3A_402, %dma_start3A_413] : memref<32x128x80xi32, #tpu.memory_space<hbm>> -> memref<1x1x80xi32, #tpu.memory_space<hbm>>
        %dma_start3A_415 = tpu.memref_squeeze %dma_start3A_414 : memref<1x1x80xi32, #tpu.memory_space<hbm>> -> memref<80xi32, #tpu.memory_space<hbm>>
        tpu.enqueue_dma source(%dma_start3A_415 : memref<80xi32, #tpu.memory_space<hbm>>) target(%dma_start3A_412 : memref<80xi32, #tpu.memory_space<vmem>>) target_semaphore(%arg24 : memref<!tpu.dma_semaphore, #tpu.memory_space<semaphore_mem>>)
      } else {
      }
      %lt3A_355 = arith.constant 31 : i32
      %lt3A_356 = arith.cmpi slt, %scan3A_200, %lt3A_355 : i32
      %convert_element_type3A_357 = arith.extui %lt3A_356 : i1 to i32
      %cond3A_358 = arith.constant 0 : i32
      %cond3A_359 = arith.cmpi ne, %convert_element_type3A_357, %cond3A_358 : i32
      scf.if %cond3A_359 {
        %dma_wait3A_401 = arith.constant 1 : i32
        %dma_wait3A_402 = arith.constant 0 : i32
        %dma_wait3A_403 = tpu.memref_slice %arg8[%dma_wait3A_401, %dma_wait3A_402] : memref<4x80xi32, #tpu.memory_space<vmem>> -> memref<1x80xi32, #tpu.memory_space<vmem>>
        %dma_wait3A_404 = tpu.memref_squeeze %dma_wait3A_403 : memref<1x80xi32, #tpu.memory_space<vmem>> -> memref<80xi32, #tpu.memory_space<vmem>>
        %dma_wait3A_405 = arith.constant 0 : i32
        %dma_wait3A_406 = arith.constant 0 : i32
        %dma_wait3A_407 = tpu.memref_slice %arg13[%dma_wait3A_405, %dma_wait3A_406] : memref<10240x128xf32, #tpu.memory_space<vmem_shared>> -> memref<10240x128xf32, #tpu.memory_space<vmem_shared>>
        tpu.wait_indirect_dma semaphore(%arg19 : memref<!tpu.dma_semaphore, #tpu.memory_space<semaphore_mem>>) src(%arg10 : memref<80x128xf32, #tpu.memory_space<vmem>>) dst(%dma_wait3A_407 : memref<10240x128xf32, #tpu.memory_space<vmem_shared>>)
        %add3A_408 = arith.constant 4 : i32
        %add3A_409 = arith.addi %add3A_322, %add3A_408 : i32
        %sub3A_410 = arith.constant 1 : i32
        %sub3A_411 = arith.subi %add3A_409, %sub3A_410 : i32
        %dma_start3A_412 = arith.constant 1 : i32
        %dma_start3A_413 = arith.constant 0 : i32
        %dma_start3A_414 = tpu.memref_slice %arg8[%dma_start3A_412, %dma_start3A_413] : memref<4x80xi32, #tpu.memory_space<vmem>> -> memref<1x80xi32, #tpu.memory_space<vmem>>
        %dma_start3A_415 = tpu.memref_squeeze %dma_start3A_414 : memref<1x80xi32, #tpu.memory_space<vmem>> -> memref<80xi32, #tpu.memory_space<vmem>>
        %dma_start3A_416 = arith.constant 0 : i32
        %dma_start3A_417 = tpu.memref_slice %arg4[%add3A, %sub3A_411, %dma_start3A_416] : memref<32x128x80xi32, #tpu.memory_space<hbm>> -> memref<1x1x80xi32, #tpu.memory_space<hbm>>
        %dma_start3A_418 = tpu.memref_squeeze %dma_start3A_417 : memref<1x1x80xi32, #tpu.memory_space<hbm>> -> memref<80xi32, #tpu.memory_space<hbm>>
        %dma_start3A_419 = arith.constant 0 : i32
        %dma_start3A_420 = tpu.memref_slice %arg8[%dma_start3A_412, %dma_start3A_419] : memref<4x80xi32, #tpu.memory_space<vmem>> -> memref<1x80xi32, #tpu.memory_space<vmem>>
        %dma_start3A_421 = tpu.memref_squeeze %dma_start3A_420 : memref<1x80xi32, #tpu.memory_space<vmem>> -> memref<80xi32, #tpu.memory_space<vmem>>
        %dma_start3A_422 = arith.constant 0 : i32
        %dma_start3A_423 = tpu.memref_slice %arg4[%add3A, %sub3A_411, %dma_start3A_422] : memref<32x128x80xi32, #tpu.memory_space<hbm>> -> memref<1x1x80xi32, #tpu.memory_space<hbm>>
        %dma_start3A_424 = tpu.memref_squeeze %dma_start3A_423 : memref<1x1x80xi32, #tpu.memory_space<hbm>> -> memref<80xi32, #tpu.memory_space<hbm>>
        tpu.enqueue_dma source(%dma_start3A_424 : memref<80xi32, #tpu.memory_space<hbm>>) target(%dma_start3A_421 : memref<80xi32, #tpu.memory_space<vmem>>) target_semaphore(%arg27 : memref<!tpu.dma_semaphore, #tpu.memory_space<semaphore_mem>>)
        %add3A_425 = arith.constant 4 : i32
        %add3A_426 = arith.addi %add3A_322, %add3A_425 : i32
        %sub3A_427 = arith.constant 1 : i32
        %sub3A_428 = arith.subi %add3A_426, %sub3A_427 : i32
        %dma_wait3A_429 = arith.constant 1 : i32
        %dma_wait3A_430 = arith.constant 0 : i32
        %dma_wait3A_431 = tpu.memref_slice %arg7[%dma_wait3A_429, %dma_wait3A_430] : memref<4x80xi32, #tpu.memory_space<vmem>> -> memref<1x80xi32, #tpu.memory_space<vmem>>
        %dma_wait3A_432 = tpu.memref_squeeze %dma_wait3A_431 : memref<1x80xi32, #tpu.memory_space<vmem>> -> memref<80xi32, #tpu.memory_space<vmem>>
        %dma_wait3A_433 = arith.constant 0 : i32
        %dma_wait3A_434 = tpu.memref_slice %arg3[%add3A, %sub3A_428, %dma_wait3A_433] : memref<32x128x80xi32, #tpu.memory_space<hbm>> -> memref<1x1x80xi32, #tpu.memory_space<hbm>>
        %dma_wait3A_435 = tpu.memref_squeeze %dma_wait3A_434 : memref<1x1x80xi32, #tpu.memory_space<hbm>> -> memref<80xi32, #tpu.memory_space<hbm>>
        %dma_wait3A_436 = arith.constant 0 : i32
        %dma_wait3A_437 = tpu.memref_slice %arg7[%dma_wait3A_429, %dma_wait3A_436] : memref<4x80xi32, #tpu.memory_space<vmem>> -> memref<1x80xi32, #tpu.memory_space<vmem>>
        %dma_wait3A_438 = tpu.memref_squeeze %dma_wait3A_437 : memref<1x80xi32, #tpu.memory_space<vmem>> -> memref<80xi32, #tpu.memory_space<vmem>>
        %dma_wait3A_439 = arith.constant 0 : i32
        %dma_wait3A_440 = tpu.memref_slice %arg3[%add3A, %sub3A_428, %dma_wait3A_439] : memref<32x128x80xi32, #tpu.memory_space<hbm>> -> memref<1x1x80xi32, #tpu.memory_space<hbm>>
        %dma_wait3A_441 = tpu.memref_squeeze %dma_wait3A_440 : memref<1x1x80xi32, #tpu.memory_space<hbm>> -> memref<80xi32, #tpu.memory_space<hbm>>
        tpu.wait_dma2 semaphore(%arg23 : memref<!tpu.dma_semaphore, #tpu.memory_space<semaphore_mem>>) src(%dma_wait3A_441 : memref<80xi32, #tpu.memory_space<hbm>>) dst(%dma_wait3A_438 : memref<80xi32, #tpu.memory_space<vmem>>)
        %dma_start3A_442 = arith.constant 1 : i32
        %dma_start3A_443 = arith.constant 0 : i32
        %dma_start3A_444 = tpu.memref_slice %arg7[%dma_start3A_442, %dma_start3A_443] : memref<4x80xi32, #tpu.memory_space<vmem>> -> memref<1x80xi32, #tpu.memory_space<vmem>>
        %dma_start3A_445 = tpu.memref_squeeze %dma_start3A_444 : memref<1x80xi32, #tpu.memory_space<vmem>> -> memref<80xi32, #tpu.memory_space<vmem>>
        %dma_start3A_446 = arith.constant 0 : i32
        %dma_start3A_447 = arith.constant 0 : i32
        %dma_start3A_448 = tpu.memref_slice %arg2[%dma_start3A_446, %dma_start3A_447] : memref<10240x128xf32, #tpu.memory_space<hbm>> -> memref<10240x128xf32, #tpu.memory_space<hbm>>
        tpu.enqueue_indirect_dma source(%dma_start3A_448 : memref<10240x128xf32, #tpu.memory_space<hbm>>) target(%arg10 : memref<80x128xf32, #tpu.memory_space<vmem>>) offsets(%dma_start3A_445 : memref<80xi32, #tpu.memory_space<vmem>>) semaphore(%arg15 : memref<!tpu.dma_semaphore, #tpu.memory_space<semaphore_mem>>)
      } else {
      }
      %mul3A_360 = arith.constant 4 : i32
      %mul3A_361 = arith.muli %mul3A_360, %scan3A_200 : i32
      %add3A_362 = arith.constant 3 : i32
      %add3A_363 = arith.addi %mul3A_361, %add3A_362 : i32
      %dma_wait3A_364 = arith.constant 3 : i32
      %dma_wait3A_365 = arith.constant 0 : i32
      %dma_wait3A_366 = tpu.memref_slice %arg7[%dma_wait3A_364, %dma_wait3A_365] : memref<4x80xi32, #tpu.memory_space<vmem>> -> memref<1x80xi32, #tpu.memory_space<vmem>>
      %dma_wait3A_367 = tpu.memref_squeeze %dma_wait3A_366 : memref<1x80xi32, #tpu.memory_space<vmem>> -> memref<80xi32, #tpu.memory_space<vmem>>
      %dma_wait3A_368 = arith.constant 0 : i32
      %dma_wait3A_369 = arith.constant 0 : i32
      %dma_wait3A_370 = tpu.memref_slice %arg2[%dma_wait3A_368, %dma_wait3A_369] : memref<10240x128xf32, #tpu.memory_space<hbm>> -> memref<10240x128xf32, #tpu.memory_space<hbm>>
      tpu.wait_indirect_dma semaphore(%arg17 : memref<!tpu.dma_semaphore, #tpu.memory_space<semaphore_mem>>) src(%dma_wait3A_370 : memref<10240x128xf32, #tpu.memory_space<hbm>>) dst(%arg12 : memref<80x128xf32, #tpu.memory_space<vmem>>)
      %dma_wait3A_371 = arith.constant 3 : i32
      %dma_wait3A_372 = arith.constant 0 : i32
      %dma_wait3A_373 = tpu.memref_slice %arg8[%dma_wait3A_371, %dma_wait3A_372] : memref<4x80xi32, #tpu.memory_space<vmem>> -> memref<1x80xi32, #tpu.memory_space<vmem>>
      %dma_wait3A_374 = tpu.memref_squeeze %dma_wait3A_373 : memref<1x80xi32, #tpu.memory_space<vmem>> -> memref<80xi32, #tpu.memory_space<vmem>>
      %dma_wait3A_375 = arith.constant 0 : i32
      %dma_wait3A_376 = tpu.memref_slice %arg4[%add3A, %add3A_363, %dma_wait3A_375] : memref<32x128x80xi32, #tpu.memory_space<hbm>> -> memref<1x1x80xi32, #tpu.memory_space<hbm>>
      %dma_wait3A_377 = tpu.memref_squeeze %dma_wait3A_376 : memref<1x1x80xi32, #tpu.memory_space<hbm>> -> memref<80xi32, #tpu.memory_space<hbm>>
      %dma_wait3A_378 = arith.constant 0 : i32
      %dma_wait3A_379 = tpu.memref_slice %arg8[%dma_wait3A_371, %dma_wait3A_378] : memref<4x80xi32, #tpu.memory_space<vmem>> -> memref<1x80xi32, #tpu.memory_space<vmem>>
      %dma_wait3A_380 = tpu.memref_squeeze %dma_wait3A_379 : memref<1x80xi32, #tpu.memory_space<vmem>> -> memref<80xi32, #tpu.memory_space<vmem>>
      %dma_wait3A_381 = arith.constant 0 : i32
      %dma_wait3A_382 = tpu.memref_slice %arg4[%add3A, %add3A_363, %dma_wait3A_381] : memref<32x128x80xi32, #tpu.memory_space<hbm>> -> memref<1x1x80xi32, #tpu.memory_space<hbm>>
      %dma_wait3A_383 = tpu.memref_squeeze %dma_wait3A_382 : memref<1x1x80xi32, #tpu.memory_space<hbm>> -> memref<80xi32, #tpu.memory_space<hbm>>
      tpu.wait_dma2 semaphore(%arg29 : memref<!tpu.dma_semaphore, #tpu.memory_space<semaphore_mem>>) src(%dma_wait3A_383 : memref<80xi32, #tpu.memory_space<hbm>>) dst(%dma_wait3A_380 : memref<80xi32, #tpu.memory_space<vmem>>)
      %dma_start3A_384 = arith.constant 3 : i32
      %dma_start3A_385 = arith.constant 0 : i32
      %dma_start3A_386 = tpu.memref_slice %arg8[%dma_start3A_384, %dma_start3A_385] : memref<4x80xi32, #tpu.memory_space<vmem>> -> memref<1x80xi32, #tpu.memory_space<vmem>>
      %dma_start3A_387 = tpu.memref_squeeze %dma_start3A_386 : memref<1x80xi32, #tpu.memory_space<vmem>> -> memref<80xi32, #tpu.memory_space<vmem>>
      %dma_start3A_388 = arith.constant 0 : i32
      %dma_start3A_389 = arith.constant 0 : i32
      %dma_start3A_390 = tpu.memref_slice %arg13[%dma_start3A_388, %dma_start3A_389] : memref<10240x128xf32, #tpu.memory_space<vmem_shared>> -> memref<10240x128xf32, #tpu.memory_space<vmem_shared>>
      tpu.enqueue_indirect_dma source(%arg12 : memref<80x128xf32, #tpu.memory_space<vmem>>) target(%dma_start3A_390 : memref<10240x128xf32, #tpu.memory_space<vmem_shared>>) offsets(%dma_start3A_387 : memref<80xi32, #tpu.memory_space<vmem>>) semaphore(%arg21 : memref<!tpu.dma_semaphore, #tpu.memory_space<semaphore_mem>>) {add = true}
      %lt3A_391 = arith.constant 31 : i32
      %lt3A_392 = arith.cmpi slt, %scan3A_200, %lt3A_391 : i32
      %convert_element_type3A_393 = arith.extui %lt3A_392 : i1 to i32
      %cond3A_394 = arith.constant 0 : i32
      %cond3A_395 = arith.cmpi ne, %convert_element_type3A_393, %cond3A_394 : i32
      scf.if %cond3A_395 {
        %add3A_401 = arith.constant 4 : i32
        %add3A_402 = arith.addi %add3A_363, %add3A_401 : i32
        %dma_start3A_403 = arith.constant 3 : i32
        %dma_start3A_404 = arith.constant 0 : i32
        %dma_start3A_405 = tpu.memref_slice %arg7[%dma_start3A_403, %dma_start3A_404] : memref<4x80xi32, #tpu.memory_space<vmem>> -> memref<1x80xi32, #tpu.memory_space<vmem>>
        %dma_start3A_406 = tpu.memref_squeeze %dma_start3A_405 : memref<1x80xi32, #tpu.memory_space<vmem>> -> memref<80xi32, #tpu.memory_space<vmem>>
        %dma_start3A_407 = arith.constant 0 : i32
        %dma_start3A_408 = tpu.memref_slice %arg3[%add3A, %add3A_402, %dma_start3A_407] : memref<32x128x80xi32, #tpu.memory_space<hbm>> -> memref<1x1x80xi32, #tpu.memory_space<hbm>>
        %dma_start3A_409 = tpu.memref_squeeze %dma_start3A_408 : memref<1x1x80xi32, #tpu.memory_space<hbm>> -> memref<80xi32, #tpu.memory_space<hbm>>
        %dma_start3A_410 = arith.constant 0 : i32
        %dma_start3A_411 = tpu.memref_slice %arg7[%dma_start3A_403, %dma_start3A_410] : memref<4x80xi32, #tpu.memory_space<vmem>> -> memref<1x80xi32, #tpu.memory_space<vmem>>
        %dma_start3A_412 = tpu.memref_squeeze %dma_start3A_411 : memref<1x80xi32, #tpu.memory_space<vmem>> -> memref<80xi32, #tpu.memory_space<vmem>>
        %dma_start3A_413 = arith.constant 0 : i32
        %dma_start3A_414 = tpu.memref_slice %arg3[%add3A, %add3A_402, %dma_start3A_413] : memref<32x128x80xi32, #tpu.memory_space<hbm>> -> memref<1x1x80xi32, #tpu.memory_space<hbm>>
        %dma_start3A_415 = tpu.memref_squeeze %dma_start3A_414 : memref<1x1x80xi32, #tpu.memory_space<hbm>> -> memref<80xi32, #tpu.memory_space<hbm>>
        tpu.enqueue_dma source(%dma_start3A_415 : memref<80xi32, #tpu.memory_space<hbm>>) target(%dma_start3A_412 : memref<80xi32, #tpu.memory_space<vmem>>) target_semaphore(%arg25 : memref<!tpu.dma_semaphore, #tpu.memory_space<semaphore_mem>>)
      } else {
      }
      %lt3A_396 = arith.constant 31 : i32
      %lt3A_397 = arith.cmpi slt, %scan3A_200, %lt3A_396 : i32
      %convert_element_type3A_398 = arith.extui %lt3A_397 : i1 to i32
      %cond3A_399 = arith.constant 0 : i32
      %cond3A_400 = arith.cmpi ne, %convert_element_type3A_398, %cond3A_399 : i32
      scf.if %cond3A_400 {
        %dma_wait3A_401 = arith.constant 2 : i32
        %dma_wait3A_402 = arith.constant 0 : i32
        %dma_wait3A_403 = tpu.memref_slice %arg8[%dma_wait3A_401, %dma_wait3A_402] : memref<4x80xi32, #tpu.memory_space<vmem>> -> memref<1x80xi32, #tpu.memory_space<vmem>>
        %dma_wait3A_404 = tpu.memref_squeeze %dma_wait3A_403 : memref<1x80xi32, #tpu.memory_space<vmem>> -> memref<80xi32, #tpu.memory_space<vmem>>
        %dma_wait3A_405 = arith.constant 0 : i32
        %dma_wait3A_406 = arith.constant 0 : i32
        %dma_wait3A_407 = tpu.memref_slice %arg13[%dma_wait3A_405, %dma_wait3A_406] : memref<10240x128xf32, #tpu.memory_space<vmem_shared>> -> memref<10240x128xf32, #tpu.memory_space<vmem_shared>>
        tpu.wait_indirect_dma semaphore(%arg20 : memref<!tpu.dma_semaphore, #tpu.memory_space<semaphore_mem>>) src(%arg11 : memref<80x128xf32, #tpu.memory_space<vmem>>) dst(%dma_wait3A_407 : memref<10240x128xf32, #tpu.memory_space<vmem_shared>>)
        %add3A_408 = arith.constant 4 : i32
        %add3A_409 = arith.addi %add3A_363, %add3A_408 : i32
        %sub3A_410 = arith.constant 1 : i32
        %sub3A_411 = arith.subi %add3A_409, %sub3A_410 : i32
        %dma_start3A_412 = arith.constant 2 : i32
        %dma_start3A_413 = arith.constant 0 : i32
        %dma_start3A_414 = tpu.memref_slice %arg8[%dma_start3A_412, %dma_start3A_413] : memref<4x80xi32, #tpu.memory_space<vmem>> -> memref<1x80xi32, #tpu.memory_space<vmem>>
        %dma_start3A_415 = tpu.memref_squeeze %dma_start3A_414 : memref<1x80xi32, #tpu.memory_space<vmem>> -> memref<80xi32, #tpu.memory_space<vmem>>
        %dma_start3A_416 = arith.constant 0 : i32
        %dma_start3A_417 = tpu.memref_slice %arg4[%add3A, %sub3A_411, %dma_start3A_416] : memref<32x128x80xi32, #tpu.memory_space<hbm>> -> memref<1x1x80xi32, #tpu.memory_space<hbm>>
        %dma_start3A_418 = tpu.memref_squeeze %dma_start3A_417 : memref<1x1x80xi32, #tpu.memory_space<hbm>> -> memref<80xi32, #tpu.memory_space<hbm>>
        %dma_start3A_419 = arith.constant 0 : i32
        %dma_start3A_420 = tpu.memref_slice %arg8[%dma_start3A_412, %dma_start3A_419] : memref<4x80xi32, #tpu.memory_space<vmem>> -> memref<1x80xi32, #tpu.memory_space<vmem>>
        %dma_start3A_421 = tpu.memref_squeeze %dma_start3A_420 : memref<1x80xi32, #tpu.memory_space<vmem>> -> memref<80xi32, #tpu.memory_space<vmem>>
        %dma_start3A_422 = arith.constant 0 : i32
        %dma_start3A_423 = tpu.memref_slice %arg4[%add3A, %sub3A_411, %dma_start3A_422] : memref<32x128x80xi32, #tpu.memory_space<hbm>> -> memref<1x1x80xi32, #tpu.memory_space<hbm>>
        %dma_start3A_424 = tpu.memref_squeeze %dma_start3A_423 : memref<1x1x80xi32, #tpu.memory_space<hbm>> -> memref<80xi32, #tpu.memory_space<hbm>>
        tpu.enqueue_dma source(%dma_start3A_424 : memref<80xi32, #tpu.memory_space<hbm>>) target(%dma_start3A_421 : memref<80xi32, #tpu.memory_space<vmem>>) target_semaphore(%arg28 : memref<!tpu.dma_semaphore, #tpu.memory_space<semaphore_mem>>)
        %add3A_425 = arith.constant 4 : i32
        %add3A_426 = arith.addi %add3A_363, %add3A_425 : i32
        %sub3A_427 = arith.constant 1 : i32
        %sub3A_428 = arith.subi %add3A_426, %sub3A_427 : i32
        %dma_wait3A_429 = arith.constant 2 : i32
        %dma_wait3A_430 = arith.constant 0 : i32
        %dma_wait3A_431 = tpu.memref_slice %arg7[%dma_wait3A_429, %dma_wait3A_430] : memref<4x80xi32, #tpu.memory_space<vmem>> -> memref<1x80xi32, #tpu.memory_space<vmem>>
        %dma_wait3A_432 = tpu.memref_squeeze %dma_wait3A_431 : memref<1x80xi32, #tpu.memory_space<vmem>> -> memref<80xi32, #tpu.memory_space<vmem>>
        %dma_wait3A_433 = arith.constant 0 : i32
        %dma_wait3A_434 = tpu.memref_slice %arg3[%add3A, %sub3A_428, %dma_wait3A_433] : memref<32x128x80xi32, #tpu.memory_space<hbm>> -> memref<1x1x80xi32, #tpu.memory_space<hbm>>
        %dma_wait3A_435 = tpu.memref_squeeze %dma_wait3A_434 : memref<1x1x80xi32, #tpu.memory_space<hbm>> -> memref<80xi32, #tpu.memory_space<hbm>>
        %dma_wait3A_436 = arith.constant 0 : i32
        %dma_wait3A_437 = tpu.memref_slice %arg7[%dma_wait3A_429, %dma_wait3A_436] : memref<4x80xi32, #tpu.memory_space<vmem>> -> memref<1x80xi32, #tpu.memory_space<vmem>>
        %dma_wait3A_438 = tpu.memref_squeeze %dma_wait3A_437 : memref<1x80xi32, #tpu.memory_space<vmem>> -> memref<80xi32, #tpu.memory_space<vmem>>
        %dma_wait3A_439 = arith.constant 0 : i32
        %dma_wait3A_440 = tpu.memref_slice %arg3[%add3A, %sub3A_428, %dma_wait3A_439] : memref<32x128x80xi32, #tpu.memory_space<hbm>> -> memref<1x1x80xi32, #tpu.memory_space<hbm>>
        %dma_wait3A_441 = tpu.memref_squeeze %dma_wait3A_440 : memref<1x1x80xi32, #tpu.memory_space<hbm>> -> memref<80xi32, #tpu.memory_space<hbm>>
        tpu.wait_dma2 semaphore(%arg24 : memref<!tpu.dma_semaphore, #tpu.memory_space<semaphore_mem>>) src(%dma_wait3A_441 : memref<80xi32, #tpu.memory_space<hbm>>) dst(%dma_wait3A_438 : memref<80xi32, #tpu.memory_space<vmem>>)
        %dma_start3A_442 = arith.constant 2 : i32
        %dma_start3A_443 = arith.constant 0 : i32
        %dma_start3A_444 = tpu.memref_slice %arg7[%dma_start3A_442, %dma_start3A_443] : memref<4x80xi32, #tpu.memory_space<vmem>> -> memref<1x80xi32, #tpu.memory_space<vmem>>
        %dma_start3A_445 = tpu.memref_squeeze %dma_start3A_444 : memref<1x80xi32, #tpu.memory_space<vmem>> -> memref<80xi32, #tpu.memory_space<vmem>>
        %dma_start3A_446 = arith.constant 0 : i32
        %dma_start3A_447 = arith.constant 0 : i32
        %dma_start3A_448 = tpu.memref_slice %arg2[%dma_start3A_446, %dma_start3A_447] : memref<10240x128xf32, #tpu.memory_space<hbm>> -> memref<10240x128xf32, #tpu.memory_space<hbm>>
        tpu.enqueue_indirect_dma source(%dma_start3A_448 : memref<10240x128xf32, #tpu.memory_space<hbm>>) target(%arg11 : memref<80x128xf32, #tpu.memory_space<vmem>>) offsets(%dma_start3A_445 : memref<80xi32, #tpu.memory_space<vmem>>) semaphore(%arg16 : memref<!tpu.dma_semaphore, #tpu.memory_space<semaphore_mem>>)
      } else {
      }
    }
    %scan3A_166 = arith.constant 32 : i32
    %dma_wait3A_167 = arith.constant 0 : i32
    %dma_wait3A_168 = arith.constant 0 : i32
    %dma_wait3A_169 = tpu.memref_slice %arg8[%dma_wait3A_167, %dma_wait3A_168] : memref<4x80xi32, #tpu.memory_space<vmem>> -> memref<1x80xi32, #tpu.memory_space<vmem>>
    %dma_wait3A_170 = tpu.memref_squeeze %dma_wait3A_169 : memref<1x80xi32, #tpu.memory_space<vmem>> -> memref<80xi32, #tpu.memory_space<vmem>>
    %dma_wait3A_171 = arith.constant 0 : i32
    %dma_wait3A_172 = arith.constant 0 : i32
    %dma_wait3A_173 = tpu.memref_slice %arg13[%dma_wait3A_171, %dma_wait3A_172] : memref<10240x128xf32, #tpu.memory_space<vmem_shared>> -> memref<10240x128xf32, #tpu.memory_space<vmem_shared>>
    tpu.wait_indirect_dma semaphore(%arg18 : memref<!tpu.dma_semaphore, #tpu.memory_space<semaphore_mem>>) src(%arg9 : memref<80x128xf32, #tpu.memory_space<vmem>>) dst(%dma_wait3A_173 : memref<10240x128xf32, #tpu.memory_space<vmem_shared>>)
    %dma_wait3A_174 = arith.constant 1 : i32
    %dma_wait3A_175 = arith.constant 0 : i32
    %dma_wait3A_176 = tpu.memref_slice %arg8[%dma_wait3A_174, %dma_wait3A_175] : memref<4x80xi32, #tpu.memory_space<vmem>> -> memref<1x80xi32, #tpu.memory_space<vmem>>
    %dma_wait3A_177 = tpu.memref_squeeze %dma_wait3A_176 : memref<1x80xi32, #tpu.memory_space<vmem>> -> memref<80xi32, #tpu.memory_space<vmem>>
    %dma_wait3A_178 = arith.constant 0 : i32
    %dma_wait3A_179 = arith.constant 0 : i32
    %dma_wait3A_180 = tpu.memref_slice %arg13[%dma_wait3A_178, %dma_wait3A_179] : memref<10240x128xf32, #tpu.memory_space<vmem_shared>> -> memref<10240x128xf32, #tpu.memory_space<vmem_shared>>
    tpu.wait_indirect_dma semaphore(%arg19 : memref<!tpu.dma_semaphore, #tpu.memory_space<semaphore_mem>>) src(%arg10 : memref<80x128xf32, #tpu.memory_space<vmem>>) dst(%dma_wait3A_180 : memref<10240x128xf32, #tpu.memory_space<vmem_shared>>)
    %dma_wait3A_181 = arith.constant 2 : i32
    %dma_wait3A_182 = arith.constant 0 : i32
    %dma_wait3A_183 = tpu.memref_slice %arg8[%dma_wait3A_181, %dma_wait3A_182] : memref<4x80xi32, #tpu.memory_space<vmem>> -> memref<1x80xi32, #tpu.memory_space<vmem>>
    %dma_wait3A_184 = tpu.memref_squeeze %dma_wait3A_183 : memref<1x80xi32, #tpu.memory_space<vmem>> -> memref<80xi32, #tpu.memory_space<vmem>>
    %dma_wait3A_185 = arith.constant 0 : i32
    %dma_wait3A_186 = arith.constant 0 : i32
    %dma_wait3A_187 = tpu.memref_slice %arg13[%dma_wait3A_185, %dma_wait3A_186] : memref<10240x128xf32, #tpu.memory_space<vmem_shared>> -> memref<10240x128xf32, #tpu.memory_space<vmem_shared>>
    tpu.wait_indirect_dma semaphore(%arg20 : memref<!tpu.dma_semaphore, #tpu.memory_space<semaphore_mem>>) src(%arg11 : memref<80x128xf32, #tpu.memory_space<vmem>>) dst(%dma_wait3A_187 : memref<10240x128xf32, #tpu.memory_space<vmem_shared>>)
    %dma_wait3A_188 = arith.constant 3 : i32
    %dma_wait3A_189 = arith.constant 0 : i32
    %dma_wait3A_190 = tpu.memref_slice %arg8[%dma_wait3A_188, %dma_wait3A_189] : memref<4x80xi32, #tpu.memory_space<vmem>> -> memref<1x80xi32, #tpu.memory_space<vmem>>
    %dma_wait3A_191 = tpu.memref_squeeze %dma_wait3A_190 : memref<1x80xi32, #tpu.memory_space<vmem>> -> memref<80xi32, #tpu.memory_space<vmem>>
    %dma_wait3A_192 = arith.constant 0 : i32
    %dma_wait3A_193 = arith.constant 0 : i32
    %dma_wait3A_194 = tpu.memref_slice %arg13[%dma_wait3A_192, %dma_wait3A_193] : memref<10240x128xf32, #tpu.memory_space<vmem_shared>> -> memref<10240x128xf32, #tpu.memory_space<vmem_shared>>
    tpu.wait_indirect_dma semaphore(%arg21 : memref<!tpu.dma_semaphore, #tpu.memory_space<semaphore_mem>>) src(%arg12 : memref<80x128xf32, #tpu.memory_space<vmem>>) dst(%dma_wait3A_194 : memref<10240x128xf32, #tpu.memory_space<vmem_shared>>)
    %barrier3A_195 = arith.constant 0 : index
    tpu.barrier barrier_id(%barrier3A_195)
    %mul3A_196 = arith.constant 640 : i32
    %mul3A_197 = arith.muli %arg1, %mul3A_196 : i32
    %mul3A_198 = arith.constant 640 : i32
    %mul3A_199 = arith.muli %arg1, %mul3A_198 : i32
    "tpu.region"() ({
      %run_scoped3A = tpu.sem_alloc : memref<!tpu.dma_semaphore, #tpu.memory_space<semaphore_mem>>
      %dma_start3A_200 = arith.constant 0 : i32
      %dma_start3A_201 = tpu.memref_slice %arg6[%arg0, %mul3A_199, %dma_start3A_200] : memref<2x10240x128xf32, #tpu.memory_space<hbm>> -> memref<1x640x128xf32, #tpu.memory_space<hbm>>
      %dma_start3A_202 = tpu.memref_squeeze %dma_start3A_201 : memref<1x640x128xf32, #tpu.memory_space<hbm>> -> memref<640x128xf32, #tpu.memory_space<hbm>>
      %dma_start3A_203 = arith.constant 0 : i32
      %dma_start3A_204 = tpu.memref_slice %arg13[%mul3A_197, %dma_start3A_203] : memref<10240x128xf32, #tpu.memory_space<vmem_shared>> -> memref<640x128xf32, #tpu.memory_space<vmem_shared>>
      tpu.enqueue_dma source(%dma_start3A_204 : memref<640x128xf32, #tpu.memory_space<vmem_shared>>) target(%dma_start3A_202 : memref<640x128xf32, #tpu.memory_space<hbm>>) target_semaphore(%run_scoped3A : memref<!tpu.dma_semaphore, #tpu.memory_space<semaphore_mem>>)
      %dma_wait3A_205 = arith.constant 0 : i32
      %dma_wait3A_206 = tpu.memref_slice %arg6[%arg0, %mul3A_199, %dma_wait3A_205] : memref<2x10240x128xf32, #tpu.memory_space<hbm>> -> memref<1x640x128xf32, #tpu.memory_space<hbm>>
      %dma_wait3A_207 = tpu.memref_squeeze %dma_wait3A_206 : memref<1x640x128xf32, #tpu.memory_space<hbm>> -> memref<640x128xf32, #tpu.memory_space<hbm>>
      %dma_wait3A_208 = arith.constant 0 : i32
      %dma_wait3A_209 = tpu.memref_slice %arg13[%mul3A_197, %dma_wait3A_208] : memref<10240x128xf32, #tpu.memory_space<vmem_shared>> -> memref<640x128xf32, #tpu.memory_space<vmem_shared>>
      tpu.wait_dma2 semaphore(%run_scoped3A : memref<!tpu.dma_semaphore, #tpu.memory_space<semaphore_mem>>) src(%dma_wait3A_209 : memref<640x128xf32, #tpu.memory_space<vmem_shared>>) dst(%dma_wait3A_207 : memref<640x128xf32, #tpu.memory_space<hbm>>)
      tpu.yield
    }) : () -> ()
    return
  }
}

#map = affine_map<(d0, d1) -> (0, 0)>
#map1 = affine_map<(d0, d1) -> (0, 0, 0)>
module attributes {stable_mosaic.version = 14 : i64} {
  func.func @body(%arg0: i32, %arg1: i32, %arg2: memref<10240x16xf32, #tpu.memory_space<hbm>>, %arg3: memref<32x80x128xi32, #tpu.memory_space<hbm>>, %arg4: memref<32x80x128xi32, #tpu.memory_space<hbm>>, %arg5: memref<640x16xf32, #tpu.memory_space<hbm>>, %arg6: memref<2x10240x16xf32, #tpu.memory_space<hbm>>, %arg7: memref<4x128xi32, #tpu.memory_space<vmem>>, %arg8: memref<4x128xi32, #tpu.memory_space<vmem>>, %arg9: memref<128x16xf32, #tpu.memory_space<vmem>>, %arg10: memref<128x16xf32, #tpu.memory_space<vmem>>, %arg11: memref<128x16xf32, #tpu.memory_space<vmem>>, %arg12: memref<128x16xf32, #tpu.memory_space<vmem>>, %arg13: memref<10240x16xf32, #tpu.memory_space<vmem_shared>>, %arg14: memref<!tpu.dma_semaphore, #tpu.memory_space<semaphore_mem>>, %arg15: memref<!tpu.dma_semaphore, #tpu.memory_space<semaphore_mem>>, %arg16: memref<!tpu.dma_semaphore, #tpu.memory_space<semaphore_mem>>, %arg17: memref<!tpu.dma_semaphore, #tpu.memory_space<semaphore_mem>>, %arg18: memref<!tpu.dma_semaphore, #tpu.memory_space<semaphore_mem>>, %arg19: memref<!tpu.dma_semaphore, #tpu.memory_space<semaphore_mem>>, %arg20: memref<!tpu.dma_semaphore, #tpu.memory_space<semaphore_mem>>, %arg21: memref<!tpu.dma_semaphore, #tpu.memory_space<semaphore_mem>>, %arg22: memref<!tpu.dma_semaphore, #tpu.memory_space<semaphore_mem>>, %arg23: memref<!tpu.dma_semaphore, #tpu.memory_space<semaphore_mem>>, %arg24: memref<!tpu.dma_semaphore, #tpu.memory_space<semaphore_mem>>, %arg25: memref<!tpu.dma_semaphore, #tpu.memory_space<semaphore_mem>>, %arg26: memref<!tpu.dma_semaphore, #tpu.memory_space<semaphore_mem>>, %arg27: memref<!tpu.dma_semaphore, #tpu.memory_space<semaphore_mem>>, %arg28: memref<!tpu.dma_semaphore, #tpu.memory_space<semaphore_mem>>, %arg29: memref<!tpu.dma_semaphore, #tpu.memory_space<semaphore_mem>>) attributes {dimension_semantics = [#tpu.dimension_semantics<core_parallel>, #tpu.dimension_semantics<subcore_parallel>], iteration_bounds = array<i64: 2, 16>, scalar_prefetch = 0 : i64, scratch_operands = 23 : i64, tpu.core_type = #tpu.core_type<sc_vector_subcore>, window_params = [{transform_indices = #map}, {transform_indices = #map1}, {transform_indices = #map1}, {transform_indices = #map}, {transform_indices = #map1}]} {
    %mul3A = arith.constant 2 : i32
    %mul3A_0 = arith.muli %arg1, %mul3A : i32
    %add3A = arith.addi %mul3A_0, %arg0 : i32
    %mul3A_1 = arith.constant 640 : i32
    %mul3A_2 = arith.muli %arg1, %mul3A_1 : i32
    "tpu.region"() ({
      %run_scoped3A = tpu.sem_alloc : memref<!tpu.dma_semaphore, #tpu.memory_space<semaphore_mem>>
      %dma_start3A_200 = arith.constant 0 : i32
      %dma_start3A_201 = tpu.memref_slice %arg13[%mul3A_2, %dma_start3A_200] : memref<10240x16xf32, #tpu.memory_space<vmem_shared>> -> memref<640x16xf32, #tpu.memory_space<vmem_shared>>
      tpu.enqueue_dma source(%arg5 : memref<640x16xf32, #tpu.memory_space<hbm>>) target(%dma_start3A_201 : memref<640x16xf32, #tpu.memory_space<vmem_shared>>) target_semaphore(%run_scoped3A : memref<!tpu.dma_semaphore, #tpu.memory_space<semaphore_mem>>)
      %dma_wait3A_202 = arith.constant 0 : i32
      %dma_wait3A_203 = tpu.memref_slice %arg13[%mul3A_2, %dma_wait3A_202] : memref<10240x16xf32, #tpu.memory_space<vmem_shared>> -> memref<640x16xf32, #tpu.memory_space<vmem_shared>>
      tpu.wait_dma2 semaphore(%run_scoped3A : memref<!tpu.dma_semaphore, #tpu.memory_space<semaphore_mem>>) src(%arg5 : memref<640x16xf32, #tpu.memory_space<hbm>>) dst(%dma_wait3A_203 : memref<640x16xf32, #tpu.memory_space<vmem_shared>>)
      tpu.yield
    }) : () -> ()
    %barrier3A = arith.constant 0 : index
    tpu.barrier barrier_id(%barrier3A)
    %dma_start3A = arith.constant 0 : i32
    %dma_start3A_3 = arith.constant 0 : i32
    %dma_start3A_4 = arith.constant 0 : i32
    %dma_start3A_5 = tpu.memref_slice %arg7[%dma_start3A_3, %dma_start3A_4] : memref<4x128xi32, #tpu.memory_space<vmem>> -> memref<1x128xi32, #tpu.memory_space<vmem>>
    %dma_start3A_6 = tpu.memref_squeeze %dma_start3A_5 : memref<1x128xi32, #tpu.memory_space<vmem>> -> memref<128xi32, #tpu.memory_space<vmem>>
    %dma_start3A_7 = arith.constant 0 : i32
    %dma_start3A_8 = tpu.memref_slice %arg3[%add3A, %dma_start3A, %dma_start3A_7] : memref<32x80x128xi32, #tpu.memory_space<hbm>> -> memref<1x1x128xi32, #tpu.memory_space<hbm>>
    %dma_start3A_9 = tpu.memref_squeeze %dma_start3A_8 : memref<1x1x128xi32, #tpu.memory_space<hbm>> -> memref<128xi32, #tpu.memory_space<hbm>>
    %dma_start3A_10 = arith.constant 0 : i32
    %dma_start3A_11 = tpu.memref_slice %arg7[%dma_start3A_3, %dma_start3A_10] : memref<4x128xi32, #tpu.memory_space<vmem>> -> memref<1x128xi32, #tpu.memory_space<vmem>>
    %dma_start3A_12 = tpu.memref_squeeze %dma_start3A_11 : memref<1x128xi32, #tpu.memory_space<vmem>> -> memref<128xi32, #tpu.memory_space<vmem>>
    %dma_start3A_13 = arith.constant 0 : i32
    %dma_start3A_14 = tpu.memref_slice %arg3[%add3A, %dma_start3A, %dma_start3A_13] : memref<32x80x128xi32, #tpu.memory_space<hbm>> -> memref<1x1x128xi32, #tpu.memory_space<hbm>>
    %dma_start3A_15 = tpu.memref_squeeze %dma_start3A_14 : memref<1x1x128xi32, #tpu.memory_space<hbm>> -> memref<128xi32, #tpu.memory_space<hbm>>
    tpu.enqueue_dma source(%dma_start3A_15 : memref<128xi32, #tpu.memory_space<hbm>>) target(%dma_start3A_12 : memref<128xi32, #tpu.memory_space<vmem>>) target_semaphore(%arg22 : memref<!tpu.dma_semaphore, #tpu.memory_space<semaphore_mem>>)
    %dma_start3A_16 = arith.constant 1 : i32
    %dma_start3A_17 = arith.constant 1 : i32
    %dma_start3A_18 = arith.constant 0 : i32
    %dma_start3A_19 = tpu.memref_slice %arg7[%dma_start3A_17, %dma_start3A_18] : memref<4x128xi32, #tpu.memory_space<vmem>> -> memref<1x128xi32, #tpu.memory_space<vmem>>
    %dma_start3A_20 = tpu.memref_squeeze %dma_start3A_19 : memref<1x128xi32, #tpu.memory_space<vmem>> -> memref<128xi32, #tpu.memory_space<vmem>>
    %dma_start3A_21 = arith.constant 0 : i32
    %dma_start3A_22 = tpu.memref_slice %arg3[%add3A, %dma_start3A_16, %dma_start3A_21] : memref<32x80x128xi32, #tpu.memory_space<hbm>> -> memref<1x1x128xi32, #tpu.memory_space<hbm>>
    %dma_start3A_23 = tpu.memref_squeeze %dma_start3A_22 : memref<1x1x128xi32, #tpu.memory_space<hbm>> -> memref<128xi32, #tpu.memory_space<hbm>>
    %dma_start3A_24 = arith.constant 0 : i32
    %dma_start3A_25 = tpu.memref_slice %arg7[%dma_start3A_17, %dma_start3A_24] : memref<4x128xi32, #tpu.memory_space<vmem>> -> memref<1x128xi32, #tpu.memory_space<vmem>>
    %dma_start3A_26 = tpu.memref_squeeze %dma_start3A_25 : memref<1x128xi32, #tpu.memory_space<vmem>> -> memref<128xi32, #tpu.memory_space<vmem>>
    %dma_start3A_27 = arith.constant 0 : i32
    %dma_start3A_28 = tpu.memref_slice %arg3[%add3A, %dma_start3A_16, %dma_start3A_27] : memref<32x80x128xi32, #tpu.memory_space<hbm>> -> memref<1x1x128xi32, #tpu.memory_space<hbm>>
    %dma_start3A_29 = tpu.memref_squeeze %dma_start3A_28 : memref<1x1x128xi32, #tpu.memory_space<hbm>> -> memref<128xi32, #tpu.memory_space<hbm>>
    tpu.enqueue_dma source(%dma_start3A_29 : memref<128xi32, #tpu.memory_space<hbm>>) target(%dma_start3A_26 : memref<128xi32, #tpu.memory_space<vmem>>) target_semaphore(%arg23 : memref<!tpu.dma_semaphore, #tpu.memory_space<semaphore_mem>>)
    %dma_start3A_30 = arith.constant 2 : i32
    %dma_start3A_31 = arith.constant 2 : i32
    %dma_start3A_32 = arith.constant 0 : i32
    %dma_start3A_33 = tpu.memref_slice %arg7[%dma_start3A_31, %dma_start3A_32] : memref<4x128xi32, #tpu.memory_space<vmem>> -> memref<1x128xi32, #tpu.memory_space<vmem>>
    %dma_start3A_34 = tpu.memref_squeeze %dma_start3A_33 : memref<1x128xi32, #tpu.memory_space<vmem>> -> memref<128xi32, #tpu.memory_space<vmem>>
    %dma_start3A_35 = arith.constant 0 : i32
    %dma_start3A_36 = tpu.memref_slice %arg3[%add3A, %dma_start3A_30, %dma_start3A_35] : memref<32x80x128xi32, #tpu.memory_space<hbm>> -> memref<1x1x128xi32, #tpu.memory_space<hbm>>
    %dma_start3A_37 = tpu.memref_squeeze %dma_start3A_36 : memref<1x1x128xi32, #tpu.memory_space<hbm>> -> memref<128xi32, #tpu.memory_space<hbm>>
    %dma_start3A_38 = arith.constant 0 : i32
    %dma_start3A_39 = tpu.memref_slice %arg7[%dma_start3A_31, %dma_start3A_38] : memref<4x128xi32, #tpu.memory_space<vmem>> -> memref<1x128xi32, #tpu.memory_space<vmem>>
    %dma_start3A_40 = tpu.memref_squeeze %dma_start3A_39 : memref<1x128xi32, #tpu.memory_space<vmem>> -> memref<128xi32, #tpu.memory_space<vmem>>
    %dma_start3A_41 = arith.constant 0 : i32
    %dma_start3A_42 = tpu.memref_slice %arg3[%add3A, %dma_start3A_30, %dma_start3A_41] : memref<32x80x128xi32, #tpu.memory_space<hbm>> -> memref<1x1x128xi32, #tpu.memory_space<hbm>>
    %dma_start3A_43 = tpu.memref_squeeze %dma_start3A_42 : memref<1x1x128xi32, #tpu.memory_space<hbm>> -> memref<128xi32, #tpu.memory_space<hbm>>
    tpu.enqueue_dma source(%dma_start3A_43 : memref<128xi32, #tpu.memory_space<hbm>>) target(%dma_start3A_40 : memref<128xi32, #tpu.memory_space<vmem>>) target_semaphore(%arg24 : memref<!tpu.dma_semaphore, #tpu.memory_space<semaphore_mem>>)
    %dma_start3A_44 = arith.constant 3 : i32
    %dma_start3A_45 = arith.constant 3 : i32
    %dma_start3A_46 = arith.constant 0 : i32
    %dma_start3A_47 = tpu.memref_slice %arg7[%dma_start3A_45, %dma_start3A_46] : memref<4x128xi32, #tpu.memory_space<vmem>> -> memref<1x128xi32, #tpu.memory_space<vmem>>
    %dma_start3A_48 = tpu.memref_squeeze %dma_start3A_47 : memref<1x128xi32, #tpu.memory_space<vmem>> -> memref<128xi32, #tpu.memory_space<vmem>>
    %dma_start3A_49 = arith.constant 0 : i32
    %dma_start3A_50 = tpu.memref_slice %arg3[%add3A, %dma_start3A_44, %dma_start3A_49] : memref<32x80x128xi32, #tpu.memory_space<hbm>> -> memref<1x1x128xi32, #tpu.memory_space<hbm>>
    %dma_start3A_51 = tpu.memref_squeeze %dma_start3A_50 : memref<1x1x128xi32, #tpu.memory_space<hbm>> -> memref<128xi32, #tpu.memory_space<hbm>>
    %dma_start3A_52 = arith.constant 0 : i32
    %dma_start3A_53 = tpu.memref_slice %arg7[%dma_start3A_45, %dma_start3A_52] : memref<4x128xi32, #tpu.memory_space<vmem>> -> memref<1x128xi32, #tpu.memory_space<vmem>>
    %dma_start3A_54 = tpu.memref_squeeze %dma_start3A_53 : memref<1x128xi32, #tpu.memory_space<vmem>> -> memref<128xi32, #tpu.memory_space<vmem>>
    %dma_start3A_55 = arith.constant 0 : i32
    %dma_start3A_56 = tpu.memref_slice %arg3[%add3A, %dma_start3A_44, %dma_start3A_55] : memref<32x80x128xi32, #tpu.memory_space<hbm>> -> memref<1x1x128xi32, #tpu.memory_space<hbm>>
    %dma_start3A_57 = tpu.memref_squeeze %dma_start3A_56 : memref<1x1x128xi32, #tpu.memory_space<hbm>> -> memref<128xi32, #tpu.memory_space<hbm>>
    tpu.enqueue_dma source(%dma_start3A_57 : memref<128xi32, #tpu.memory_space<hbm>>) target(%dma_start3A_54 : memref<128xi32, #tpu.memory_space<vmem>>) target_semaphore(%arg25 : memref<!tpu.dma_semaphore, #tpu.memory_space<semaphore_mem>>)
    %dma_start3A_58 = arith.constant 0 : i32
    %dma_start3A_59 = arith.constant 0 : i32
    %dma_start3A_60 = arith.constant 0 : i32
    %dma_start3A_61 = tpu.memref_slice %arg8[%dma_start3A_59, %dma_start3A_60] : memref<4x128xi32, #tpu.memory_space<vmem>> -> memref<1x128xi32, #tpu.memory_space<vmem>>
    %dma_start3A_62 = tpu.memref_squeeze %dma_start3A_61 : memref<1x128xi32, #tpu.memory_space<vmem>> -> memref<128xi32, #tpu.memory_space<vmem>>
    %dma_start3A_63 = arith.constant 0 : i32
    %dma_start3A_64 = tpu.memref_slice %arg4[%add3A, %dma_start3A_58, %dma_start3A_63] : memref<32x80x128xi32, #tpu.memory_space<hbm>> -> memref<1x1x128xi32, #tpu.memory_space<hbm>>
    %dma_start3A_65 = tpu.memref_squeeze %dma_start3A_64 : memref<1x1x128xi32, #tpu.memory_space<hbm>> -> memref<128xi32, #tpu.memory_space<hbm>>
    %dma_start3A_66 = arith.constant 0 : i32
    %dma_start3A_67 = tpu.memref_slice %arg8[%dma_start3A_59, %dma_start3A_66] : memref<4x128xi32, #tpu.memory_space<vmem>> -> memref<1x128xi32, #tpu.memory_space<vmem>>
    %dma_start3A_68 = tpu.memref_squeeze %dma_start3A_67 : memref<1x128xi32, #tpu.memory_space<vmem>> -> memref<128xi32, #tpu.memory_space<vmem>>
    %dma_start3A_69 = arith.constant 0 : i32
    %dma_start3A_70 = tpu.memref_slice %arg4[%add3A, %dma_start3A_58, %dma_start3A_69] : memref<32x80x128xi32, #tpu.memory_space<hbm>> -> memref<1x1x128xi32, #tpu.memory_space<hbm>>
    %dma_start3A_71 = tpu.memref_squeeze %dma_start3A_70 : memref<1x1x128xi32, #tpu.memory_space<hbm>> -> memref<128xi32, #tpu.memory_space<hbm>>
    tpu.enqueue_dma source(%dma_start3A_71 : memref<128xi32, #tpu.memory_space<hbm>>) target(%dma_start3A_68 : memref<128xi32, #tpu.memory_space<vmem>>) target_semaphore(%arg26 : memref<!tpu.dma_semaphore, #tpu.memory_space<semaphore_mem>>)
    %dma_start3A_72 = arith.constant 1 : i32
    %dma_start3A_73 = arith.constant 1 : i32
    %dma_start3A_74 = arith.constant 0 : i32
    %dma_start3A_75 = tpu.memref_slice %arg8[%dma_start3A_73, %dma_start3A_74] : memref<4x128xi32, #tpu.memory_space<vmem>> -> memref<1x128xi32, #tpu.memory_space<vmem>>
    %dma_start3A_76 = tpu.memref_squeeze %dma_start3A_75 : memref<1x128xi32, #tpu.memory_space<vmem>> -> memref<128xi32, #tpu.memory_space<vmem>>
    %dma_start3A_77 = arith.constant 0 : i32
    %dma_start3A_78 = tpu.memref_slice %arg4[%add3A, %dma_start3A_72, %dma_start3A_77] : memref<32x80x128xi32, #tpu.memory_space<hbm>> -> memref<1x1x128xi32, #tpu.memory_space<hbm>>
    %dma_start3A_79 = tpu.memref_squeeze %dma_start3A_78 : memref<1x1x128xi32, #tpu.memory_space<hbm>> -> memref<128xi32, #tpu.memory_space<hbm>>
    %dma_start3A_80 = arith.constant 0 : i32
    %dma_start3A_81 = tpu.memref_slice %arg8[%dma_start3A_73, %dma_start3A_80] : memref<4x128xi32, #tpu.memory_space<vmem>> -> memref<1x128xi32, #tpu.memory_space<vmem>>
    %dma_start3A_82 = tpu.memref_squeeze %dma_start3A_81 : memref<1x128xi32, #tpu.memory_space<vmem>> -> memref<128xi32, #tpu.memory_space<vmem>>
    %dma_start3A_83 = arith.constant 0 : i32
    %dma_start3A_84 = tpu.memref_slice %arg4[%add3A, %dma_start3A_72, %dma_start3A_83] : memref<32x80x128xi32, #tpu.memory_space<hbm>> -> memref<1x1x128xi32, #tpu.memory_space<hbm>>
    %dma_start3A_85 = tpu.memref_squeeze %dma_start3A_84 : memref<1x1x128xi32, #tpu.memory_space<hbm>> -> memref<128xi32, #tpu.memory_space<hbm>>
    tpu.enqueue_dma source(%dma_start3A_85 : memref<128xi32, #tpu.memory_space<hbm>>) target(%dma_start3A_82 : memref<128xi32, #tpu.memory_space<vmem>>) target_semaphore(%arg27 : memref<!tpu.dma_semaphore, #tpu.memory_space<semaphore_mem>>)
    %dma_start3A_86 = arith.constant 2 : i32
    %dma_start3A_87 = arith.constant 2 : i32
    %dma_start3A_88 = arith.constant 0 : i32
    %dma_start3A_89 = tpu.memref_slice %arg8[%dma_start3A_87, %dma_start3A_88] : memref<4x128xi32, #tpu.memory_space<vmem>> -> memref<1x128xi32, #tpu.memory_space<vmem>>
    %dma_start3A_90 = tpu.memref_squeeze %dma_start3A_89 : memref<1x128xi32, #tpu.memory_space<vmem>> -> memref<128xi32, #tpu.memory_space<vmem>>
    %dma_start3A_91 = arith.constant 0 : i32
    %dma_start3A_92 = tpu.memref_slice %arg4[%add3A, %dma_start3A_86, %dma_start3A_91] : memref<32x80x128xi32, #tpu.memory_space<hbm>> -> memref<1x1x128xi32, #tpu.memory_space<hbm>>
    %dma_start3A_93 = tpu.memref_squeeze %dma_start3A_92 : memref<1x1x128xi32, #tpu.memory_space<hbm>> -> memref<128xi32, #tpu.memory_space<hbm>>
    %dma_start3A_94 = arith.constant 0 : i32
    %dma_start3A_95 = tpu.memref_slice %arg8[%dma_start3A_87, %dma_start3A_94] : memref<4x128xi32, #tpu.memory_space<vmem>> -> memref<1x128xi32, #tpu.memory_space<vmem>>
    %dma_start3A_96 = tpu.memref_squeeze %dma_start3A_95 : memref<1x128xi32, #tpu.memory_space<vmem>> -> memref<128xi32, #tpu.memory_space<vmem>>
    %dma_start3A_97 = arith.constant 0 : i32
    %dma_start3A_98 = tpu.memref_slice %arg4[%add3A, %dma_start3A_86, %dma_start3A_97] : memref<32x80x128xi32, #tpu.memory_space<hbm>> -> memref<1x1x128xi32, #tpu.memory_space<hbm>>
    %dma_start3A_99 = tpu.memref_squeeze %dma_start3A_98 : memref<1x1x128xi32, #tpu.memory_space<hbm>> -> memref<128xi32, #tpu.memory_space<hbm>>
    tpu.enqueue_dma source(%dma_start3A_99 : memref<128xi32, #tpu.memory_space<hbm>>) target(%dma_start3A_96 : memref<128xi32, #tpu.memory_space<vmem>>) target_semaphore(%arg28 : memref<!tpu.dma_semaphore, #tpu.memory_space<semaphore_mem>>)
    %dma_wait3A = arith.constant 0 : i32
    %dma_wait3A_100 = arith.constant 0 : i32
    %dma_wait3A_101 = arith.constant 0 : i32
    %dma_wait3A_102 = tpu.memref_slice %arg7[%dma_wait3A_100, %dma_wait3A_101] : memref<4x128xi32, #tpu.memory_space<vmem>> -> memref<1x128xi32, #tpu.memory_space<vmem>>
    %dma_wait3A_103 = tpu.memref_squeeze %dma_wait3A_102 : memref<1x128xi32, #tpu.memory_space<vmem>> -> memref<128xi32, #tpu.memory_space<vmem>>
    %dma_wait3A_104 = arith.constant 0 : i32
    %dma_wait3A_105 = tpu.memref_slice %arg3[%add3A, %dma_wait3A, %dma_wait3A_104] : memref<32x80x128xi32, #tpu.memory_space<hbm>> -> memref<1x1x128xi32, #tpu.memory_space<hbm>>
    %dma_wait3A_106 = tpu.memref_squeeze %dma_wait3A_105 : memref<1x1x128xi32, #tpu.memory_space<hbm>> -> memref<128xi32, #tpu.memory_space<hbm>>
    %dma_wait3A_107 = arith.constant 0 : i32
    %dma_wait3A_108 = tpu.memref_slice %arg7[%dma_wait3A_100, %dma_wait3A_107] : memref<4x128xi32, #tpu.memory_space<vmem>> -> memref<1x128xi32, #tpu.memory_space<vmem>>
    %dma_wait3A_109 = tpu.memref_squeeze %dma_wait3A_108 : memref<1x128xi32, #tpu.memory_space<vmem>> -> memref<128xi32, #tpu.memory_space<vmem>>
    %dma_wait3A_110 = arith.constant 0 : i32
    %dma_wait3A_111 = tpu.memref_slice %arg3[%add3A, %dma_wait3A, %dma_wait3A_110] : memref<32x80x128xi32, #tpu.memory_space<hbm>> -> memref<1x1x128xi32, #tpu.memory_space<hbm>>
    %dma_wait3A_112 = tpu.memref_squeeze %dma_wait3A_111 : memref<1x1x128xi32, #tpu.memory_space<hbm>> -> memref<128xi32, #tpu.memory_space<hbm>>
    tpu.wait_dma2 semaphore(%arg22 : memref<!tpu.dma_semaphore, #tpu.memory_space<semaphore_mem>>) src(%dma_wait3A_112 : memref<128xi32, #tpu.memory_space<hbm>>) dst(%dma_wait3A_109 : memref<128xi32, #tpu.memory_space<vmem>>)
    %dma_start3A_113 = arith.constant 0 : i32
    %dma_start3A_114 = arith.constant 0 : i32
    %dma_start3A_115 = tpu.memref_slice %arg7[%dma_start3A_113, %dma_start3A_114] : memref<4x128xi32, #tpu.memory_space<vmem>> -> memref<1x128xi32, #tpu.memory_space<vmem>>
    %dma_start3A_116 = tpu.memref_squeeze %dma_start3A_115 : memref<1x128xi32, #tpu.memory_space<vmem>> -> memref<128xi32, #tpu.memory_space<vmem>>
    %dma_start3A_117 = arith.constant 0 : i32
    %dma_start3A_118 = arith.constant 0 : i32
    %dma_start3A_119 = tpu.memref_slice %arg2[%dma_start3A_117, %dma_start3A_118] : memref<10240x16xf32, #tpu.memory_space<hbm>> -> memref<10240x16xf32, #tpu.memory_space<hbm>>
    tpu.enqueue_indirect_dma source(%dma_start3A_119 : memref<10240x16xf32, #tpu.memory_space<hbm>>) target(%arg9 : memref<128x16xf32, #tpu.memory_space<vmem>>) offsets(%dma_start3A_116 : memref<128xi32, #tpu.memory_space<vmem>>) semaphore(%arg14 : memref<!tpu.dma_semaphore, #tpu.memory_space<semaphore_mem>>)
    %dma_wait3A_120 = arith.constant 1 : i32
    %dma_wait3A_121 = arith.constant 1 : i32
    %dma_wait3A_122 = arith.constant 0 : i32
    %dma_wait3A_123 = tpu.memref_slice %arg7[%dma_wait3A_121, %dma_wait3A_122] : memref<4x128xi32, #tpu.memory_space<vmem>> -> memref<1x128xi32, #tpu.memory_space<vmem>>
    %dma_wait3A_124 = tpu.memref_squeeze %dma_wait3A_123 : memref<1x128xi32, #tpu.memory_space<vmem>> -> memref<128xi32, #tpu.memory_space<vmem>>
    %dma_wait3A_125 = arith.constant 0 : i32
    %dma_wait3A_126 = tpu.memref_slice %arg3[%add3A, %dma_wait3A_120, %dma_wait3A_125] : memref<32x80x128xi32, #tpu.memory_space<hbm>> -> memref<1x1x128xi32, #tpu.memory_space<hbm>>
    %dma_wait3A_127 = tpu.memref_squeeze %dma_wait3A_126 : memref<1x1x128xi32, #tpu.memory_space<hbm>> -> memref<128xi32, #tpu.memory_space<hbm>>
    %dma_wait3A_128 = arith.constant 0 : i32
    %dma_wait3A_129 = tpu.memref_slice %arg7[%dma_wait3A_121, %dma_wait3A_128] : memref<4x128xi32, #tpu.memory_space<vmem>> -> memref<1x128xi32, #tpu.memory_space<vmem>>
    %dma_wait3A_130 = tpu.memref_squeeze %dma_wait3A_129 : memref<1x128xi32, #tpu.memory_space<vmem>> -> memref<128xi32, #tpu.memory_space<vmem>>
    %dma_wait3A_131 = arith.constant 0 : i32
    %dma_wait3A_132 = tpu.memref_slice %arg3[%add3A, %dma_wait3A_120, %dma_wait3A_131] : memref<32x80x128xi32, #tpu.memory_space<hbm>> -> memref<1x1x128xi32, #tpu.memory_space<hbm>>
    %dma_wait3A_133 = tpu.memref_squeeze %dma_wait3A_132 : memref<1x1x128xi32, #tpu.memory_space<hbm>> -> memref<128xi32, #tpu.memory_space<hbm>>
    tpu.wait_dma2 semaphore(%arg23 : memref<!tpu.dma_semaphore, #tpu.memory_space<semaphore_mem>>) src(%dma_wait3A_133 : memref<128xi32, #tpu.memory_space<hbm>>) dst(%dma_wait3A_130 : memref<128xi32, #tpu.memory_space<vmem>>)
    %dma_start3A_134 = arith.constant 1 : i32
    %dma_start3A_135 = arith.constant 0 : i32
    %dma_start3A_136 = tpu.memref_slice %arg7[%dma_start3A_134, %dma_start3A_135] : memref<4x128xi32, #tpu.memory_space<vmem>> -> memref<1x128xi32, #tpu.memory_space<vmem>>
    %dma_start3A_137 = tpu.memref_squeeze %dma_start3A_136 : memref<1x128xi32, #tpu.memory_space<vmem>> -> memref<128xi32, #tpu.memory_space<vmem>>
    %dma_start3A_138 = arith.constant 0 : i32
    %dma_start3A_139 = arith.constant 0 : i32
    %dma_start3A_140 = tpu.memref_slice %arg2[%dma_start3A_138, %dma_start3A_139] : memref<10240x16xf32, #tpu.memory_space<hbm>> -> memref<10240x16xf32, #tpu.memory_space<hbm>>
    tpu.enqueue_indirect_dma source(%dma_start3A_140 : memref<10240x16xf32, #tpu.memory_space<hbm>>) target(%arg10 : memref<128x16xf32, #tpu.memory_space<vmem>>) offsets(%dma_start3A_137 : memref<128xi32, #tpu.memory_space<vmem>>) semaphore(%arg15 : memref<!tpu.dma_semaphore, #tpu.memory_space<semaphore_mem>>)
    %dma_wait3A_141 = arith.constant 2 : i32
    %dma_wait3A_142 = arith.constant 2 : i32
    %dma_wait3A_143 = arith.constant 0 : i32
    %dma_wait3A_144 = tpu.memref_slice %arg7[%dma_wait3A_142, %dma_wait3A_143] : memref<4x128xi32, #tpu.memory_space<vmem>> -> memref<1x128xi32, #tpu.memory_space<vmem>>
    %dma_wait3A_145 = tpu.memref_squeeze %dma_wait3A_144 : memref<1x128xi32, #tpu.memory_space<vmem>> -> memref<128xi32, #tpu.memory_space<vmem>>
    %dma_wait3A_146 = arith.constant 0 : i32
    %dma_wait3A_147 = tpu.memref_slice %arg3[%add3A, %dma_wait3A_141, %dma_wait3A_146] : memref<32x80x128xi32, #tpu.memory_space<hbm>> -> memref<1x1x128xi32, #tpu.memory_space<hbm>>
    %dma_wait3A_148 = tpu.memref_squeeze %dma_wait3A_147 : memref<1x1x128xi32, #tpu.memory_space<hbm>> -> memref<128xi32, #tpu.memory_space<hbm>>
    %dma_wait3A_149 = arith.constant 0 : i32
    %dma_wait3A_150 = tpu.memref_slice %arg7[%dma_wait3A_142, %dma_wait3A_149] : memref<4x128xi32, #tpu.memory_space<vmem>> -> memref<1x128xi32, #tpu.memory_space<vmem>>
    %dma_wait3A_151 = tpu.memref_squeeze %dma_wait3A_150 : memref<1x128xi32, #tpu.memory_space<vmem>> -> memref<128xi32, #tpu.memory_space<vmem>>
    %dma_wait3A_152 = arith.constant 0 : i32
    %dma_wait3A_153 = tpu.memref_slice %arg3[%add3A, %dma_wait3A_141, %dma_wait3A_152] : memref<32x80x128xi32, #tpu.memory_space<hbm>> -> memref<1x1x128xi32, #tpu.memory_space<hbm>>
    %dma_wait3A_154 = tpu.memref_squeeze %dma_wait3A_153 : memref<1x1x128xi32, #tpu.memory_space<hbm>> -> memref<128xi32, #tpu.memory_space<hbm>>
    tpu.wait_dma2 semaphore(%arg24 : memref<!tpu.dma_semaphore, #tpu.memory_space<semaphore_mem>>) src(%dma_wait3A_154 : memref<128xi32, #tpu.memory_space<hbm>>) dst(%dma_wait3A_151 : memref<128xi32, #tpu.memory_space<vmem>>)
    %dma_start3A_155 = arith.constant 2 : i32
    %dma_start3A_156 = arith.constant 0 : i32
    %dma_start3A_157 = tpu.memref_slice %arg7[%dma_start3A_155, %dma_start3A_156] : memref<4x128xi32, #tpu.memory_space<vmem>> -> memref<1x128xi32, #tpu.memory_space<vmem>>
    %dma_start3A_158 = tpu.memref_squeeze %dma_start3A_157 : memref<1x128xi32, #tpu.memory_space<vmem>> -> memref<128xi32, #tpu.memory_space<vmem>>
    %dma_start3A_159 = arith.constant 0 : i32
    %dma_start3A_160 = arith.constant 0 : i32
    %dma_start3A_161 = tpu.memref_slice %arg2[%dma_start3A_159, %dma_start3A_160] : memref<10240x16xf32, #tpu.memory_space<hbm>> -> memref<10240x16xf32, #tpu.memory_space<hbm>>
    tpu.enqueue_indirect_dma source(%dma_start3A_161 : memref<10240x16xf32, #tpu.memory_space<hbm>>) target(%arg11 : memref<128x16xf32, #tpu.memory_space<vmem>>) offsets(%dma_start3A_158 : memref<128xi32, #tpu.memory_space<vmem>>) semaphore(%arg16 : memref<!tpu.dma_semaphore, #tpu.memory_space<semaphore_mem>>)
    %scan3A = arith.constant 0 : i32
    %scan3A_162 = arith.constant 0 : i32
    %scan3A_163 = arith.constant 20 : i32
    %scan3A_164 = arith.addi %scan3A_162, %scan3A_163 : i32
    %scan3A_165 = arith.constant 1 : i32
    scf.for %scan3A_200 = %scan3A_162 to %scan3A_164 step %scan3A_165  : i32 {
      %mul3A_201 = arith.constant 4 : i32
      %mul3A_202 = arith.muli %mul3A_201, %scan3A_200 : i32
      %add3A_203 = arith.constant 0 : i32
      %add3A_204 = arith.addi %mul3A_202, %add3A_203 : i32
      %dma_wait3A_205 = arith.constant 0 : i32
      %dma_wait3A_206 = arith.constant 0 : i32
      %dma_wait3A_207 = tpu.memref_slice %arg7[%dma_wait3A_205, %dma_wait3A_206] : memref<4x128xi32, #tpu.memory_space<vmem>> -> memref<1x128xi32, #tpu.memory_space<vmem>>
      %dma_wait3A_208 = tpu.memref_squeeze %dma_wait3A_207 : memref<1x128xi32, #tpu.memory_space<vmem>> -> memref<128xi32, #tpu.memory_space<vmem>>
      %dma_wait3A_209 = arith.constant 0 : i32
      %dma_wait3A_210 = arith.constant 0 : i32
      %dma_wait3A_211 = tpu.memref_slice %arg2[%dma_wait3A_209, %dma_wait3A_210] : memref<10240x16xf32, #tpu.memory_space<hbm>> -> memref<10240x16xf32, #tpu.memory_space<hbm>>
      tpu.wait_indirect_dma semaphore(%arg14 : memref<!tpu.dma_semaphore, #tpu.memory_space<semaphore_mem>>) src(%dma_wait3A_211 : memref<10240x16xf32, #tpu.memory_space<hbm>>) dst(%arg9 : memref<128x16xf32, #tpu.memory_space<vmem>>)
      %dma_wait3A_212 = arith.constant 0 : i32
      %dma_wait3A_213 = arith.constant 0 : i32
      %dma_wait3A_214 = tpu.memref_slice %arg8[%dma_wait3A_212, %dma_wait3A_213] : memref<4x128xi32, #tpu.memory_space<vmem>> -> memref<1x128xi32, #tpu.memory_space<vmem>>
      %dma_wait3A_215 = tpu.memref_squeeze %dma_wait3A_214 : memref<1x128xi32, #tpu.memory_space<vmem>> -> memref<128xi32, #tpu.memory_space<vmem>>
      %dma_wait3A_216 = arith.constant 0 : i32
      %dma_wait3A_217 = tpu.memref_slice %arg4[%add3A, %add3A_204, %dma_wait3A_216] : memref<32x80x128xi32, #tpu.memory_space<hbm>> -> memref<1x1x128xi32, #tpu.memory_space<hbm>>
      %dma_wait3A_218 = tpu.memref_squeeze %dma_wait3A_217 : memref<1x1x128xi32, #tpu.memory_space<hbm>> -> memref<128xi32, #tpu.memory_space<hbm>>
      %dma_wait3A_219 = arith.constant 0 : i32
      %dma_wait3A_220 = tpu.memref_slice %arg8[%dma_wait3A_212, %dma_wait3A_219] : memref<4x128xi32, #tpu.memory_space<vmem>> -> memref<1x128xi32, #tpu.memory_space<vmem>>
      %dma_wait3A_221 = tpu.memref_squeeze %dma_wait3A_220 : memref<1x128xi32, #tpu.memory_space<vmem>> -> memref<128xi32, #tpu.memory_space<vmem>>
      %dma_wait3A_222 = arith.constant 0 : i32
      %dma_wait3A_223 = tpu.memref_slice %arg4[%add3A, %add3A_204, %dma_wait3A_222] : memref<32x80x128xi32, #tpu.memory_space<hbm>> -> memref<1x1x128xi32, #tpu.memory_space<hbm>>
      %dma_wait3A_224 = tpu.memref_squeeze %dma_wait3A_223 : memref<1x1x128xi32, #tpu.memory_space<hbm>> -> memref<128xi32, #tpu.memory_space<hbm>>
      tpu.wait_dma2 semaphore(%arg26 : memref<!tpu.dma_semaphore, #tpu.memory_space<semaphore_mem>>) src(%dma_wait3A_224 : memref<128xi32, #tpu.memory_space<hbm>>) dst(%dma_wait3A_221 : memref<128xi32, #tpu.memory_space<vmem>>)
      %dma_start3A_225 = arith.constant 0 : i32
      %dma_start3A_226 = arith.constant 0 : i32
      %dma_start3A_227 = tpu.memref_slice %arg8[%dma_start3A_225, %dma_start3A_226] : memref<4x128xi32, #tpu.memory_space<vmem>> -> memref<1x128xi32, #tpu.memory_space<vmem>>
      %dma_start3A_228 = tpu.memref_squeeze %dma_start3A_227 : memref<1x128xi32, #tpu.memory_space<vmem>> -> memref<128xi32, #tpu.memory_space<vmem>>
      %dma_start3A_229 = arith.constant 0 : i32
      %dma_start3A_230 = arith.constant 0 : i32
      %dma_start3A_231 = tpu.memref_slice %arg13[%dma_start3A_229, %dma_start3A_230] : memref<10240x16xf32, #tpu.memory_space<vmem_shared>> -> memref<10240x16xf32, #tpu.memory_space<vmem_shared>>
      tpu.enqueue_indirect_dma source(%arg9 : memref<128x16xf32, #tpu.memory_space<vmem>>) target(%dma_start3A_231 : memref<10240x16xf32, #tpu.memory_space<vmem_shared>>) offsets(%dma_start3A_228 : memref<128xi32, #tpu.memory_space<vmem>>) semaphore(%arg18 : memref<!tpu.dma_semaphore, #tpu.memory_space<semaphore_mem>>) {add = true}
      %lt3A = arith.constant 19 : i32
      %lt3A_232 = arith.cmpi slt, %scan3A_200, %lt3A : i32
      %convert_element_type3A = arith.extui %lt3A_232 : i1 to i32
      %cond3A = arith.constant 0 : i32
      %cond3A_233 = arith.cmpi ne, %convert_element_type3A, %cond3A : i32
      scf.if %cond3A_233 {
        %add3A_401 = arith.constant 4 : i32
        %add3A_402 = arith.addi %add3A_204, %add3A_401 : i32
        %dma_start3A_403 = arith.constant 0 : i32
        %dma_start3A_404 = arith.constant 0 : i32
        %dma_start3A_405 = tpu.memref_slice %arg7[%dma_start3A_403, %dma_start3A_404] : memref<4x128xi32, #tpu.memory_space<vmem>> -> memref<1x128xi32, #tpu.memory_space<vmem>>
        %dma_start3A_406 = tpu.memref_squeeze %dma_start3A_405 : memref<1x128xi32, #tpu.memory_space<vmem>> -> memref<128xi32, #tpu.memory_space<vmem>>
        %dma_start3A_407 = arith.constant 0 : i32
        %dma_start3A_408 = tpu.memref_slice %arg3[%add3A, %add3A_402, %dma_start3A_407] : memref<32x80x128xi32, #tpu.memory_space<hbm>> -> memref<1x1x128xi32, #tpu.memory_space<hbm>>
        %dma_start3A_409 = tpu.memref_squeeze %dma_start3A_408 : memref<1x1x128xi32, #tpu.memory_space<hbm>> -> memref<128xi32, #tpu.memory_space<hbm>>
        %dma_start3A_410 = arith.constant 0 : i32
        %dma_start3A_411 = tpu.memref_slice %arg7[%dma_start3A_403, %dma_start3A_410] : memref<4x128xi32, #tpu.memory_space<vmem>> -> memref<1x128xi32, #tpu.memory_space<vmem>>
        %dma_start3A_412 = tpu.memref_squeeze %dma_start3A_411 : memref<1x128xi32, #tpu.memory_space<vmem>> -> memref<128xi32, #tpu.memory_space<vmem>>
        %dma_start3A_413 = arith.constant 0 : i32
        %dma_start3A_414 = tpu.memref_slice %arg3[%add3A, %add3A_402, %dma_start3A_413] : memref<32x80x128xi32, #tpu.memory_space<hbm>> -> memref<1x1x128xi32, #tpu.memory_space<hbm>>
        %dma_start3A_415 = tpu.memref_squeeze %dma_start3A_414 : memref<1x1x128xi32, #tpu.memory_space<hbm>> -> memref<128xi32, #tpu.memory_space<hbm>>
        tpu.enqueue_dma source(%dma_start3A_415 : memref<128xi32, #tpu.memory_space<hbm>>) target(%dma_start3A_412 : memref<128xi32, #tpu.memory_space<vmem>>) target_semaphore(%arg22 : memref<!tpu.dma_semaphore, #tpu.memory_space<semaphore_mem>>)
      } else {
      }
      %gt3A = arith.constant 0 : i32
      %gt3A_234 = arith.cmpi sgt, %scan3A_200, %gt3A : i32
      %convert_element_type3A_235 = arith.extui %gt3A_234 : i1 to i32
      %cond3A_236 = arith.constant 0 : i32
      %cond3A_237 = arith.cmpi ne, %convert_element_type3A_235, %cond3A_236 : i32
      scf.if %cond3A_237 {
        %dma_wait3A_401 = arith.constant 3 : i32
        %dma_wait3A_402 = arith.constant 0 : i32
        %dma_wait3A_403 = tpu.memref_slice %arg8[%dma_wait3A_401, %dma_wait3A_402] : memref<4x128xi32, #tpu.memory_space<vmem>> -> memref<1x128xi32, #tpu.memory_space<vmem>>
        %dma_wait3A_404 = tpu.memref_squeeze %dma_wait3A_403 : memref<1x128xi32, #tpu.memory_space<vmem>> -> memref<128xi32, #tpu.memory_space<vmem>>
        %dma_wait3A_405 = arith.constant 0 : i32
        %dma_wait3A_406 = arith.constant 0 : i32
        %dma_wait3A_407 = tpu.memref_slice %arg13[%dma_wait3A_405, %dma_wait3A_406] : memref<10240x16xf32, #tpu.memory_space<vmem_shared>> -> memref<10240x16xf32, #tpu.memory_space<vmem_shared>>
        tpu.wait_indirect_dma semaphore(%arg21 : memref<!tpu.dma_semaphore, #tpu.memory_space<semaphore_mem>>) src(%arg12 : memref<128x16xf32, #tpu.memory_space<vmem>>) dst(%dma_wait3A_407 : memref<10240x16xf32, #tpu.memory_space<vmem_shared>>)
      } else {
      }
      %add3A_238 = arith.constant 4 : i32
      %add3A_239 = arith.addi %add3A_204, %add3A_238 : i32
      %sub3A = arith.constant 1 : i32
      %sub3A_240 = arith.subi %add3A_239, %sub3A : i32
      %dma_start3A_241 = arith.constant 3 : i32
      %dma_start3A_242 = arith.constant 0 : i32
      %dma_start3A_243 = tpu.memref_slice %arg8[%dma_start3A_241, %dma_start3A_242] : memref<4x128xi32, #tpu.memory_space<vmem>> -> memref<1x128xi32, #tpu.memory_space<vmem>>
      %dma_start3A_244 = tpu.memref_squeeze %dma_start3A_243 : memref<1x128xi32, #tpu.memory_space<vmem>> -> memref<128xi32, #tpu.memory_space<vmem>>
      %dma_start3A_245 = arith.constant 0 : i32
      %dma_start3A_246 = tpu.memref_slice %arg4[%add3A, %sub3A_240, %dma_start3A_245] : memref<32x80x128xi32, #tpu.memory_space<hbm>> -> memref<1x1x128xi32, #tpu.memory_space<hbm>>
      %dma_start3A_247 = tpu.memref_squeeze %dma_start3A_246 : memref<1x1x128xi32, #tpu.memory_space<hbm>> -> memref<128xi32, #tpu.memory_space<hbm>>
      %dma_start3A_248 = arith.constant 0 : i32
      %dma_start3A_249 = tpu.memref_slice %arg8[%dma_start3A_241, %dma_start3A_248] : memref<4x128xi32, #tpu.memory_space<vmem>> -> memref<1x128xi32, #tpu.memory_space<vmem>>
      %dma_start3A_250 = tpu.memref_squeeze %dma_start3A_249 : memref<1x128xi32, #tpu.memory_space<vmem>> -> memref<128xi32, #tpu.memory_space<vmem>>
      %dma_start3A_251 = arith.constant 0 : i32
      %dma_start3A_252 = tpu.memref_slice %arg4[%add3A, %sub3A_240, %dma_start3A_251] : memref<32x80x128xi32, #tpu.memory_space<hbm>> -> memref<1x1x128xi32, #tpu.memory_space<hbm>>
      %dma_start3A_253 = tpu.memref_squeeze %dma_start3A_252 : memref<1x1x128xi32, #tpu.memory_space<hbm>> -> memref<128xi32, #tpu.memory_space<hbm>>
      tpu.enqueue_dma source(%dma_start3A_253 : memref<128xi32, #tpu.memory_space<hbm>>) target(%dma_start3A_250 : memref<128xi32, #tpu.memory_space<vmem>>) target_semaphore(%arg29 : memref<!tpu.dma_semaphore, #tpu.memory_space<semaphore_mem>>)
      %add3A_254 = arith.constant 4 : i32
      %add3A_255 = arith.addi %add3A_204, %add3A_254 : i32
      %sub3A_256 = arith.constant 1 : i32
      %sub3A_257 = arith.subi %add3A_255, %sub3A_256 : i32
      %dma_wait3A_258 = arith.constant 3 : i32
      %dma_wait3A_259 = arith.constant 0 : i32
      %dma_wait3A_260 = tpu.memref_slice %arg7[%dma_wait3A_258, %dma_wait3A_259] : memref<4x128xi32, #tpu.memory_space<vmem>> -> memref<1x128xi32, #tpu.memory_space<vmem>>
      %dma_wait3A_261 = tpu.memref_squeeze %dma_wait3A_260 : memref<1x128xi32, #tpu.memory_space<vmem>> -> memref<128xi32, #tpu.memory_space<vmem>>
      %dma_wait3A_262 = arith.constant 0 : i32
      %dma_wait3A_263 = tpu.memref_slice %arg3[%add3A, %sub3A_257, %dma_wait3A_262] : memref<32x80x128xi32, #tpu.memory_space<hbm>> -> memref<1x1x128xi32, #tpu.memory_space<hbm>>
      %dma_wait3A_264 = tpu.memref_squeeze %dma_wait3A_263 : memref<1x1x128xi32, #tpu.memory_space<hbm>> -> memref<128xi32, #tpu.memory_space<hbm>>
      %dma_wait3A_265 = arith.constant 0 : i32
      %dma_wait3A_266 = tpu.memref_slice %arg7[%dma_wait3A_258, %dma_wait3A_265] : memref<4x128xi32, #tpu.memory_space<vmem>> -> memref<1x128xi32, #tpu.memory_space<vmem>>
      %dma_wait3A_267 = tpu.memref_squeeze %dma_wait3A_266 : memref<1x128xi32, #tpu.memory_space<vmem>> -> memref<128xi32, #tpu.memory_space<vmem>>
      %dma_wait3A_268 = arith.constant 0 : i32
      %dma_wait3A_269 = tpu.memref_slice %arg3[%add3A, %sub3A_257, %dma_wait3A_268] : memref<32x80x128xi32, #tpu.memory_space<hbm>> -> memref<1x1x128xi32, #tpu.memory_space<hbm>>
      %dma_wait3A_270 = tpu.memref_squeeze %dma_wait3A_269 : memref<1x1x128xi32, #tpu.memory_space<hbm>> -> memref<128xi32, #tpu.memory_space<hbm>>
      tpu.wait_dma2 semaphore(%arg25 : memref<!tpu.dma_semaphore, #tpu.memory_space<semaphore_mem>>) src(%dma_wait3A_270 : memref<128xi32, #tpu.memory_space<hbm>>) dst(%dma_wait3A_267 : memref<128xi32, #tpu.memory_space<vmem>>)
      %dma_start3A_271 = arith.constant 3 : i32
      %dma_start3A_272 = arith.constant 0 : i32
      %dma_start3A_273 = tpu.memref_slice %arg7[%dma_start3A_271, %dma_start3A_272] : memref<4x128xi32, #tpu.memory_space<vmem>> -> memref<1x128xi32, #tpu.memory_space<vmem>>
      %dma_start3A_274 = tpu.memref_squeeze %dma_start3A_273 : memref<1x128xi32, #tpu.memory_space<vmem>> -> memref<128xi32, #tpu.memory_space<vmem>>
      %dma_start3A_275 = arith.constant 0 : i32
      %dma_start3A_276 = arith.constant 0 : i32
      %dma_start3A_277 = tpu.memref_slice %arg2[%dma_start3A_275, %dma_start3A_276] : memref<10240x16xf32, #tpu.memory_space<hbm>> -> memref<10240x16xf32, #tpu.memory_space<hbm>>
      tpu.enqueue_indirect_dma source(%dma_start3A_277 : memref<10240x16xf32, #tpu.memory_space<hbm>>) target(%arg12 : memref<128x16xf32, #tpu.memory_space<vmem>>) offsets(%dma_start3A_274 : memref<128xi32, #tpu.memory_space<vmem>>) semaphore(%arg17 : memref<!tpu.dma_semaphore, #tpu.memory_space<semaphore_mem>>)
      %mul3A_278 = arith.constant 4 : i32
      %mul3A_279 = arith.muli %mul3A_278, %scan3A_200 : i32
      %add3A_280 = arith.constant 1 : i32
      %add3A_281 = arith.addi %mul3A_279, %add3A_280 : i32
      %dma_wait3A_282 = arith.constant 1 : i32
      %dma_wait3A_283 = arith.constant 0 : i32
      %dma_wait3A_284 = tpu.memref_slice %arg7[%dma_wait3A_282, %dma_wait3A_283] : memref<4x128xi32, #tpu.memory_space<vmem>> -> memref<1x128xi32, #tpu.memory_space<vmem>>
      %dma_wait3A_285 = tpu.memref_squeeze %dma_wait3A_284 : memref<1x128xi32, #tpu.memory_space<vmem>> -> memref<128xi32, #tpu.memory_space<vmem>>
      %dma_wait3A_286 = arith.constant 0 : i32
      %dma_wait3A_287 = arith.constant 0 : i32
      %dma_wait3A_288 = tpu.memref_slice %arg2[%dma_wait3A_286, %dma_wait3A_287] : memref<10240x16xf32, #tpu.memory_space<hbm>> -> memref<10240x16xf32, #tpu.memory_space<hbm>>
      tpu.wait_indirect_dma semaphore(%arg15 : memref<!tpu.dma_semaphore, #tpu.memory_space<semaphore_mem>>) src(%dma_wait3A_288 : memref<10240x16xf32, #tpu.memory_space<hbm>>) dst(%arg10 : memref<128x16xf32, #tpu.memory_space<vmem>>)
      %dma_wait3A_289 = arith.constant 1 : i32
      %dma_wait3A_290 = arith.constant 0 : i32
      %dma_wait3A_291 = tpu.memref_slice %arg8[%dma_wait3A_289, %dma_wait3A_290] : memref<4x128xi32, #tpu.memory_space<vmem>> -> memref<1x128xi32, #tpu.memory_space<vmem>>
      %dma_wait3A_292 = tpu.memref_squeeze %dma_wait3A_291 : memref<1x128xi32, #tpu.memory_space<vmem>> -> memref<128xi32, #tpu.memory_space<vmem>>
      %dma_wait3A_293 = arith.constant 0 : i32
      %dma_wait3A_294 = tpu.memref_slice %arg4[%add3A, %add3A_281, %dma_wait3A_293] : memref<32x80x128xi32, #tpu.memory_space<hbm>> -> memref<1x1x128xi32, #tpu.memory_space<hbm>>
      %dma_wait3A_295 = tpu.memref_squeeze %dma_wait3A_294 : memref<1x1x128xi32, #tpu.memory_space<hbm>> -> memref<128xi32, #tpu.memory_space<hbm>>
      %dma_wait3A_296 = arith.constant 0 : i32
      %dma_wait3A_297 = tpu.memref_slice %arg8[%dma_wait3A_289, %dma_wait3A_296] : memref<4x128xi32, #tpu.memory_space<vmem>> -> memref<1x128xi32, #tpu.memory_space<vmem>>
      %dma_wait3A_298 = tpu.memref_squeeze %dma_wait3A_297 : memref<1x128xi32, #tpu.memory_space<vmem>> -> memref<128xi32, #tpu.memory_space<vmem>>
      %dma_wait3A_299 = arith.constant 0 : i32
      %dma_wait3A_300 = tpu.memref_slice %arg4[%add3A, %add3A_281, %dma_wait3A_299] : memref<32x80x128xi32, #tpu.memory_space<hbm>> -> memref<1x1x128xi32, #tpu.memory_space<hbm>>
      %dma_wait3A_301 = tpu.memref_squeeze %dma_wait3A_300 : memref<1x1x128xi32, #tpu.memory_space<hbm>> -> memref<128xi32, #tpu.memory_space<hbm>>
      tpu.wait_dma2 semaphore(%arg27 : memref<!tpu.dma_semaphore, #tpu.memory_space<semaphore_mem>>) src(%dma_wait3A_301 : memref<128xi32, #tpu.memory_space<hbm>>) dst(%dma_wait3A_298 : memref<128xi32, #tpu.memory_space<vmem>>)
      %dma_start3A_302 = arith.constant 1 : i32
      %dma_start3A_303 = arith.constant 0 : i32
      %dma_start3A_304 = tpu.memref_slice %arg8[%dma_start3A_302, %dma_start3A_303] : memref<4x128xi32, #tpu.memory_space<vmem>> -> memref<1x128xi32, #tpu.memory_space<vmem>>
      %dma_start3A_305 = tpu.memref_squeeze %dma_start3A_304 : memref<1x128xi32, #tpu.memory_space<vmem>> -> memref<128xi32, #tpu.memory_space<vmem>>
      %dma_start3A_306 = arith.constant 0 : i32
      %dma_start3A_307 = arith.constant 0 : i32
      %dma_start3A_308 = tpu.memref_slice %arg13[%dma_start3A_306, %dma_start3A_307] : memref<10240x16xf32, #tpu.memory_space<vmem_shared>> -> memref<10240x16xf32, #tpu.memory_space<vmem_shared>>
      tpu.enqueue_indirect_dma source(%arg10 : memref<128x16xf32, #tpu.memory_space<vmem>>) target(%dma_start3A_308 : memref<10240x16xf32, #tpu.memory_space<vmem_shared>>) offsets(%dma_start3A_305 : memref<128xi32, #tpu.memory_space<vmem>>) semaphore(%arg19 : memref<!tpu.dma_semaphore, #tpu.memory_space<semaphore_mem>>) {add = true}
      %lt3A_309 = arith.constant 19 : i32
      %lt3A_310 = arith.cmpi slt, %scan3A_200, %lt3A_309 : i32
      %convert_element_type3A_311 = arith.extui %lt3A_310 : i1 to i32
      %cond3A_312 = arith.constant 0 : i32
      %cond3A_313 = arith.cmpi ne, %convert_element_type3A_311, %cond3A_312 : i32
      scf.if %cond3A_313 {
        %add3A_401 = arith.constant 4 : i32
        %add3A_402 = arith.addi %add3A_281, %add3A_401 : i32
        %dma_start3A_403 = arith.constant 1 : i32
        %dma_start3A_404 = arith.constant 0 : i32
        %dma_start3A_405 = tpu.memref_slice %arg7[%dma_start3A_403, %dma_start3A_404] : memref<4x128xi32, #tpu.memory_space<vmem>> -> memref<1x128xi32, #tpu.memory_space<vmem>>
        %dma_start3A_406 = tpu.memref_squeeze %dma_start3A_405 : memref<1x128xi32, #tpu.memory_space<vmem>> -> memref<128xi32, #tpu.memory_space<vmem>>
        %dma_start3A_407 = arith.constant 0 : i32
        %dma_start3A_408 = tpu.memref_slice %arg3[%add3A, %add3A_402, %dma_start3A_407] : memref<32x80x128xi32, #tpu.memory_space<hbm>> -> memref<1x1x128xi32, #tpu.memory_space<hbm>>
        %dma_start3A_409 = tpu.memref_squeeze %dma_start3A_408 : memref<1x1x128xi32, #tpu.memory_space<hbm>> -> memref<128xi32, #tpu.memory_space<hbm>>
        %dma_start3A_410 = arith.constant 0 : i32
        %dma_start3A_411 = tpu.memref_slice %arg7[%dma_start3A_403, %dma_start3A_410] : memref<4x128xi32, #tpu.memory_space<vmem>> -> memref<1x128xi32, #tpu.memory_space<vmem>>
        %dma_start3A_412 = tpu.memref_squeeze %dma_start3A_411 : memref<1x128xi32, #tpu.memory_space<vmem>> -> memref<128xi32, #tpu.memory_space<vmem>>
        %dma_start3A_413 = arith.constant 0 : i32
        %dma_start3A_414 = tpu.memref_slice %arg3[%add3A, %add3A_402, %dma_start3A_413] : memref<32x80x128xi32, #tpu.memory_space<hbm>> -> memref<1x1x128xi32, #tpu.memory_space<hbm>>
        %dma_start3A_415 = tpu.memref_squeeze %dma_start3A_414 : memref<1x1x128xi32, #tpu.memory_space<hbm>> -> memref<128xi32, #tpu.memory_space<hbm>>
        tpu.enqueue_dma source(%dma_start3A_415 : memref<128xi32, #tpu.memory_space<hbm>>) target(%dma_start3A_412 : memref<128xi32, #tpu.memory_space<vmem>>) target_semaphore(%arg23 : memref<!tpu.dma_semaphore, #tpu.memory_space<semaphore_mem>>)
      } else {
      }
      %lt3A_314 = arith.constant 19 : i32
      %lt3A_315 = arith.cmpi slt, %scan3A_200, %lt3A_314 : i32
      %convert_element_type3A_316 = arith.extui %lt3A_315 : i1 to i32
      %cond3A_317 = arith.constant 0 : i32
      %cond3A_318 = arith.cmpi ne, %convert_element_type3A_316, %cond3A_317 : i32
      scf.if %cond3A_318 {
        %dma_wait3A_401 = arith.constant 0 : i32
        %dma_wait3A_402 = arith.constant 0 : i32
        %dma_wait3A_403 = tpu.memref_slice %arg8[%dma_wait3A_401, %dma_wait3A_402] : memref<4x128xi32, #tpu.memory_space<vmem>> -> memref<1x128xi32, #tpu.memory_space<vmem>>
        %dma_wait3A_404 = tpu.memref_squeeze %dma_wait3A_403 : memref<1x128xi32, #tpu.memory_space<vmem>> -> memref<128xi32, #tpu.memory_space<vmem>>
        %dma_wait3A_405 = arith.constant 0 : i32
        %dma_wait3A_406 = arith.constant 0 : i32
        %dma_wait3A_407 = tpu.memref_slice %arg13[%dma_wait3A_405, %dma_wait3A_406] : memref<10240x16xf32, #tpu.memory_space<vmem_shared>> -> memref<10240x16xf32, #tpu.memory_space<vmem_shared>>
        tpu.wait_indirect_dma semaphore(%arg18 : memref<!tpu.dma_semaphore, #tpu.memory_space<semaphore_mem>>) src(%arg9 : memref<128x16xf32, #tpu.memory_space<vmem>>) dst(%dma_wait3A_407 : memref<10240x16xf32, #tpu.memory_space<vmem_shared>>)
        %add3A_408 = arith.constant 4 : i32
        %add3A_409 = arith.addi %add3A_281, %add3A_408 : i32
        %sub3A_410 = arith.constant 1 : i32
        %sub3A_411 = arith.subi %add3A_409, %sub3A_410 : i32
        %dma_start3A_412 = arith.constant 0 : i32
        %dma_start3A_413 = arith.constant 0 : i32
        %dma_start3A_414 = tpu.memref_slice %arg8[%dma_start3A_412, %dma_start3A_413] : memref<4x128xi32, #tpu.memory_space<vmem>> -> memref<1x128xi32, #tpu.memory_space<vmem>>
        %dma_start3A_415 = tpu.memref_squeeze %dma_start3A_414 : memref<1x128xi32, #tpu.memory_space<vmem>> -> memref<128xi32, #tpu.memory_space<vmem>>
        %dma_start3A_416 = arith.constant 0 : i32
        %dma_start3A_417 = tpu.memref_slice %arg4[%add3A, %sub3A_411, %dma_start3A_416] : memref<32x80x128xi32, #tpu.memory_space<hbm>> -> memref<1x1x128xi32, #tpu.memory_space<hbm>>
        %dma_start3A_418 = tpu.memref_squeeze %dma_start3A_417 : memref<1x1x128xi32, #tpu.memory_space<hbm>> -> memref<128xi32, #tpu.memory_space<hbm>>
        %dma_start3A_419 = arith.constant 0 : i32
        %dma_start3A_420 = tpu.memref_slice %arg8[%dma_start3A_412, %dma_start3A_419] : memref<4x128xi32, #tpu.memory_space<vmem>> -> memref<1x128xi32, #tpu.memory_space<vmem>>
        %dma_start3A_421 = tpu.memref_squeeze %dma_start3A_420 : memref<1x128xi32, #tpu.memory_space<vmem>> -> memref<128xi32, #tpu.memory_space<vmem>>
        %dma_start3A_422 = arith.constant 0 : i32
        %dma_start3A_423 = tpu.memref_slice %arg4[%add3A, %sub3A_411, %dma_start3A_422] : memref<32x80x128xi32, #tpu.memory_space<hbm>> -> memref<1x1x128xi32, #tpu.memory_space<hbm>>
        %dma_start3A_424 = tpu.memref_squeeze %dma_start3A_423 : memref<1x1x128xi32, #tpu.memory_space<hbm>> -> memref<128xi32, #tpu.memory_space<hbm>>
        tpu.enqueue_dma source(%dma_start3A_424 : memref<128xi32, #tpu.memory_space<hbm>>) target(%dma_start3A_421 : memref<128xi32, #tpu.memory_space<vmem>>) target_semaphore(%arg26 : memref<!tpu.dma_semaphore, #tpu.memory_space<semaphore_mem>>)
        %add3A_425 = arith.constant 4 : i32
        %add3A_426 = arith.addi %add3A_281, %add3A_425 : i32
        %sub3A_427 = arith.constant 1 : i32
        %sub3A_428 = arith.subi %add3A_426, %sub3A_427 : i32
        %dma_wait3A_429 = arith.constant 0 : i32
        %dma_wait3A_430 = arith.constant 0 : i32
        %dma_wait3A_431 = tpu.memref_slice %arg7[%dma_wait3A_429, %dma_wait3A_430] : memref<4x128xi32, #tpu.memory_space<vmem>> -> memref<1x128xi32, #tpu.memory_space<vmem>>
        %dma_wait3A_432 = tpu.memref_squeeze %dma_wait3A_431 : memref<1x128xi32, #tpu.memory_space<vmem>> -> memref<128xi32, #tpu.memory_space<vmem>>
        %dma_wait3A_433 = arith.constant 0 : i32
        %dma_wait3A_434 = tpu.memref_slice %arg3[%add3A, %sub3A_428, %dma_wait3A_433] : memref<32x80x128xi32, #tpu.memory_space<hbm>> -> memref<1x1x128xi32, #tpu.memory_space<hbm>>
        %dma_wait3A_435 = tpu.memref_squeeze %dma_wait3A_434 : memref<1x1x128xi32, #tpu.memory_space<hbm>> -> memref<128xi32, #tpu.memory_space<hbm>>
        %dma_wait3A_436 = arith.constant 0 : i32
        %dma_wait3A_437 = tpu.memref_slice %arg7[%dma_wait3A_429, %dma_wait3A_436] : memref<4x128xi32, #tpu.memory_space<vmem>> -> memref<1x128xi32, #tpu.memory_space<vmem>>
        %dma_wait3A_438 = tpu.memref_squeeze %dma_wait3A_437 : memref<1x128xi32, #tpu.memory_space<vmem>> -> memref<128xi32, #tpu.memory_space<vmem>>
        %dma_wait3A_439 = arith.constant 0 : i32
        %dma_wait3A_440 = tpu.memref_slice %arg3[%add3A, %sub3A_428, %dma_wait3A_439] : memref<32x80x128xi32, #tpu.memory_space<hbm>> -> memref<1x1x128xi32, #tpu.memory_space<hbm>>
        %dma_wait3A_441 = tpu.memref_squeeze %dma_wait3A_440 : memref<1x1x128xi32, #tpu.memory_space<hbm>> -> memref<128xi32, #tpu.memory_space<hbm>>
        tpu.wait_dma2 semaphore(%arg22 : memref<!tpu.dma_semaphore, #tpu.memory_space<semaphore_mem>>) src(%dma_wait3A_441 : memref<128xi32, #tpu.memory_space<hbm>>) dst(%dma_wait3A_438 : memref<128xi32, #tpu.memory_space<vmem>>)
        %dma_start3A_442 = arith.constant 0 : i32
        %dma_start3A_443 = arith.constant 0 : i32
        %dma_start3A_444 = tpu.memref_slice %arg7[%dma_start3A_442, %dma_start3A_443] : memref<4x128xi32, #tpu.memory_space<vmem>> -> memref<1x128xi32, #tpu.memory_space<vmem>>
        %dma_start3A_445 = tpu.memref_squeeze %dma_start3A_444 : memref<1x128xi32, #tpu.memory_space<vmem>> -> memref<128xi32, #tpu.memory_space<vmem>>
        %dma_start3A_446 = arith.constant 0 : i32
        %dma_start3A_447 = arith.constant 0 : i32
        %dma_start3A_448 = tpu.memref_slice %arg2[%dma_start3A_446, %dma_start3A_447] : memref<10240x16xf32, #tpu.memory_space<hbm>> -> memref<10240x16xf32, #tpu.memory_space<hbm>>
        tpu.enqueue_indirect_dma source(%dma_start3A_448 : memref<10240x16xf32, #tpu.memory_space<hbm>>) target(%arg9 : memref<128x16xf32, #tpu.memory_space<vmem>>) offsets(%dma_start3A_445 : memref<128xi32, #tpu.memory_space<vmem>>) semaphore(%arg14 : memref<!tpu.dma_semaphore, #tpu.memory_space<semaphore_mem>>)
      } else {
      }
      %mul3A_319 = arith.constant 4 : i32
      %mul3A_320 = arith.muli %mul3A_319, %scan3A_200 : i32
      %add3A_321 = arith.constant 2 : i32
      %add3A_322 = arith.addi %mul3A_320, %add3A_321 : i32
      %dma_wait3A_323 = arith.constant 2 : i32
      %dma_wait3A_324 = arith.constant 0 : i32
      %dma_wait3A_325 = tpu.memref_slice %arg7[%dma_wait3A_323, %dma_wait3A_324] : memref<4x128xi32, #tpu.memory_space<vmem>> -> memref<1x128xi32, #tpu.memory_space<vmem>>
      %dma_wait3A_326 = tpu.memref_squeeze %dma_wait3A_325 : memref<1x128xi32, #tpu.memory_space<vmem>> -> memref<128xi32, #tpu.memory_space<vmem>>
      %dma_wait3A_327 = arith.constant 0 : i32
      %dma_wait3A_328 = arith.constant 0 : i32
      %dma_wait3A_329 = tpu.memref_slice %arg2[%dma_wait3A_327, %dma_wait3A_328] : memref<10240x16xf32, #tpu.memory_space<hbm>> -> memref<10240x16xf32, #tpu.memory_space<hbm>>
      tpu.wait_indirect_dma semaphore(%arg16 : memref<!tpu.dma_semaphore, #tpu.memory_space<semaphore_mem>>) src(%dma_wait3A_329 : memref<10240x16xf32, #tpu.memory_space<hbm>>) dst(%arg11 : memref<128x16xf32, #tpu.memory_space<vmem>>)
      %dma_wait3A_330 = arith.constant 2 : i32
      %dma_wait3A_331 = arith.constant 0 : i32
      %dma_wait3A_332 = tpu.memref_slice %arg8[%dma_wait3A_330, %dma_wait3A_331] : memref<4x128xi32, #tpu.memory_space<vmem>> -> memref<1x128xi32, #tpu.memory_space<vmem>>
      %dma_wait3A_333 = tpu.memref_squeeze %dma_wait3A_332 : memref<1x128xi32, #tpu.memory_space<vmem>> -> memref<128xi32, #tpu.memory_space<vmem>>
      %dma_wait3A_334 = arith.constant 0 : i32
      %dma_wait3A_335 = tpu.memref_slice %arg4[%add3A, %add3A_322, %dma_wait3A_334] : memref<32x80x128xi32, #tpu.memory_space<hbm>> -> memref<1x1x128xi32, #tpu.memory_space<hbm>>
      %dma_wait3A_336 = tpu.memref_squeeze %dma_wait3A_335 : memref<1x1x128xi32, #tpu.memory_space<hbm>> -> memref<128xi32, #tpu.memory_space<hbm>>
      %dma_wait3A_337 = arith.constant 0 : i32
      %dma_wait3A_338 = tpu.memref_slice %arg8[%dma_wait3A_330, %dma_wait3A_337] : memref<4x128xi32, #tpu.memory_space<vmem>> -> memref<1x128xi32, #tpu.memory_space<vmem>>
      %dma_wait3A_339 = tpu.memref_squeeze %dma_wait3A_338 : memref<1x128xi32, #tpu.memory_space<vmem>> -> memref<128xi32, #tpu.memory_space<vmem>>
      %dma_wait3A_340 = arith.constant 0 : i32
      %dma_wait3A_341 = tpu.memref_slice %arg4[%add3A, %add3A_322, %dma_wait3A_340] : memref<32x80x128xi32, #tpu.memory_space<hbm>> -> memref<1x1x128xi32, #tpu.memory_space<hbm>>
      %dma_wait3A_342 = tpu.memref_squeeze %dma_wait3A_341 : memref<1x1x128xi32, #tpu.memory_space<hbm>> -> memref<128xi32, #tpu.memory_space<hbm>>
      tpu.wait_dma2 semaphore(%arg28 : memref<!tpu.dma_semaphore, #tpu.memory_space<semaphore_mem>>) src(%dma_wait3A_342 : memref<128xi32, #tpu.memory_space<hbm>>) dst(%dma_wait3A_339 : memref<128xi32, #tpu.memory_space<vmem>>)
      %dma_start3A_343 = arith.constant 2 : i32
      %dma_start3A_344 = arith.constant 0 : i32
      %dma_start3A_345 = tpu.memref_slice %arg8[%dma_start3A_343, %dma_start3A_344] : memref<4x128xi32, #tpu.memory_space<vmem>> -> memref<1x128xi32, #tpu.memory_space<vmem>>
      %dma_start3A_346 = tpu.memref_squeeze %dma_start3A_345 : memref<1x128xi32, #tpu.memory_space<vmem>> -> memref<128xi32, #tpu.memory_space<vmem>>
      %dma_start3A_347 = arith.constant 0 : i32
      %dma_start3A_348 = arith.constant 0 : i32
      %dma_start3A_349 = tpu.memref_slice %arg13[%dma_start3A_347, %dma_start3A_348] : memref<10240x16xf32, #tpu.memory_space<vmem_shared>> -> memref<10240x16xf32, #tpu.memory_space<vmem_shared>>
      tpu.enqueue_indirect_dma source(%arg11 : memref<128x16xf32, #tpu.memory_space<vmem>>) target(%dma_start3A_349 : memref<10240x16xf32, #tpu.memory_space<vmem_shared>>) offsets(%dma_start3A_346 : memref<128xi32, #tpu.memory_space<vmem>>) semaphore(%arg20 : memref<!tpu.dma_semaphore, #tpu.memory_space<semaphore_mem>>) {add = true}
      %lt3A_350 = arith.constant 19 : i32
      %lt3A_351 = arith.cmpi slt, %scan3A_200, %lt3A_350 : i32
      %convert_element_type3A_352 = arith.extui %lt3A_351 : i1 to i32
      %cond3A_353 = arith.constant 0 : i32
      %cond3A_354 = arith.cmpi ne, %convert_element_type3A_352, %cond3A_353 : i32
      scf.if %cond3A_354 {
        %add3A_401 = arith.constant 4 : i32
        %add3A_402 = arith.addi %add3A_322, %add3A_401 : i32
        %dma_start3A_403 = arith.constant 2 : i32
        %dma_start3A_404 = arith.constant 0 : i32
        %dma_start3A_405 = tpu.memref_slice %arg7[%dma_start3A_403, %dma_start3A_404] : memref<4x128xi32, #tpu.memory_space<vmem>> -> memref<1x128xi32, #tpu.memory_space<vmem>>
        %dma_start3A_406 = tpu.memref_squeeze %dma_start3A_405 : memref<1x128xi32, #tpu.memory_space<vmem>> -> memref<128xi32, #tpu.memory_space<vmem>>
        %dma_start3A_407 = arith.constant 0 : i32
        %dma_start3A_408 = tpu.memref_slice %arg3[%add3A, %add3A_402, %dma_start3A_407] : memref<32x80x128xi32, #tpu.memory_space<hbm>> -> memref<1x1x128xi32, #tpu.memory_space<hbm>>
        %dma_start3A_409 = tpu.memref_squeeze %dma_start3A_408 : memref<1x1x128xi32, #tpu.memory_space<hbm>> -> memref<128xi32, #tpu.memory_space<hbm>>
        %dma_start3A_410 = arith.constant 0 : i32
        %dma_start3A_411 = tpu.memref_slice %arg7[%dma_start3A_403, %dma_start3A_410] : memref<4x128xi32, #tpu.memory_space<vmem>> -> memref<1x128xi32, #tpu.memory_space<vmem>>
        %dma_start3A_412 = tpu.memref_squeeze %dma_start3A_411 : memref<1x128xi32, #tpu.memory_space<vmem>> -> memref<128xi32, #tpu.memory_space<vmem>>
        %dma_start3A_413 = arith.constant 0 : i32
        %dma_start3A_414 = tpu.memref_slice %arg3[%add3A, %add3A_402, %dma_start3A_413] : memref<32x80x128xi32, #tpu.memory_space<hbm>> -> memref<1x1x128xi32, #tpu.memory_space<hbm>>
        %dma_start3A_415 = tpu.memref_squeeze %dma_start3A_414 : memref<1x1x128xi32, #tpu.memory_space<hbm>> -> memref<128xi32, #tpu.memory_space<hbm>>
        tpu.enqueue_dma source(%dma_start3A_415 : memref<128xi32, #tpu.memory_space<hbm>>) target(%dma_start3A_412 : memref<128xi32, #tpu.memory_space<vmem>>) target_semaphore(%arg24 : memref<!tpu.dma_semaphore, #tpu.memory_space<semaphore_mem>>)
      } else {
      }
      %lt3A_355 = arith.constant 19 : i32
      %lt3A_356 = arith.cmpi slt, %scan3A_200, %lt3A_355 : i32
      %convert_element_type3A_357 = arith.extui %lt3A_356 : i1 to i32
      %cond3A_358 = arith.constant 0 : i32
      %cond3A_359 = arith.cmpi ne, %convert_element_type3A_357, %cond3A_358 : i32
      scf.if %cond3A_359 {
        %dma_wait3A_401 = arith.constant 1 : i32
        %dma_wait3A_402 = arith.constant 0 : i32
        %dma_wait3A_403 = tpu.memref_slice %arg8[%dma_wait3A_401, %dma_wait3A_402] : memref<4x128xi32, #tpu.memory_space<vmem>> -> memref<1x128xi32, #tpu.memory_space<vmem>>
        %dma_wait3A_404 = tpu.memref_squeeze %dma_wait3A_403 : memref<1x128xi32, #tpu.memory_space<vmem>> -> memref<128xi32, #tpu.memory_space<vmem>>
        %dma_wait3A_405 = arith.constant 0 : i32
        %dma_wait3A_406 = arith.constant 0 : i32
        %dma_wait3A_407 = tpu.memref_slice %arg13[%dma_wait3A_405, %dma_wait3A_406] : memref<10240x16xf32, #tpu.memory_space<vmem_shared>> -> memref<10240x16xf32, #tpu.memory_space<vmem_shared>>
        tpu.wait_indirect_dma semaphore(%arg19 : memref<!tpu.dma_semaphore, #tpu.memory_space<semaphore_mem>>) src(%arg10 : memref<128x16xf32, #tpu.memory_space<vmem>>) dst(%dma_wait3A_407 : memref<10240x16xf32, #tpu.memory_space<vmem_shared>>)
        %add3A_408 = arith.constant 4 : i32
        %add3A_409 = arith.addi %add3A_322, %add3A_408 : i32
        %sub3A_410 = arith.constant 1 : i32
        %sub3A_411 = arith.subi %add3A_409, %sub3A_410 : i32
        %dma_start3A_412 = arith.constant 1 : i32
        %dma_start3A_413 = arith.constant 0 : i32
        %dma_start3A_414 = tpu.memref_slice %arg8[%dma_start3A_412, %dma_start3A_413] : memref<4x128xi32, #tpu.memory_space<vmem>> -> memref<1x128xi32, #tpu.memory_space<vmem>>
        %dma_start3A_415 = tpu.memref_squeeze %dma_start3A_414 : memref<1x128xi32, #tpu.memory_space<vmem>> -> memref<128xi32, #tpu.memory_space<vmem>>
        %dma_start3A_416 = arith.constant 0 : i32
        %dma_start3A_417 = tpu.memref_slice %arg4[%add3A, %sub3A_411, %dma_start3A_416] : memref<32x80x128xi32, #tpu.memory_space<hbm>> -> memref<1x1x128xi32, #tpu.memory_space<hbm>>
        %dma_start3A_418 = tpu.memref_squeeze %dma_start3A_417 : memref<1x1x128xi32, #tpu.memory_space<hbm>> -> memref<128xi32, #tpu.memory_space<hbm>>
        %dma_start3A_419 = arith.constant 0 : i32
        %dma_start3A_420 = tpu.memref_slice %arg8[%dma_start3A_412, %dma_start3A_419] : memref<4x128xi32, #tpu.memory_space<vmem>> -> memref<1x128xi32, #tpu.memory_space<vmem>>
        %dma_start3A_421 = tpu.memref_squeeze %dma_start3A_420 : memref<1x128xi32, #tpu.memory_space<vmem>> -> memref<128xi32, #tpu.memory_space<vmem>>
        %dma_start3A_422 = arith.constant 0 : i32
        %dma_start3A_423 = tpu.memref_slice %arg4[%add3A, %sub3A_411, %dma_start3A_422] : memref<32x80x128xi32, #tpu.memory_space<hbm>> -> memref<1x1x128xi32, #tpu.memory_space<hbm>>
        %dma_start3A_424 = tpu.memref_squeeze %dma_start3A_423 : memref<1x1x128xi32, #tpu.memory_space<hbm>> -> memref<128xi32, #tpu.memory_space<hbm>>
        tpu.enqueue_dma source(%dma_start3A_424 : memref<128xi32, #tpu.memory_space<hbm>>) target(%dma_start3A_421 : memref<128xi32, #tpu.memory_space<vmem>>) target_semaphore(%arg27 : memref<!tpu.dma_semaphore, #tpu.memory_space<semaphore_mem>>)
        %add3A_425 = arith.constant 4 : i32
        %add3A_426 = arith.addi %add3A_322, %add3A_425 : i32
        %sub3A_427 = arith.constant 1 : i32
        %sub3A_428 = arith.subi %add3A_426, %sub3A_427 : i32
        %dma_wait3A_429 = arith.constant 1 : i32
        %dma_wait3A_430 = arith.constant 0 : i32
        %dma_wait3A_431 = tpu.memref_slice %arg7[%dma_wait3A_429, %dma_wait3A_430] : memref<4x128xi32, #tpu.memory_space<vmem>> -> memref<1x128xi32, #tpu.memory_space<vmem>>
        %dma_wait3A_432 = tpu.memref_squeeze %dma_wait3A_431 : memref<1x128xi32, #tpu.memory_space<vmem>> -> memref<128xi32, #tpu.memory_space<vmem>>
        %dma_wait3A_433 = arith.constant 0 : i32
        %dma_wait3A_434 = tpu.memref_slice %arg3[%add3A, %sub3A_428, %dma_wait3A_433] : memref<32x80x128xi32, #tpu.memory_space<hbm>> -> memref<1x1x128xi32, #tpu.memory_space<hbm>>
        %dma_wait3A_435 = tpu.memref_squeeze %dma_wait3A_434 : memref<1x1x128xi32, #tpu.memory_space<hbm>> -> memref<128xi32, #tpu.memory_space<hbm>>
        %dma_wait3A_436 = arith.constant 0 : i32
        %dma_wait3A_437 = tpu.memref_slice %arg7[%dma_wait3A_429, %dma_wait3A_436] : memref<4x128xi32, #tpu.memory_space<vmem>> -> memref<1x128xi32, #tpu.memory_space<vmem>>
        %dma_wait3A_438 = tpu.memref_squeeze %dma_wait3A_437 : memref<1x128xi32, #tpu.memory_space<vmem>> -> memref<128xi32, #tpu.memory_space<vmem>>
        %dma_wait3A_439 = arith.constant 0 : i32
        %dma_wait3A_440 = tpu.memref_slice %arg3[%add3A, %sub3A_428, %dma_wait3A_439] : memref<32x80x128xi32, #tpu.memory_space<hbm>> -> memref<1x1x128xi32, #tpu.memory_space<hbm>>
        %dma_wait3A_441 = tpu.memref_squeeze %dma_wait3A_440 : memref<1x1x128xi32, #tpu.memory_space<hbm>> -> memref<128xi32, #tpu.memory_space<hbm>>
        tpu.wait_dma2 semaphore(%arg23 : memref<!tpu.dma_semaphore, #tpu.memory_space<semaphore_mem>>) src(%dma_wait3A_441 : memref<128xi32, #tpu.memory_space<hbm>>) dst(%dma_wait3A_438 : memref<128xi32, #tpu.memory_space<vmem>>)
        %dma_start3A_442 = arith.constant 1 : i32
        %dma_start3A_443 = arith.constant 0 : i32
        %dma_start3A_444 = tpu.memref_slice %arg7[%dma_start3A_442, %dma_start3A_443] : memref<4x128xi32, #tpu.memory_space<vmem>> -> memref<1x128xi32, #tpu.memory_space<vmem>>
        %dma_start3A_445 = tpu.memref_squeeze %dma_start3A_444 : memref<1x128xi32, #tpu.memory_space<vmem>> -> memref<128xi32, #tpu.memory_space<vmem>>
        %dma_start3A_446 = arith.constant 0 : i32
        %dma_start3A_447 = arith.constant 0 : i32
        %dma_start3A_448 = tpu.memref_slice %arg2[%dma_start3A_446, %dma_start3A_447] : memref<10240x16xf32, #tpu.memory_space<hbm>> -> memref<10240x16xf32, #tpu.memory_space<hbm>>
        tpu.enqueue_indirect_dma source(%dma_start3A_448 : memref<10240x16xf32, #tpu.memory_space<hbm>>) target(%arg10 : memref<128x16xf32, #tpu.memory_space<vmem>>) offsets(%dma_start3A_445 : memref<128xi32, #tpu.memory_space<vmem>>) semaphore(%arg15 : memref<!tpu.dma_semaphore, #tpu.memory_space<semaphore_mem>>)
      } else {
      }
      %mul3A_360 = arith.constant 4 : i32
      %mul3A_361 = arith.muli %mul3A_360, %scan3A_200 : i32
      %add3A_362 = arith.constant 3 : i32
      %add3A_363 = arith.addi %mul3A_361, %add3A_362 : i32
      %dma_wait3A_364 = arith.constant 3 : i32
      %dma_wait3A_365 = arith.constant 0 : i32
      %dma_wait3A_366 = tpu.memref_slice %arg7[%dma_wait3A_364, %dma_wait3A_365] : memref<4x128xi32, #tpu.memory_space<vmem>> -> memref<1x128xi32, #tpu.memory_space<vmem>>
      %dma_wait3A_367 = tpu.memref_squeeze %dma_wait3A_366 : memref<1x128xi32, #tpu.memory_space<vmem>> -> memref<128xi32, #tpu.memory_space<vmem>>
      %dma_wait3A_368 = arith.constant 0 : i32
      %dma_wait3A_369 = arith.constant 0 : i32
      %dma_wait3A_370 = tpu.memref_slice %arg2[%dma_wait3A_368, %dma_wait3A_369] : memref<10240x16xf32, #tpu.memory_space<hbm>> -> memref<10240x16xf32, #tpu.memory_space<hbm>>
      tpu.wait_indirect_dma semaphore(%arg17 : memref<!tpu.dma_semaphore, #tpu.memory_space<semaphore_mem>>) src(%dma_wait3A_370 : memref<10240x16xf32, #tpu.memory_space<hbm>>) dst(%arg12 : memref<128x16xf32, #tpu.memory_space<vmem>>)
      %dma_wait3A_371 = arith.constant 3 : i32
      %dma_wait3A_372 = arith.constant 0 : i32
      %dma_wait3A_373 = tpu.memref_slice %arg8[%dma_wait3A_371, %dma_wait3A_372] : memref<4x128xi32, #tpu.memory_space<vmem>> -> memref<1x128xi32, #tpu.memory_space<vmem>>
      %dma_wait3A_374 = tpu.memref_squeeze %dma_wait3A_373 : memref<1x128xi32, #tpu.memory_space<vmem>> -> memref<128xi32, #tpu.memory_space<vmem>>
      %dma_wait3A_375 = arith.constant 0 : i32
      %dma_wait3A_376 = tpu.memref_slice %arg4[%add3A, %add3A_363, %dma_wait3A_375] : memref<32x80x128xi32, #tpu.memory_space<hbm>> -> memref<1x1x128xi32, #tpu.memory_space<hbm>>
      %dma_wait3A_377 = tpu.memref_squeeze %dma_wait3A_376 : memref<1x1x128xi32, #tpu.memory_space<hbm>> -> memref<128xi32, #tpu.memory_space<hbm>>
      %dma_wait3A_378 = arith.constant 0 : i32
      %dma_wait3A_379 = tpu.memref_slice %arg8[%dma_wait3A_371, %dma_wait3A_378] : memref<4x128xi32, #tpu.memory_space<vmem>> -> memref<1x128xi32, #tpu.memory_space<vmem>>
      %dma_wait3A_380 = tpu.memref_squeeze %dma_wait3A_379 : memref<1x128xi32, #tpu.memory_space<vmem>> -> memref<128xi32, #tpu.memory_space<vmem>>
      %dma_wait3A_381 = arith.constant 0 : i32
      %dma_wait3A_382 = tpu.memref_slice %arg4[%add3A, %add3A_363, %dma_wait3A_381] : memref<32x80x128xi32, #tpu.memory_space<hbm>> -> memref<1x1x128xi32, #tpu.memory_space<hbm>>
      %dma_wait3A_383 = tpu.memref_squeeze %dma_wait3A_382 : memref<1x1x128xi32, #tpu.memory_space<hbm>> -> memref<128xi32, #tpu.memory_space<hbm>>
      tpu.wait_dma2 semaphore(%arg29 : memref<!tpu.dma_semaphore, #tpu.memory_space<semaphore_mem>>) src(%dma_wait3A_383 : memref<128xi32, #tpu.memory_space<hbm>>) dst(%dma_wait3A_380 : memref<128xi32, #tpu.memory_space<vmem>>)
      %dma_start3A_384 = arith.constant 3 : i32
      %dma_start3A_385 = arith.constant 0 : i32
      %dma_start3A_386 = tpu.memref_slice %arg8[%dma_start3A_384, %dma_start3A_385] : memref<4x128xi32, #tpu.memory_space<vmem>> -> memref<1x128xi32, #tpu.memory_space<vmem>>
      %dma_start3A_387 = tpu.memref_squeeze %dma_start3A_386 : memref<1x128xi32, #tpu.memory_space<vmem>> -> memref<128xi32, #tpu.memory_space<vmem>>
      %dma_start3A_388 = arith.constant 0 : i32
      %dma_start3A_389 = arith.constant 0 : i32
      %dma_start3A_390 = tpu.memref_slice %arg13[%dma_start3A_388, %dma_start3A_389] : memref<10240x16xf32, #tpu.memory_space<vmem_shared>> -> memref<10240x16xf32, #tpu.memory_space<vmem_shared>>
      tpu.enqueue_indirect_dma source(%arg12 : memref<128x16xf32, #tpu.memory_space<vmem>>) target(%dma_start3A_390 : memref<10240x16xf32, #tpu.memory_space<vmem_shared>>) offsets(%dma_start3A_387 : memref<128xi32, #tpu.memory_space<vmem>>) semaphore(%arg21 : memref<!tpu.dma_semaphore, #tpu.memory_space<semaphore_mem>>) {add = true}
      %lt3A_391 = arith.constant 19 : i32
      %lt3A_392 = arith.cmpi slt, %scan3A_200, %lt3A_391 : i32
      %convert_element_type3A_393 = arith.extui %lt3A_392 : i1 to i32
      %cond3A_394 = arith.constant 0 : i32
      %cond3A_395 = arith.cmpi ne, %convert_element_type3A_393, %cond3A_394 : i32
      scf.if %cond3A_395 {
        %add3A_401 = arith.constant 4 : i32
        %add3A_402 = arith.addi %add3A_363, %add3A_401 : i32
        %dma_start3A_403 = arith.constant 3 : i32
        %dma_start3A_404 = arith.constant 0 : i32
        %dma_start3A_405 = tpu.memref_slice %arg7[%dma_start3A_403, %dma_start3A_404] : memref<4x128xi32, #tpu.memory_space<vmem>> -> memref<1x128xi32, #tpu.memory_space<vmem>>
        %dma_start3A_406 = tpu.memref_squeeze %dma_start3A_405 : memref<1x128xi32, #tpu.memory_space<vmem>> -> memref<128xi32, #tpu.memory_space<vmem>>
        %dma_start3A_407 = arith.constant 0 : i32
        %dma_start3A_408 = tpu.memref_slice %arg3[%add3A, %add3A_402, %dma_start3A_407] : memref<32x80x128xi32, #tpu.memory_space<hbm>> -> memref<1x1x128xi32, #tpu.memory_space<hbm>>
        %dma_start3A_409 = tpu.memref_squeeze %dma_start3A_408 : memref<1x1x128xi32, #tpu.memory_space<hbm>> -> memref<128xi32, #tpu.memory_space<hbm>>
        %dma_start3A_410 = arith.constant 0 : i32
        %dma_start3A_411 = tpu.memref_slice %arg7[%dma_start3A_403, %dma_start3A_410] : memref<4x128xi32, #tpu.memory_space<vmem>> -> memref<1x128xi32, #tpu.memory_space<vmem>>
        %dma_start3A_412 = tpu.memref_squeeze %dma_start3A_411 : memref<1x128xi32, #tpu.memory_space<vmem>> -> memref<128xi32, #tpu.memory_space<vmem>>
        %dma_start3A_413 = arith.constant 0 : i32
        %dma_start3A_414 = tpu.memref_slice %arg3[%add3A, %add3A_402, %dma_start3A_413] : memref<32x80x128xi32, #tpu.memory_space<hbm>> -> memref<1x1x128xi32, #tpu.memory_space<hbm>>
        %dma_start3A_415 = tpu.memref_squeeze %dma_start3A_414 : memref<1x1x128xi32, #tpu.memory_space<hbm>> -> memref<128xi32, #tpu.memory_space<hbm>>
        tpu.enqueue_dma source(%dma_start3A_415 : memref<128xi32, #tpu.memory_space<hbm>>) target(%dma_start3A_412 : memref<128xi32, #tpu.memory_space<vmem>>) target_semaphore(%arg25 : memref<!tpu.dma_semaphore, #tpu.memory_space<semaphore_mem>>)
      } else {
      }
      %lt3A_396 = arith.constant 19 : i32
      %lt3A_397 = arith.cmpi slt, %scan3A_200, %lt3A_396 : i32
      %convert_element_type3A_398 = arith.extui %lt3A_397 : i1 to i32
      %cond3A_399 = arith.constant 0 : i32
      %cond3A_400 = arith.cmpi ne, %convert_element_type3A_398, %cond3A_399 : i32
      scf.if %cond3A_400 {
        %dma_wait3A_401 = arith.constant 2 : i32
        %dma_wait3A_402 = arith.constant 0 : i32
        %dma_wait3A_403 = tpu.memref_slice %arg8[%dma_wait3A_401, %dma_wait3A_402] : memref<4x128xi32, #tpu.memory_space<vmem>> -> memref<1x128xi32, #tpu.memory_space<vmem>>
        %dma_wait3A_404 = tpu.memref_squeeze %dma_wait3A_403 : memref<1x128xi32, #tpu.memory_space<vmem>> -> memref<128xi32, #tpu.memory_space<vmem>>
        %dma_wait3A_405 = arith.constant 0 : i32
        %dma_wait3A_406 = arith.constant 0 : i32
        %dma_wait3A_407 = tpu.memref_slice %arg13[%dma_wait3A_405, %dma_wait3A_406] : memref<10240x16xf32, #tpu.memory_space<vmem_shared>> -> memref<10240x16xf32, #tpu.memory_space<vmem_shared>>
        tpu.wait_indirect_dma semaphore(%arg20 : memref<!tpu.dma_semaphore, #tpu.memory_space<semaphore_mem>>) src(%arg11 : memref<128x16xf32, #tpu.memory_space<vmem>>) dst(%dma_wait3A_407 : memref<10240x16xf32, #tpu.memory_space<vmem_shared>>)
        %add3A_408 = arith.constant 4 : i32
        %add3A_409 = arith.addi %add3A_363, %add3A_408 : i32
        %sub3A_410 = arith.constant 1 : i32
        %sub3A_411 = arith.subi %add3A_409, %sub3A_410 : i32
        %dma_start3A_412 = arith.constant 2 : i32
        %dma_start3A_413 = arith.constant 0 : i32
        %dma_start3A_414 = tpu.memref_slice %arg8[%dma_start3A_412, %dma_start3A_413] : memref<4x128xi32, #tpu.memory_space<vmem>> -> memref<1x128xi32, #tpu.memory_space<vmem>>
        %dma_start3A_415 = tpu.memref_squeeze %dma_start3A_414 : memref<1x128xi32, #tpu.memory_space<vmem>> -> memref<128xi32, #tpu.memory_space<vmem>>
        %dma_start3A_416 = arith.constant 0 : i32
        %dma_start3A_417 = tpu.memref_slice %arg4[%add3A, %sub3A_411, %dma_start3A_416] : memref<32x80x128xi32, #tpu.memory_space<hbm>> -> memref<1x1x128xi32, #tpu.memory_space<hbm>>
        %dma_start3A_418 = tpu.memref_squeeze %dma_start3A_417 : memref<1x1x128xi32, #tpu.memory_space<hbm>> -> memref<128xi32, #tpu.memory_space<hbm>>
        %dma_start3A_419 = arith.constant 0 : i32
        %dma_start3A_420 = tpu.memref_slice %arg8[%dma_start3A_412, %dma_start3A_419] : memref<4x128xi32, #tpu.memory_space<vmem>> -> memref<1x128xi32, #tpu.memory_space<vmem>>
        %dma_start3A_421 = tpu.memref_squeeze %dma_start3A_420 : memref<1x128xi32, #tpu.memory_space<vmem>> -> memref<128xi32, #tpu.memory_space<vmem>>
        %dma_start3A_422 = arith.constant 0 : i32
        %dma_start3A_423 = tpu.memref_slice %arg4[%add3A, %sub3A_411, %dma_start3A_422] : memref<32x80x128xi32, #tpu.memory_space<hbm>> -> memref<1x1x128xi32, #tpu.memory_space<hbm>>
        %dma_start3A_424 = tpu.memref_squeeze %dma_start3A_423 : memref<1x1x128xi32, #tpu.memory_space<hbm>> -> memref<128xi32, #tpu.memory_space<hbm>>
        tpu.enqueue_dma source(%dma_start3A_424 : memref<128xi32, #tpu.memory_space<hbm>>) target(%dma_start3A_421 : memref<128xi32, #tpu.memory_space<vmem>>) target_semaphore(%arg28 : memref<!tpu.dma_semaphore, #tpu.memory_space<semaphore_mem>>)
        %add3A_425 = arith.constant 4 : i32
        %add3A_426 = arith.addi %add3A_363, %add3A_425 : i32
        %sub3A_427 = arith.constant 1 : i32
        %sub3A_428 = arith.subi %add3A_426, %sub3A_427 : i32
        %dma_wait3A_429 = arith.constant 2 : i32
        %dma_wait3A_430 = arith.constant 0 : i32
        %dma_wait3A_431 = tpu.memref_slice %arg7[%dma_wait3A_429, %dma_wait3A_430] : memref<4x128xi32, #tpu.memory_space<vmem>> -> memref<1x128xi32, #tpu.memory_space<vmem>>
        %dma_wait3A_432 = tpu.memref_squeeze %dma_wait3A_431 : memref<1x128xi32, #tpu.memory_space<vmem>> -> memref<128xi32, #tpu.memory_space<vmem>>
        %dma_wait3A_433 = arith.constant 0 : i32
        %dma_wait3A_434 = tpu.memref_slice %arg3[%add3A, %sub3A_428, %dma_wait3A_433] : memref<32x80x128xi32, #tpu.memory_space<hbm>> -> memref<1x1x128xi32, #tpu.memory_space<hbm>>
        %dma_wait3A_435 = tpu.memref_squeeze %dma_wait3A_434 : memref<1x1x128xi32, #tpu.memory_space<hbm>> -> memref<128xi32, #tpu.memory_space<hbm>>
        %dma_wait3A_436 = arith.constant 0 : i32
        %dma_wait3A_437 = tpu.memref_slice %arg7[%dma_wait3A_429, %dma_wait3A_436] : memref<4x128xi32, #tpu.memory_space<vmem>> -> memref<1x128xi32, #tpu.memory_space<vmem>>
        %dma_wait3A_438 = tpu.memref_squeeze %dma_wait3A_437 : memref<1x128xi32, #tpu.memory_space<vmem>> -> memref<128xi32, #tpu.memory_space<vmem>>
        %dma_wait3A_439 = arith.constant 0 : i32
        %dma_wait3A_440 = tpu.memref_slice %arg3[%add3A, %sub3A_428, %dma_wait3A_439] : memref<32x80x128xi32, #tpu.memory_space<hbm>> -> memref<1x1x128xi32, #tpu.memory_space<hbm>>
        %dma_wait3A_441 = tpu.memref_squeeze %dma_wait3A_440 : memref<1x1x128xi32, #tpu.memory_space<hbm>> -> memref<128xi32, #tpu.memory_space<hbm>>
        tpu.wait_dma2 semaphore(%arg24 : memref<!tpu.dma_semaphore, #tpu.memory_space<semaphore_mem>>) src(%dma_wait3A_441 : memref<128xi32, #tpu.memory_space<hbm>>) dst(%dma_wait3A_438 : memref<128xi32, #tpu.memory_space<vmem>>)
        %dma_start3A_442 = arith.constant 2 : i32
        %dma_start3A_443 = arith.constant 0 : i32
        %dma_start3A_444 = tpu.memref_slice %arg7[%dma_start3A_442, %dma_start3A_443] : memref<4x128xi32, #tpu.memory_space<vmem>> -> memref<1x128xi32, #tpu.memory_space<vmem>>
        %dma_start3A_445 = tpu.memref_squeeze %dma_start3A_444 : memref<1x128xi32, #tpu.memory_space<vmem>> -> memref<128xi32, #tpu.memory_space<vmem>>
        %dma_start3A_446 = arith.constant 0 : i32
        %dma_start3A_447 = arith.constant 0 : i32
        %dma_start3A_448 = tpu.memref_slice %arg2[%dma_start3A_446, %dma_start3A_447] : memref<10240x16xf32, #tpu.memory_space<hbm>> -> memref<10240x16xf32, #tpu.memory_space<hbm>>
        tpu.enqueue_indirect_dma source(%dma_start3A_448 : memref<10240x16xf32, #tpu.memory_space<hbm>>) target(%arg11 : memref<128x16xf32, #tpu.memory_space<vmem>>) offsets(%dma_start3A_445 : memref<128xi32, #tpu.memory_space<vmem>>) semaphore(%arg16 : memref<!tpu.dma_semaphore, #tpu.memory_space<semaphore_mem>>)
      } else {
      }
    }
    %scan3A_166 = arith.constant 20 : i32
    %dma_wait3A_167 = arith.constant 0 : i32
    %dma_wait3A_168 = arith.constant 0 : i32
    %dma_wait3A_169 = tpu.memref_slice %arg8[%dma_wait3A_167, %dma_wait3A_168] : memref<4x128xi32, #tpu.memory_space<vmem>> -> memref<1x128xi32, #tpu.memory_space<vmem>>
    %dma_wait3A_170 = tpu.memref_squeeze %dma_wait3A_169 : memref<1x128xi32, #tpu.memory_space<vmem>> -> memref<128xi32, #tpu.memory_space<vmem>>
    %dma_wait3A_171 = arith.constant 0 : i32
    %dma_wait3A_172 = arith.constant 0 : i32
    %dma_wait3A_173 = tpu.memref_slice %arg13[%dma_wait3A_171, %dma_wait3A_172] : memref<10240x16xf32, #tpu.memory_space<vmem_shared>> -> memref<10240x16xf32, #tpu.memory_space<vmem_shared>>
    tpu.wait_indirect_dma semaphore(%arg18 : memref<!tpu.dma_semaphore, #tpu.memory_space<semaphore_mem>>) src(%arg9 : memref<128x16xf32, #tpu.memory_space<vmem>>) dst(%dma_wait3A_173 : memref<10240x16xf32, #tpu.memory_space<vmem_shared>>)
    %dma_wait3A_174 = arith.constant 1 : i32
    %dma_wait3A_175 = arith.constant 0 : i32
    %dma_wait3A_176 = tpu.memref_slice %arg8[%dma_wait3A_174, %dma_wait3A_175] : memref<4x128xi32, #tpu.memory_space<vmem>> -> memref<1x128xi32, #tpu.memory_space<vmem>>
    %dma_wait3A_177 = tpu.memref_squeeze %dma_wait3A_176 : memref<1x128xi32, #tpu.memory_space<vmem>> -> memref<128xi32, #tpu.memory_space<vmem>>
    %dma_wait3A_178 = arith.constant 0 : i32
    %dma_wait3A_179 = arith.constant 0 : i32
    %dma_wait3A_180 = tpu.memref_slice %arg13[%dma_wait3A_178, %dma_wait3A_179] : memref<10240x16xf32, #tpu.memory_space<vmem_shared>> -> memref<10240x16xf32, #tpu.memory_space<vmem_shared>>
    tpu.wait_indirect_dma semaphore(%arg19 : memref<!tpu.dma_semaphore, #tpu.memory_space<semaphore_mem>>) src(%arg10 : memref<128x16xf32, #tpu.memory_space<vmem>>) dst(%dma_wait3A_180 : memref<10240x16xf32, #tpu.memory_space<vmem_shared>>)
    %dma_wait3A_181 = arith.constant 2 : i32
    %dma_wait3A_182 = arith.constant 0 : i32
    %dma_wait3A_183 = tpu.memref_slice %arg8[%dma_wait3A_181, %dma_wait3A_182] : memref<4x128xi32, #tpu.memory_space<vmem>> -> memref<1x128xi32, #tpu.memory_space<vmem>>
    %dma_wait3A_184 = tpu.memref_squeeze %dma_wait3A_183 : memref<1x128xi32, #tpu.memory_space<vmem>> -> memref<128xi32, #tpu.memory_space<vmem>>
    %dma_wait3A_185 = arith.constant 0 : i32
    %dma_wait3A_186 = arith.constant 0 : i32
    %dma_wait3A_187 = tpu.memref_slice %arg13[%dma_wait3A_185, %dma_wait3A_186] : memref<10240x16xf32, #tpu.memory_space<vmem_shared>> -> memref<10240x16xf32, #tpu.memory_space<vmem_shared>>
    tpu.wait_indirect_dma semaphore(%arg20 : memref<!tpu.dma_semaphore, #tpu.memory_space<semaphore_mem>>) src(%arg11 : memref<128x16xf32, #tpu.memory_space<vmem>>) dst(%dma_wait3A_187 : memref<10240x16xf32, #tpu.memory_space<vmem_shared>>)
    %dma_wait3A_188 = arith.constant 3 : i32
    %dma_wait3A_189 = arith.constant 0 : i32
    %dma_wait3A_190 = tpu.memref_slice %arg8[%dma_wait3A_188, %dma_wait3A_189] : memref<4x128xi32, #tpu.memory_space<vmem>> -> memref<1x128xi32, #tpu.memory_space<vmem>>
    %dma_wait3A_191 = tpu.memref_squeeze %dma_wait3A_190 : memref<1x128xi32, #tpu.memory_space<vmem>> -> memref<128xi32, #tpu.memory_space<vmem>>
    %dma_wait3A_192 = arith.constant 0 : i32
    %dma_wait3A_193 = arith.constant 0 : i32
    %dma_wait3A_194 = tpu.memref_slice %arg13[%dma_wait3A_192, %dma_wait3A_193] : memref<10240x16xf32, #tpu.memory_space<vmem_shared>> -> memref<10240x16xf32, #tpu.memory_space<vmem_shared>>
    tpu.wait_indirect_dma semaphore(%arg21 : memref<!tpu.dma_semaphore, #tpu.memory_space<semaphore_mem>>) src(%arg12 : memref<128x16xf32, #tpu.memory_space<vmem>>) dst(%dma_wait3A_194 : memref<10240x16xf32, #tpu.memory_space<vmem_shared>>)
    %barrier3A_195 = arith.constant 0 : index
    tpu.barrier barrier_id(%barrier3A_195)
    %mul3A_196 = arith.constant 640 : i32
    %mul3A_197 = arith.muli %arg1, %mul3A_196 : i32
    %mul3A_198 = arith.constant 640 : i32
    %mul3A_199 = arith.muli %arg1, %mul3A_198 : i32
    "tpu.region"() ({
      %run_scoped3A = tpu.sem_alloc : memref<!tpu.dma_semaphore, #tpu.memory_space<semaphore_mem>>
      %dma_start3A_200 = arith.constant 0 : i32
      %dma_start3A_201 = tpu.memref_slice %arg6[%arg0, %mul3A_199, %dma_start3A_200] : memref<2x10240x16xf32, #tpu.memory_space<hbm>> -> memref<1x640x16xf32, #tpu.memory_space<hbm>>
      %dma_start3A_202 = tpu.memref_squeeze %dma_start3A_201 : memref<1x640x16xf32, #tpu.memory_space<hbm>> -> memref<640x16xf32, #tpu.memory_space<hbm>>
      %dma_start3A_203 = arith.constant 0 : i32
      %dma_start3A_204 = tpu.memref_slice %arg13[%mul3A_197, %dma_start3A_203] : memref<10240x16xf32, #tpu.memory_space<vmem_shared>> -> memref<640x16xf32, #tpu.memory_space<vmem_shared>>
      tpu.enqueue_dma source(%dma_start3A_204 : memref<640x16xf32, #tpu.memory_space<vmem_shared>>) target(%dma_start3A_202 : memref<640x16xf32, #tpu.memory_space<hbm>>) target_semaphore(%run_scoped3A : memref<!tpu.dma_semaphore, #tpu.memory_space<semaphore_mem>>)
      %dma_wait3A_205 = arith.constant 0 : i32
      %dma_wait3A_206 = tpu.memref_slice %arg6[%arg0, %mul3A_199, %dma_wait3A_205] : memref<2x10240x16xf32, #tpu.memory_space<hbm>> -> memref<1x640x16xf32, #tpu.memory_space<hbm>>
      %dma_wait3A_207 = tpu.memref_squeeze %dma_wait3A_206 : memref<1x640x16xf32, #tpu.memory_space<hbm>> -> memref<640x16xf32, #tpu.memory_space<hbm>>
      %dma_wait3A_208 = arith.constant 0 : i32
      %dma_wait3A_209 = tpu.memref_slice %arg13[%mul3A_197, %dma_wait3A_208] : memref<10240x16xf32, #tpu.memory_space<vmem_shared>> -> memref<640x16xf32, #tpu.memory_space<vmem_shared>>
      tpu.wait_dma2 semaphore(%run_scoped3A : memref<!tpu.dma_semaphore, #tpu.memory_space<semaphore_mem>>) src(%dma_wait3A_209 : memref<640x16xf32, #tpu.memory_space<vmem_shared>>) dst(%dma_wait3A_207 : memref<640x16xf32, #tpu.memory_space<hbm>>)
      tpu.yield
    }) : () -> ()
    return
  }
}

#map = affine_map<(d0, d1) -> (0, 0, 0)>
#map1 = affine_map<(d0, d1) -> (0)>
module attributes {stable_mosaic.version = 14 : i64} {
  func.func @body(%arg0: i32, %arg1: i32, %arg2: memref<32x80x128xi32, #tpu.memory_space<hbm>>, %arg3: memref<640xf32, #tpu.memory_space<hbm>>, %arg4: memref<20480xf32, #tpu.memory_space<hbm>>, %arg5: memref<80x128xi32, #tpu.memory_space<vmem>>, %arg6: memref<128xf32, #tpu.memory_space<vmem>>, %arg7: memref<10240xf32, #tpu.memory_space<vmem_shared>>, %arg8: memref<!tpu.dma_semaphore, #tpu.memory_space<semaphore_mem>>) attributes {dimension_semantics = [#tpu.dimension_semantics<core_parallel>, #tpu.dimension_semantics<subcore_parallel>], iteration_bounds = array<i64: 2, 16>, scalar_prefetch = 0 : i64, scratch_operands = 4 : i64, tpu.core_type = #tpu.core_type<sc_vector_subcore>, window_params = [{transform_indices = #map}, {transform_indices = #map1}, {transform_indices = #map1}]} {
    %mul3A = arith.constant 2 : i32
    %mul3A_0 = arith.muli %arg1, %mul3A : i32
    %add3A = arith.addi %mul3A_0, %arg0 : i32
    "tpu.region"() ({
      %run_scoped3A = tpu.sem_alloc : memref<!tpu.dma_semaphore, #tpu.memory_space<semaphore_mem>>
      %dma_start3A = arith.constant 0 : i32
      %dma_start3A_68 = arith.constant 0 : i32
      %dma_start3A_69 = tpu.memref_slice %arg2[%add3A, %dma_start3A, %dma_start3A_68] : memref<32x80x128xi32, #tpu.memory_space<hbm>> -> memref<1x80x128xi32, #tpu.memory_space<hbm>>
      %dma_start3A_70 = tpu.memref_squeeze %dma_start3A_69 : memref<1x80x128xi32, #tpu.memory_space<hbm>> -> memref<80x128xi32, #tpu.memory_space<hbm>>
      %dma_start3A_71 = arith.constant 0 : i32
      %dma_start3A_72 = arith.constant 0 : i32
      %dma_start3A_73 = tpu.memref_slice %arg2[%add3A, %dma_start3A_71, %dma_start3A_72] : memref<32x80x128xi32, #tpu.memory_space<hbm>> -> memref<1x80x128xi32, #tpu.memory_space<hbm>>
      %dma_start3A_74 = tpu.memref_squeeze %dma_start3A_73 : memref<1x80x128xi32, #tpu.memory_space<hbm>> -> memref<80x128xi32, #tpu.memory_space<hbm>>
      tpu.enqueue_dma source(%dma_start3A_74 : memref<80x128xi32, #tpu.memory_space<hbm>>) target(%arg5 : memref<80x128xi32, #tpu.memory_space<vmem>>) target_semaphore(%run_scoped3A : memref<!tpu.dma_semaphore, #tpu.memory_space<semaphore_mem>>)
      %dma_wait3A = arith.constant 0 : i32
      %dma_wait3A_75 = arith.constant 0 : i32
      %dma_wait3A_76 = tpu.memref_slice %arg2[%add3A, %dma_wait3A, %dma_wait3A_75] : memref<32x80x128xi32, #tpu.memory_space<hbm>> -> memref<1x80x128xi32, #tpu.memory_space<hbm>>
      %dma_wait3A_77 = tpu.memref_squeeze %dma_wait3A_76 : memref<1x80x128xi32, #tpu.memory_space<hbm>> -> memref<80x128xi32, #tpu.memory_space<hbm>>
      %dma_wait3A_78 = arith.constant 0 : i32
      %dma_wait3A_79 = arith.constant 0 : i32
      %dma_wait3A_80 = tpu.memref_slice %arg2[%add3A, %dma_wait3A_78, %dma_wait3A_79] : memref<32x80x128xi32, #tpu.memory_space<hbm>> -> memref<1x80x128xi32, #tpu.memory_space<hbm>>
      %dma_wait3A_81 = tpu.memref_squeeze %dma_wait3A_80 : memref<1x80x128xi32, #tpu.memory_space<hbm>> -> memref<80x128xi32, #tpu.memory_space<hbm>>
      tpu.wait_dma2 semaphore(%run_scoped3A : memref<!tpu.dma_semaphore, #tpu.memory_space<semaphore_mem>>) src(%dma_wait3A_81 : memref<80x128xi32, #tpu.memory_space<hbm>>) dst(%arg5 : memref<80x128xi32, #tpu.memory_space<vmem>>)
      tpu.yield
    }) : () -> ()
    %broadcast_in_dim3A = arith.constant 1.000000e+00 : f32
    %broadcast_in_dim3A_1 = vector.broadcast %broadcast_in_dim3A : f32 to vector<16xf32>
    %swap3A = arith.constant 0 : index
    %swap3A_2 = tpu.vector_load %arg6[%swap3A] {strides = array<i32>} : memref<128xf32, #tpu.memory_space<vmem>>, vector<16xf32>,
    %swap3A_3 = vector.shape_cast %swap3A_2 : vector<16xf32> to vector<16xf32>
    %swap3A_4 = vector.shape_cast %broadcast_in_dim3A_1 : vector<16xf32> to vector<16xf32>
    tpu.vector_store %arg6[%swap3A], %swap3A_4 {strides = array<i32>} : memref<128xf32, #tpu.memory_space<vmem>>, vector<16xf32>,
    %broadcast_in_dim3A_5 = arith.constant 1.000000e+00 : f32
    %broadcast_in_dim3A_6 = vector.broadcast %broadcast_in_dim3A_5 : f32 to vector<16xf32>
    %swap3A_7 = arith.constant 16 : index
    %swap3A_8 = tpu.vector_load %arg6[%swap3A_7] {strides = array<i32>} : memref<128xf32, #tpu.memory_space<vmem>>, vector<16xf32>,
    %swap3A_9 = vector.shape_cast %swap3A_8 : vector<16xf32> to vector<16xf32>
    %swap3A_10 = vector.shape_cast %broadcast_in_dim3A_6 : vector<16xf32> to vector<16xf32>
    tpu.vector_store %arg6[%swap3A_7], %swap3A_10 {strides = array<i32>} : memref<128xf32, #tpu.memory_space<vmem>>, vector<16xf32>,
    %broadcast_in_dim3A_11 = arith.constant 1.000000e+00 : f32
    %broadcast_in_dim3A_12 = vector.broadcast %broadcast_in_dim3A_11 : f32 to vector<16xf32>
    %swap3A_13 = arith.constant 32 : index
    %swap3A_14 = tpu.vector_load %arg6[%swap3A_13] {strides = array<i32>} : memref<128xf32, #tpu.memory_space<vmem>>, vector<16xf32>,
    %swap3A_15 = vector.shape_cast %swap3A_14 : vector<16xf32> to vector<16xf32>
    %swap3A_16 = vector.shape_cast %broadcast_in_dim3A_12 : vector<16xf32> to vector<16xf32>
    tpu.vector_store %arg6[%swap3A_13], %swap3A_16 {strides = array<i32>} : memref<128xf32, #tpu.memory_space<vmem>>, vector<16xf32>,
    %broadcast_in_dim3A_17 = arith.constant 1.000000e+00 : f32
    %broadcast_in_dim3A_18 = vector.broadcast %broadcast_in_dim3A_17 : f32 to vector<16xf32>
    %swap3A_19 = arith.constant 48 : index
    %swap3A_20 = tpu.vector_load %arg6[%swap3A_19] {strides = array<i32>} : memref<128xf32, #tpu.memory_space<vmem>>, vector<16xf32>,
    %swap3A_21 = vector.shape_cast %swap3A_20 : vector<16xf32> to vector<16xf32>
    %swap3A_22 = vector.shape_cast %broadcast_in_dim3A_18 : vector<16xf32> to vector<16xf32>
    tpu.vector_store %arg6[%swap3A_19], %swap3A_22 {strides = array<i32>} : memref<128xf32, #tpu.memory_space<vmem>>, vector<16xf32>,
    %broadcast_in_dim3A_23 = arith.constant 1.000000e+00 : f32
    %broadcast_in_dim3A_24 = vector.broadcast %broadcast_in_dim3A_23 : f32 to vector<16xf32>
    %swap3A_25 = arith.constant 64 : index
    %swap3A_26 = tpu.vector_load %arg6[%swap3A_25] {strides = array<i32>} : memref<128xf32, #tpu.memory_space<vmem>>, vector<16xf32>,
    %swap3A_27 = vector.shape_cast %swap3A_26 : vector<16xf32> to vector<16xf32>
    %swap3A_28 = vector.shape_cast %broadcast_in_dim3A_24 : vector<16xf32> to vector<16xf32>
    tpu.vector_store %arg6[%swap3A_25], %swap3A_28 {strides = array<i32>} : memref<128xf32, #tpu.memory_space<vmem>>, vector<16xf32>,
    %broadcast_in_dim3A_29 = arith.constant 1.000000e+00 : f32
    %broadcast_in_dim3A_30 = vector.broadcast %broadcast_in_dim3A_29 : f32 to vector<16xf32>
    %swap3A_31 = arith.constant 80 : index
    %swap3A_32 = tpu.vector_load %arg6[%swap3A_31] {strides = array<i32>} : memref<128xf32, #tpu.memory_space<vmem>>, vector<16xf32>,
    %swap3A_33 = vector.shape_cast %swap3A_32 : vector<16xf32> to vector<16xf32>
    %swap3A_34 = vector.shape_cast %broadcast_in_dim3A_30 : vector<16xf32> to vector<16xf32>
    tpu.vector_store %arg6[%swap3A_31], %swap3A_34 {strides = array<i32>} : memref<128xf32, #tpu.memory_space<vmem>>, vector<16xf32>,
    %broadcast_in_dim3A_35 = arith.constant 1.000000e+00 : f32
    %broadcast_in_dim3A_36 = vector.broadcast %broadcast_in_dim3A_35 : f32 to vector<16xf32>
    %swap3A_37 = arith.constant 96 : index
    %swap3A_38 = tpu.vector_load %arg6[%swap3A_37] {strides = array<i32>} : memref<128xf32, #tpu.memory_space<vmem>>, vector<16xf32>,
    %swap3A_39 = vector.shape_cast %swap3A_38 : vector<16xf32> to vector<16xf32>
    %swap3A_40 = vector.shape_cast %broadcast_in_dim3A_36 : vector<16xf32> to vector<16xf32>
    tpu.vector_store %arg6[%swap3A_37], %swap3A_40 {strides = array<i32>} : memref<128xf32, #tpu.memory_space<vmem>>, vector<16xf32>,
    %broadcast_in_dim3A_41 = arith.constant 1.000000e+00 : f32
    %broadcast_in_dim3A_42 = vector.broadcast %broadcast_in_dim3A_41 : f32 to vector<16xf32>
    %swap3A_43 = arith.constant 112 : index
    %swap3A_44 = tpu.vector_load %arg6[%swap3A_43] {strides = array<i32>} : memref<128xf32, #tpu.memory_space<vmem>>, vector<16xf32>,
    %swap3A_45 = vector.shape_cast %swap3A_44 : vector<16xf32> to vector<16xf32>
    %swap3A_46 = vector.shape_cast %broadcast_in_dim3A_42 : vector<16xf32> to vector<16xf32>
    tpu.vector_store %arg6[%swap3A_43], %swap3A_46 {strides = array<i32>} : memref<128xf32, #tpu.memory_space<vmem>>, vector<16xf32>,
    %mul3A_47 = arith.constant 640 : i32
    %mul3A_48 = arith.muli %arg1, %mul3A_47 : i32
    "tpu.region"() ({
      %run_scoped3A = tpu.sem_alloc : memref<!tpu.dma_semaphore, #tpu.memory_space<semaphore_mem>>
      %dma_start3A = tpu.memref_slice %arg7[%mul3A_48] : memref<10240xf32, #tpu.memory_space<vmem_shared>> -> memref<640xf32, #tpu.memory_space<vmem_shared>>
      tpu.enqueue_dma source(%arg3 : memref<640xf32, #tpu.memory_space<hbm>>) target(%dma_start3A : memref<640xf32, #tpu.memory_space<vmem_shared>>) target_semaphore(%run_scoped3A : memref<!tpu.dma_semaphore, #tpu.memory_space<semaphore_mem>>)
      %dma_wait3A = tpu.memref_slice %arg7[%mul3A_48] : memref<10240xf32, #tpu.memory_space<vmem_shared>> -> memref<640xf32, #tpu.memory_space<vmem_shared>>
      tpu.wait_dma2 semaphore(%run_scoped3A : memref<!tpu.dma_semaphore, #tpu.memory_space<semaphore_mem>>) src(%arg3 : memref<640xf32, #tpu.memory_space<hbm>>) dst(%dma_wait3A : memref<640xf32, #tpu.memory_space<vmem_shared>>)
      tpu.yield
    }) : () -> ()
    %barrier3A = arith.constant 0 : index
    tpu.barrier barrier_id(%barrier3A)
    %scan3A = arith.constant 0 : i32
    %scan3A_49 = arith.constant 0 : i32
    %scan3A_50 = arith.constant 80 : i32
    %scan3A_51 = arith.addi %scan3A_49, %scan3A_50 : i32
    %scan3A_52 = arith.constant 1 : i32
    scf.for %scan3A_68 = %scan3A_49 to %scan3A_51 step %scan3A_52  : i32 {
      %dma_start3A = arith.constant 0 : i32
      %dma_start3A_69 = tpu.memref_slice %arg5[%scan3A_68, %dma_start3A] : memref<80x128xi32, #tpu.memory_space<vmem>> -> memref<1x128xi32, #tpu.memory_space<vmem>>
      %dma_start3A_70 = tpu.memref_squeeze %dma_start3A_69 : memref<1x128xi32, #tpu.memory_space<vmem>> -> memref<128xi32, #tpu.memory_space<vmem>>
      %dma_start3A_71 = arith.constant 0 : i32
      %dma_start3A_72 = tpu.memref_slice %arg7[%dma_start3A_71] : memref<10240xf32, #tpu.memory_space<vmem_shared>> -> memref<10240xf32, #tpu.memory_space<vmem_shared>>
      tpu.enqueue_indirect_dma source(%arg6 : memref<128xf32, #tpu.memory_space<vmem>>) target(%dma_start3A_72 : memref<10240xf32, #tpu.memory_space<vmem_shared>>) offsets(%dma_start3A_70 : memref<128xi32, #tpu.memory_space<vmem>>) semaphore(%arg8 : memref<!tpu.dma_semaphore, #tpu.memory_space<semaphore_mem>>) {add = true}
    }
    %scan3A_53 = arith.constant 80 : i32
    %scan3A_54 = arith.constant 0 : i32
    %scan3A_55 = arith.constant 0 : i32
    %scan3A_56 = arith.constant 80 : i32
    %scan3A_57 = arith.addi %scan3A_55, %scan3A_56 : i32
    %scan3A_58 = arith.constant 1 : i32
    scf.for %scan3A_68 = %scan3A_55 to %scan3A_57 step %scan3A_58  : i32 {
      %dma_wait3A = arith.constant 0 : i32
      %dma_wait3A_69 = tpu.memref_slice %arg5[%scan3A_68, %dma_wait3A] : memref<80x128xi32, #tpu.memory_space<vmem>> -> memref<1x128xi32, #tpu.memory_space<vmem>>
      %dma_wait3A_70 = tpu.memref_squeeze %dma_wait3A_69 : memref<1x128xi32, #tpu.memory_space<vmem>> -> memref<128xi32, #tpu.memory_space<vmem>>
      %dma_wait3A_71 = arith.constant 0 : i32
      %dma_wait3A_72 = tpu.memref_slice %arg7[%dma_wait3A_71] : memref<10240xf32, #tpu.memory_space<vmem_shared>> -> memref<10240xf32, #tpu.memory_space<vmem_shared>>
      tpu.wait_indirect_dma semaphore(%arg8 : memref<!tpu.dma_semaphore, #tpu.memory_space<semaphore_mem>>) src(%arg6 : memref<128xf32, #tpu.memory_space<vmem>>) dst(%dma_wait3A_72 : memref<10240xf32, #tpu.memory_space<vmem_shared>>)
    }
    %scan3A_59 = arith.constant 80 : i32
    %barrier3A_60 = arith.constant 0 : index
    tpu.barrier barrier_id(%barrier3A_60)
    %mul3A_61 = arith.constant 640 : i32
    %mul3A_62 = arith.muli %arg1, %mul3A_61 : i32
    %mul3A_63 = arith.constant 10240 : i32
    %mul3A_64 = arith.muli %arg0, %mul3A_63 : i32
    %mul3A_65 = arith.constant 640 : i32
    %mul3A_66 = arith.muli %arg1, %mul3A_65 : i32
    %add3A_67 = arith.addi %mul3A_64, %mul3A_66 : i32
    "tpu.region"() ({
      %run_scoped3A = tpu.sem_alloc : memref<!tpu.dma_semaphore, #tpu.memory_space<semaphore_mem>>
      %dma_start3A = tpu.memref_slice %arg4[%add3A_67] : memref<20480xf32, #tpu.memory_space<hbm>> -> memref<640xf32, #tpu.memory_space<hbm>>
      %dma_start3A_68 = tpu.memref_slice %arg7[%mul3A_62] : memref<10240xf32, #tpu.memory_space<vmem_shared>> -> memref<640xf32, #tpu.memory_space<vmem_shared>>
      tpu.enqueue_dma source(%dma_start3A_68 : memref<640xf32, #tpu.memory_space<vmem_shared>>) target(%dma_start3A : memref<640xf32, #tpu.memory_space<hbm>>) target_semaphore(%run_scoped3A : memref<!tpu.dma_semaphore, #tpu.memory_space<semaphore_mem>>)
      %dma_wait3A = tpu.memref_slice %arg4[%add3A_67] : memref<20480xf32, #tpu.memory_space<hbm>> -> memref<640xf32, #tpu.memory_space<hbm>>
      %dma_wait3A_69 = tpu.memref_slice %arg7[%mul3A_62] : memref<10240xf32, #tpu.memory_space<vmem_shared>> -> memref<640xf32, #tpu.memory_space<vmem_shared>>
      tpu.wait_dma2 semaphore(%run_scoped3A : memref<!tpu.dma_semaphore, #tpu.memory_space<semaphore_mem>>) src(%dma_wait3A_69 : memref<640xf32, #tpu.memory_space<vmem_shared>>) dst(%dma_wait3A : memref<640xf32, #tpu.memory_space<hbm>>)
      tpu.yield
    }) : () -> ()
    return
  }
}

module attributes {stable_mosaic.version = 14 : i64} {
  func.func @_scale_body(%arg0: i32, %arg1: memref<2048x1xf32, #tpu.memory_space<vmem>>, %arg2: memref<2048x1xf32, #tpu.memory_space<vmem>>, %arg3: memref<2048x128xf32, #tpu.memory_space<vmem>>, %arg4: memref<2048x128xf32, #tpu.memory_space<vmem>>, %arg5: memref<2048x1xf32, #tpu.memory_space<vmem>>) attributes {dimension_semantics = [#tpu.dimension_semantics<arbitrary>], iteration_bounds = array<i64: 5>, scalar_prefetch = 0 : i64, scratch_operands = 0 : i64, tpu.core_type = #tpu.core_type<tc>, window_params = [{transform_indices = @transform_0, window_bounds = array<i64: 2048, 1>}, {transform_indices = @transform_1, window_bounds = array<i64: 2048, 1>}, {transform_indices = @transform_2, window_bounds = array<i64: 2048, 128>}, {transform_indices = @transform_3, window_bounds = array<i64: 2048, 128>}, {transform_indices = @transform_4, window_bounds = array<i64: 2048, 1>}]} {
    %get3A = arith.constant 0 : index
    %get3A_0 = arith.constant 0 : index
    %get3A_1 = vector.load %arg1[%get3A, %get3A_0] : memref<2048x1xf32, #tpu.memory_space<vmem>>, vector<2048x1xf32>
    %get3A_2 = arith.constant 0 : index
    %get3A_3 = arith.constant 0 : index
    %get3A_4 = vector.load %arg2[%get3A_2, %get3A_3] : memref<2048x1xf32, #tpu.memory_space<vmem>>, vector<2048x1xf32>
    %add3A = arith.addf %get3A_1, %get3A_4 : vector<2048x1xf32>
    %add3A_5 = arith.constant 1.000000e+00 : f32
    %add3A_6 = vector.broadcast %add3A_5 : f32 to vector<2048x1xf32>
    %add3A_7 = arith.addf %add3A, %add3A_6 : vector<2048x1xf32>
    %rsqrt3A = math.rsqrt %add3A_7 : vector<2048x1xf32>
    %mul3A = arith.constant 2048 : i32
    %mul3A_8 = arith.muli %arg0, %mul3A : i32
    %iota3A = tpu.iota {dimensions = array<i32: 0>} : vector<2048x1xi32>
    %add3A_9 = vector.broadcast %mul3A_8 : i32 to vector<2048x1xi32>
    %add3A_10 = arith.addi %add3A_9, %iota3A : vector<2048x1xi32>
    %lt3A = arith.constant 10000 : i32
    %lt3A_11 = vector.broadcast %lt3A : i32 to vector<2048x1xi32>
    %lt3A_12 = arith.cmpi slt, %add3A_10, %lt3A_11 : vector<2048x1xi32>
    %get3A_13 = arith.constant 0 : index
    %get3A_14 = arith.constant 0 : index
    %get3A_15 = vector.load %arg3[%get3A_13, %get3A_14] : memref<2048x128xf32, #tpu.memory_space<vmem>>, vector<2048x128xf32>
    %mul3A_16 = vector.broadcast %rsqrt3A : vector<2048x1xf32> to vector<2048x128xf32>
    %mul3A_17 = arith.mulf %get3A_15, %mul3A_16 : vector<2048x128xf32>
    %jit3A = arith.constant 0.000000e+00 : f32
    %broadcast_in_dim3A = vector.shape_cast %lt3A_12 : vector<2048x1xi1> to vector<2048x1xi1>
    %broadcast_in_dim3A_18 = vector.broadcast %broadcast_in_dim3A : vector<2048x1xi1> to vector<2048x128xi1>
    %broadcast_in_dim3A_19 = vector.broadcast %jit3A : f32 to vector<2048x128xf32>
    %select_n3A = arith.select %broadcast_in_dim3A_18, %mul3A_17, %broadcast_in_dim3A_19 : vector<2048x128xi1>, vector<2048x128xf32>
    %swap3A = arith.constant 0 : index
    %swap3A_20 = arith.constant 0 : index
    %swap3A_21 = vector.load %arg4[%swap3A, %swap3A_20] : memref<2048x128xf32, #tpu.memory_space<vmem>>, vector<2048x128xf32>
    tpu.vector_store %arg4[%swap3A, %swap3A_20], %select_n3A {strides = array<i32>} : memref<2048x128xf32, #tpu.memory_space<vmem>>, vector<2048x128xf32>,
    %swap3A_22 = arith.constant 0 : index
    %swap3A_23 = arith.constant 0 : index
    %swap3A_24 = vector.load %arg5[%swap3A_22, %swap3A_23] : memref<2048x1xf32, #tpu.memory_space<vmem>>, vector<2048x1xf32>
    tpu.vector_store %arg5[%swap3A_22, %swap3A_23], %rsqrt3A {strides = array<i32>} : memref<2048x1xf32, #tpu.memory_space<vmem>>, vector<2048x1xf32>,
    return
  }
  func.func @transform_0(%arg0: i32) -> (i32, i32) {
    %c0_i32 = arith.constant 0 : i32
    %c0_i32_0 = arith.constant 0 : i32
    return %arg0, %c0_i32 : i32, i32
  }
  func.func @transform_1(%arg0: i32) -> (i32, i32) {
    %add3A = arith.constant 5 : i32
    %add3A_0 = arith.addi %arg0, %add3A : i32
    %c0_i32 = arith.constant 0 : i32
    %c0_i32_1 = arith.constant 0 : i32
    return %add3A_0, %c0_i32 : i32, i32
  }
  func.func @transform_2(%arg0: i32) -> (i32, i32) {
    %c0_i32 = arith.constant 0 : i32
    %c0_i32_0 = arith.constant 0 : i32
    return %arg0, %c0_i32 : i32, i32
  }
  func.func @transform_3(%arg0: i32) -> (i32, i32) {
    %c0_i32 = arith.constant 0 : i32
    %c0_i32_0 = arith.constant 0 : i32
    return %arg0, %c0_i32 : i32, i32
  }
  func.func @transform_4(%arg0: i32) -> (i32, i32) {
    %c0_i32 = arith.constant 0 : i32
    %c0_i32_0 = arith.constant 0 : i32
    return %arg0, %c0_i32 : i32, i32
  }
}

module attributes {stable_mosaic.version = 14 : i64} {
  func.func @_mm_body(%arg0: i32, %arg1: memref<1x2048x128xf32, #tpu.memory_space<vmem>>, %arg2: memref<1x2048x128xf32, #tpu.memory_space<vmem>>, %arg3: memref<2048x128xf32, #tpu.memory_space<vmem>>, %arg4: memref<2048x1xf32, #tpu.memory_space<vmem>>, %arg5: memref<128x256xf32, #tpu.memory_space<vmem>>, %arg6: memref<1x256xf32, #tpu.memory_space<vmem>>, %arg7: memref<256x16xf32, #tpu.memory_space<vmem>>, %arg8: memref<2048x16xf32, #tpu.memory_space<vmem>>) attributes {dimension_semantics = [#tpu.dimension_semantics<arbitrary>], iteration_bounds = array<i64: 5>, scalar_prefetch = 0 : i64, scratch_operands = 0 : i64, tpu.core_type = #tpu.core_type<tc>, window_params = [{transform_indices = @transform_0, window_bounds = array<i64: 1, 2048, 128>}, {transform_indices = @transform_1, window_bounds = array<i64: 1, 2048, 128>}, {transform_indices = @transform_2, window_bounds = array<i64: 2048, 128>}, {transform_indices = @transform_3, window_bounds = array<i64: 2048, 1>}, {pipeline_mode = #tpu.pipeline_mode<synchronous>, transform_indices = @transform_4, window_bounds = array<i64: 128, 256>}, {pipeline_mode = #tpu.pipeline_mode<synchronous>, transform_indices = @transform_5, window_bounds = array<i64: 1, 256>}, {pipeline_mode = #tpu.pipeline_mode<synchronous>, transform_indices = @transform_6, window_bounds = array<i64: 256, 16>}, {transform_indices = @transform_7, window_bounds = array<i64: 2048, 16>}]} {
    %get3A = arith.constant 0 : index
    %get3A_0 = arith.constant 0 : index
    %get3A_1 = arith.constant 0 : index
    %get3A_2 = vector.load %arg1[%get3A, %get3A_0, %get3A_1] : memref<1x2048x128xf32, #tpu.memory_space<vmem>>, vector<1x2048x128xf32>
    %squeeze3A = vector.shape_cast %get3A_2 : vector<1x2048x128xf32> to vector<2048x128xf32>
    %get3A_3 = arith.constant 0 : index
    %get3A_4 = arith.constant 0 : index
    %get3A_5 = arith.constant 0 : index
    %get3A_6 = vector.load %arg2[%get3A_3, %get3A_4, %get3A_5] : memref<1x2048x128xf32, #tpu.memory_space<vmem>>, vector<1x2048x128xf32>
    %squeeze3A_7 = vector.shape_cast %get3A_6 : vector<1x2048x128xf32> to vector<2048x128xf32>
    %add3A = arith.addf %squeeze3A, %squeeze3A_7 : vector<2048x128xf32>
    %get3A_8 = arith.constant 0 : index
    %get3A_9 = arith.constant 0 : index
    %get3A_10 = vector.load %arg3[%get3A_8, %get3A_9] : memref<2048x128xf32, #tpu.memory_space<vmem>>, vector<2048x128xf32>
    %add3A_11 = arith.addf %add3A, %get3A_10 : vector<2048x128xf32>
    %get3A_12 = arith.constant 0 : index
    %get3A_13 = arith.constant 0 : index
    %get3A_14 = vector.load %arg4[%get3A_12, %get3A_13] : memref<2048x1xf32, #tpu.memory_space<vmem>>, vector<2048x1xf32>
    %mul3A = vector.broadcast %get3A_14 : vector<2048x1xf32> to vector<2048x128xf32>
    %mul3A_15 = arith.mulf %add3A_11, %mul3A : vector<2048x128xf32>
    %get3A_16 = arith.constant 0 : index
    %get3A_17 = arith.constant 0 : index
    %get3A_18 = vector.load %arg5[%get3A_16, %get3A_17] : memref<128x256xf32, #tpu.memory_space<vmem>>, vector<128x256xf32>
    %dot_general3A = arith.constant dense<0.000000e+00> : vector<2048x256xf32>
    %dot_general3A_19 = tpu.matmul %mul3A_15, %get3A_18, %dot_general3A {dimension_numbers = #tpu.dot_dimension_numbers<[1], [0], [0], [1], [0, 0, 1, 1], [], []>, transpose_lhs_hint = false} : vector<2048x128xf32>, vector<128x256xf32>, vector<2048x256xf32> -> vector<2048x256xf32>
    %get3A_20 = arith.constant 0 : index
    %get3A_21 = arith.constant 0 : index
    %get3A_22 = vector.load %arg6[%get3A_20, %get3A_21] : memref<1x256xf32, #tpu.memory_space<vmem>>, vector<1x256xf32>
    %add3A_23 = vector.broadcast %get3A_22 : vector<1x256xf32> to vector<2048x256xf32>
    %add3A_24 = arith.addf %dot_general3A_19, %add3A_23 : vector<2048x256xf32>
    %max3A = arith.constant 0.000000e+00 : f32
    %max3A_25 = vector.broadcast %max3A : f32 to vector<2048x256xf32>
    %max3A_26 = arith.maximumf %add3A_24, %max3A_25 : vector<2048x256xf32>
    %get3A_27 = arith.constant 0 : index
    %get3A_28 = arith.constant 0 : index
    %get3A_29 = vector.load %arg7[%get3A_27, %get3A_28] : memref<256x16xf32, #tpu.memory_space<vmem>>, vector<256x16xf32>
    %dot_general3A_30 = arith.constant dense<0.000000e+00> : vector<2048x16xf32>
    %dot_general3A_31 = tpu.matmul %max3A_26, %get3A_29, %dot_general3A_30 {dimension_numbers = #tpu.dot_dimension_numbers<[1], [0], [0], [1], [0, 0, 1, 1], [], []>, transpose_lhs_hint = false} : vector<2048x256xf32>, vector<256x16xf32>, vector<2048x16xf32> -> vector<2048x16xf32>
    %get3A_32 = arith.constant 0 : index
    %get3A_33 = arith.constant 0 : index
    %get3A_34 = vector.load %arg4[%get3A_32, %get3A_33] : memref<2048x1xf32, #tpu.memory_space<vmem>>, vector<2048x1xf32>
    %mul3A_35 = vector.broadcast %get3A_34 : vector<2048x1xf32> to vector<2048x16xf32>
    %mul3A_36 = arith.mulf %dot_general3A_31, %mul3A_35 : vector<2048x16xf32>
    %swap3A = arith.constant 0 : index
    %swap3A_37 = arith.constant 0 : index
    %swap3A_38 = vector.load %arg8[%swap3A, %swap3A_37] : memref<2048x16xf32, #tpu.memory_space<vmem>>, vector<2048x16xf32>
    tpu.vector_store %arg8[%swap3A, %swap3A_37], %mul3A_36 {strides = array<i32>} : memref<2048x16xf32, #tpu.memory_space<vmem>>, vector<2048x16xf32>,
    return
  }
  func.func @transform_0(%arg0: i32) -> (i32, i32, i32) {
    %c0_i32 = arith.constant 0 : i32
    %c0_i32_0 = arith.constant 0 : i32
    %c0_i32_1 = arith.constant 0 : i32
    return %c0_i32, %arg0, %c0_i32_0 : i32, i32, i32
  }
  func.func @transform_1(%arg0: i32) -> (i32, i32, i32) {
    %c1_i32 = arith.constant 1 : i32
    %c0_i32 = arith.constant 0 : i32
    %c0_i32_0 = arith.constant 0 : i32
    return %c1_i32, %arg0, %c0_i32 : i32, i32, i32
  }
  func.func @transform_2(%arg0: i32) -> (i32, i32) {
    %c0_i32 = arith.constant 0 : i32
    %c0_i32_0 = arith.constant 0 : i32
    return %arg0, %c0_i32 : i32, i32
  }
  func.func @transform_3(%arg0: i32) -> (i32, i32) {
    %c0_i32 = arith.constant 0 : i32
    %c0_i32_0 = arith.constant 0 : i32
    return %arg0, %c0_i32 : i32, i32
  }
  func.func @transform_4(%arg0: i32) -> (i32, i32) {
    %c0_i32 = arith.constant 0 : i32
    %c0_i32_0 = arith.constant 0 : i32
    %c0_i32_1 = arith.constant 0 : i32
    return %c0_i32, %c0_i32_0 : i32, i32
  }
  func.func @transform_5(%arg0: i32) -> (i32, i32) {
    %c0_i32 = arith.constant 0 : i32
    %c0_i32_0 = arith.constant 0 : i32
    %c0_i32_1 = arith.constant 0 : i32
    return %c0_i32, %c0_i32_0 : i32, i32
  }
  func.func @transform_6(%arg0: i32) -> (i32, i32) {
    %c0_i32 = arith.constant 0 : i32
    %c0_i32_0 = arith.constant 0 : i32
    %c0_i32_1 = arith.constant 0 : i32
    return %c0_i32, %c0_i32_0 : i32, i32
  }
  func.func @transform_7(%arg0: i32) -> (i32, i32) {
    %c0_i32 = arith.constant 0 : i32
    %c0_i32_0 = arith.constant 0 : i32
    return %arg0, %c0_i32 : i32, i32
  }
}

module attributes {stable_mosaic.version = 14 : i64} {
  func.func @_out_body(%arg0: i32, %arg1: memref<1x2000x16xf32, #tpu.memory_space<vmem>>, %arg2: memref<1x2000x16xf32, #tpu.memory_space<vmem>>, %arg3: memref<2000x16xf32, #tpu.memory_space<vmem>>, %arg4: memref<2000x1xf32, #tpu.memory_space<vmem>>, %arg5: memref<1x16xf32, #tpu.memory_space<vmem>>, %arg6: memref<2000x16xf32, #tpu.memory_space<vmem>>) attributes {dimension_semantics = [#tpu.dimension_semantics<arbitrary>], iteration_bounds = array<i64: 5>, scalar_prefetch = 0 : i64, scratch_operands = 0 : i64, tpu.core_type = #tpu.core_type<tc>, window_params = [{transform_indices = @transform_0, window_bounds = array<i64: 1, 2000, 16>}, {transform_indices = @transform_1, window_bounds = array<i64: 1, 2000, 16>}, {transform_indices = @transform_2, window_bounds = array<i64: 2000, 16>}, {transform_indices = @transform_3, window_bounds = array<i64: 2000, 1>}, {pipeline_mode = #tpu.pipeline_mode<synchronous>, transform_indices = @transform_4, window_bounds = array<i64: 1, 16>}, {transform_indices = @transform_5, window_bounds = array<i64: 2000, 16>}]} {
    %get3A = arith.constant 0 : index
    %get3A_0 = arith.constant 0 : index
    %get3A_1 = arith.constant 0 : index
    %get3A_2 = vector.load %arg1[%get3A, %get3A_0, %get3A_1] : memref<1x2000x16xf32, #tpu.memory_space<vmem>>, vector<1x2000x16xf32>
    %squeeze3A = vector.shape_cast %get3A_2 : vector<1x2000x16xf32> to vector<2000x16xf32>
    %get3A_3 = arith.constant 0 : index
    %get3A_4 = arith.constant 0 : index
    %get3A_5 = arith.constant 0 : index
    %get3A_6 = vector.load %arg2[%get3A_3, %get3A_4, %get3A_5] : memref<1x2000x16xf32, #tpu.memory_space<vmem>>, vector<1x2000x16xf32>
    %squeeze3A_7 = vector.shape_cast %get3A_6 : vector<1x2000x16xf32> to vector<2000x16xf32>
    %add3A = arith.addf %squeeze3A, %squeeze3A_7 : vector<2000x16xf32>
    %get3A_8 = arith.constant 0 : index
    %get3A_9 = arith.constant 0 : index
    %get3A_10 = vector.load %arg3[%get3A_8, %get3A_9] : memref<2000x16xf32, #tpu.memory_space<vmem>>, vector<2000x16xf32>
    %add3A_11 = arith.addf %add3A, %get3A_10 : vector<2000x16xf32>
    %get3A_12 = arith.constant 0 : index
    %get3A_13 = arith.constant 0 : index
    %get3A_14 = vector.load %arg4[%get3A_12, %get3A_13] : memref<2000x1xf32, #tpu.memory_space<vmem>>, vector<2000x1xf32>
    %mul3A = vector.broadcast %get3A_14 : vector<2000x1xf32> to vector<2000x16xf32>
    %mul3A_15 = arith.mulf %add3A_11, %mul3A : vector<2000x16xf32>
    %get3A_16 = arith.constant 0 : index
    %get3A_17 = arith.constant 0 : index
    %get3A_18 = vector.load %arg5[%get3A_16, %get3A_17] : memref<1x16xf32, #tpu.memory_space<vmem>>, vector<1x16xf32>
    %add3A_19 = vector.broadcast %get3A_18 : vector<1x16xf32> to vector<2000x16xf32>
    %add3A_20 = arith.addf %mul3A_15, %add3A_19 : vector<2000x16xf32>
    %swap3A = arith.constant 0 : index
    %swap3A_21 = arith.constant 0 : index
    %swap3A_22 = vector.load %arg6[%swap3A, %swap3A_21] : memref<2000x16xf32, #tpu.memory_space<vmem>>, vector<2000x16xf32>
    tpu.vector_store %arg6[%swap3A, %swap3A_21], %add3A_20 {strides = array<i32>} : memref<2000x16xf32, #tpu.memory_space<vmem>>, vector<2000x16xf32>,
    return
  }
  func.func @transform_0(%arg0: i32) -> (i32, i32, i32) {
    %c0_i32 = arith.constant 0 : i32
    %c0_i32_0 = arith.constant 0 : i32
    %c0_i32_1 = arith.constant 0 : i32
    return %c0_i32, %arg0, %c0_i32_0 : i32, i32, i32
  }
  func.func @transform_1(%arg0: i32) -> (i32, i32, i32) {
    %c1_i32 = arith.constant 1 : i32
    %c0_i32 = arith.constant 0 : i32
    %c0_i32_0 = arith.constant 0 : i32
    return %c1_i32, %arg0, %c0_i32 : i32, i32, i32
  }
  func.func @transform_2(%arg0: i32) -> (i32, i32) {
    %c0_i32 = arith.constant 0 : i32
    %c0_i32_0 = arith.constant 0 : i32
    return %arg0, %c0_i32 : i32, i32
  }
  func.func @transform_3(%arg0: i32) -> (i32, i32) {
    %c0_i32 = arith.constant 0 : i32
    %c0_i32_0 = arith.constant 0 : i32
    return %arg0, %c0_i32 : i32, i32
  }
  func.func @transform_4(%arg0: i32) -> (i32, i32) {
    %c0_i32 = arith.constant 0 : i32
    %c0_i32_0 = arith.constant 0 : i32
    %c0_i32_1 = arith.constant 0 : i32
    return %c0_i32, %c0_i32_0 : i32, i32
  }
  func.func @transform_5(%arg0: i32) -> (i32, i32) {
    %c0_i32 = arith.constant 0 : i32
    %c0_i32_0 = arith.constant 0 : i32
    return %arg0, %c0_i32 : i32, i32
  }
}

</mosaic_0001>

<sc_bundles>
// kernel: kernel.11.cloned.1.call-start
scs
__scs_entry_jumppad:
0x0: {  	(pc) =	sbr.rel $0x88, $3  }
0x1: {  	(tag) =	ssettag $0x0;
	lr =	simm.s32 $0x1  }
0x2: {  	[smem:$0x3F9B] =	sst lr;
	_ =	strace $0xD0000000  }
0x3: {  	_ = 	snop  }
0x4: {  	_ = 	snop  }
0x5: {  	_ = 	snop  }
0x6: {  	_ = 	snop  }
0x7: {  	_ = 	snop  }
__scs_overlays_trampoline_lowered:
0x8: {  	[smem:$0x3FAA] =	sst s0  }
0x9: {  	[smem:$0x3FAB] =	sst s1  }
0xa: {  	[smem:$0x3FAC] =	sst s2  }
0xb: {  	[smem:$0x3FAD] =	sst s3  }
0xc: {  	[smem:$0x3FAE] =	sst s4  }
0xd: {  	[smem:$0x3FAF] =	sst s5  }
0xe: {  	[smem:$0x3FB0] =	sst s6  }
0xf: {  	[smem:$0x3FB1] =	sst s7  }
0x10: {  	[smem:$0x3FB2] =	sst s8  }
0x11: {  	[smem:$0x3FB3] =	sst s9;
	s0 =	simm.s32 @!p0 $0x0  }
0x12: {  	s1 =	sld [smem:$0x3F99];
	s0 =	simm.s32 @p0 $0x1  }
0x13: {  	[smem:$0x3FB4] =	sst s0;
	s0 =	simm.s32 @!p1 $0x0  }
0x14: {  	s2 =	sld [smem:$0x3F98];
	s0 =	simm.s32 @p1 $0x1  }
0x15: {  	[smem:$0x3FB5] =	sst s0;
	s0 =	simm.s32 @!p2 $0x0  }
0x16: {  	s3 =	sld [smem:$0x3FDB];
	s0 =	simm.s32 @p2 $0x1  }
0x17: {  	s4 =	simm.s32 $0x1BF5;
	[smem:$0x3FB7] =	sst s0  }
0x18: {  	s0 =	sld [smem:$0x3F9A];
	_ =	swait.ge [sflag:s4], $0x0  }
0x19: {  	s7 =	sld [smem:$0x3F9B]  }
0x1a: {  	s8 =	sadd.s32 $0xFFFFE003, lr  }
0x1b: {  	s9 =	sadd.s32 $0xFFFFFEF7, lr;
	s5 =	simm.s32 $0xFFFFFFFF;
	p2 =	slt.u32 s8, $0xFFFFF086  }
0x1c: {  	p1 =	slt.u32 s9, $0xF7A;
	s5 =	simm.s32 @!p2 $0x0  }
0x1d: {  	s5 =	simm.s32 @p1 $0x1;
	p0 =	seq.s32 s7, s2  }
0x1e: {  	s7 =	smul.u32 @!p0 $0xF7A, s2;
	p2 =	seq.s32 @!p0 s5, $0x0  }
0x1f: {  	s9 =	smul.u32 $0xF7A, s1;
	s8 =	simm.s32 @!p0 $0x1BF5;
	p2 =	por !p2, p0  }
0x20: {  	[sflag:s8] =	ssyncset.s32 @!p0 $0xFFFFF086;
	s6 =	sadd.s32 @!p0 s3, s7;
	s7 =	simm.s32 @!p0 $0x108  }
0x21: {  	s3 =	sadd.s32 s3, s9;
	s6 =	sadd.s32 @!p0 $0x88, s6;
	s7 =	simm.s32 @p2 $0x1082  }
0x22: {  	[simem:s7], [sflag:s8] =	dma.local @!p0 [hbm:s6], $0xF7A  }
0x23: {  	s9 =	sor.u32 $0xD0000000, s2;
	s6 =	simm.s32 $0x108;
	_ =	swait.ge @!p0 [sflag:s8], $0x0  }
0x24: {  	s3 =	sadd.s32 $0x88, s3;
	s6 =	simm.s32 @!p1 $0x1082;
	[sflag:s4] =	ssyncset.s32 $0xFFFFF086  }
0x25: {  	[simem:s6], [sflag:s4] =	dma.local [hbm:s3], $0xF7A  }
0x26: {  	[smem:$0x3F9B] =	sst s1;
	(tag) =	ssettag s2;
	_ =	strace s9  }
0x27: {  	s1 =	sld [smem:$0x3FAB]  }
0x28: {  	s2 =	sld [smem:$0x3FAC]  }
0x29: {  	s4 =	sld [smem:$0x3FAE]  }
0x2a: {  	p0 =	seq.s32 s5, $0x0;
	s5 =	sld [smem:$0x3FAF]  }
0x2b: {  	s6 =	sld [smem:$0x3FB0]  }
0x2c: {  	s7 =	sld [smem:$0x3FB1]  }
0x2d: {  	s3 =	simm.s32 $0x108;
	s8 =	sld [smem:$0x3FB2]  }
0x2e: {  	s3 =	simm.s32 @!p0 $0x1082;
	s9 =	sld [smem:$0x3FB3]  }
0x2f: {  	lr =	sadd.s32 s0, s3;
	s0 =	sld [smem:$0x3FAA]  }
0x30: {  	s3 =	sld [smem:$0x3FAD]  }
0x31: {  	[smem:$0x3FB6] =	sst s10  }
0x32: {  	s10 =	sld [smem:$0x3FB4];
	_ =	sdelay $0x3  }
0x33: {  	p0 =	seq.s32 s10, $0x1;
	s10 =	sld [smem:$0x3FB6];
	_ =	sdelay $0x3  }
0x34: {  	[smem:$0x3FB6] =	sst s10  }
0x35: {  	s10 =	sld [smem:$0x3FB5];
	_ =	sdelay $0x3  }
0x36: {  	p1 =	seq.s32 s10, $0x1;
	s10 =	sld [smem:$0x3FB6];
	_ =	sdelay $0x3  }
0x37: {  	[smem:$0x3FB6] =	sst s10  }
0x38: {  	s10 =	sld [smem:$0x3FB7]  }
0x39: {  	_ = 	snop;
	(pc) =	sbr.ind lr, $3  }
0x3a: {  	_ = 	snop  }
0x3b: {  	_ = 	snop  }
0x3c: {  	p2 =	seq.s32 s10, $0x1;
	s10 =	sld [smem:$0x3FB6]  }
0x3d: {  	_ =	shalt  }
0x3e: {  	_ =	shalt  }
0x3f: {  	_ =	shalt  }
0x40: {  	_ =	shalt  }
0x41: {  	_ =	shalt  }
0x42: {  	_ =	shalt  }
0x43: {  	_ =	shalt  }
0x44: {  	_ =	shalt  }
0x45: {  	_ =	shalt  }
0x46: {  	_ =	shalt  }
0x47: {  	_ =	shalt  }
0x48: {  	_ =	shalt  }
0x49: {  	_ =	shalt  }
0x4a: {  	_ =	shalt  }
0x4b: {  	_ =	shalt  }
0x4c: {  	_ =	shalt  }
0x4d: {  	_ =	shalt  }
0x4e: {  	_ =	shalt  }
0x4f: {  	_ =	shalt  }
0x50: {  	_ =	shalt  }
0x51: {  	_ =	shalt  }
0x52: {  	_ =	shalt  }
0x53: {  	_ =	shalt  }
0x54: {  	_ =	shalt  }
0x55: {  	_ =	shalt  }
0x56: {  	_ =	shalt  }
0x57: {  	_ =	shalt  }
0x58: {  	_ =	shalt  }
0x59: {  	_ =	shalt  }
0x5a: {  	_ =	shalt  }
0x5b: {  	_ =	shalt  }
0x5c: {  	_ =	shalt  }
0x5d: {  	_ =	shalt  }
0x5e: {  	_ =	shalt  }
0x5f: {  	_ =	shalt  }
0x60: {  	_ =	shalt  }
0x61: {  	_ =	shalt  }
0x62: {  	_ =	shalt  }
0x63: {  	_ =	shalt  }
0x64: {  	_ =	shalt  }
0x65: {  	_ =	shalt  }
0x66: {  	_ =	shalt  }
0x67: {  	_ =	shalt  }
0x68: {  	_ =	shalt  }
0x69: {  	_ =	shalt  }
0x6a: {  	_ =	shalt  }
0x6b: {  	_ =	shalt  }
0x6c: {  	_ =	shalt  }
0x6d: {  	_ =	shalt  }
0x6e: {  	_ =	shalt  }
0x6f: {  	_ =	shalt  }
0x70: {  	_ =	shalt  }
0x71: {  	_ =	shalt  }
0x72: {  	_ =	shalt  }
0x73: {  	_ =	shalt  }
0x74: {  	_ =	shalt  }
0x75: {  	_ =	shalt  }
0x76: {  	_ =	shalt  }
0x77: {  	_ =	shalt  }
0x78: {  	_ =	shalt  }
0x79: {  	_ =	shalt  }
0x7a: {  	_ =	shalt  }
0x7b: {  	_ =	shalt  }
0x7c: {  	_ =	shalt  }
0x7d: {  	_ =	shalt  }
0x7e: {  	_ =	shalt  }
0x7f: {  	_ =	shalt  }
0x80: {  	_ =	shalt  }
0x81: {  	_ =	shalt  }
0x82: {  	_ =	shalt  }
0x83: {  	_ =	shalt  }
0x84: {  	_ =	shalt  }
0x85: {  	_ =	shalt  }
0x86: {  	_ =	shalt  }
0x87: {  	_ =	shalt  }
.Lfunc_end0:
.L_simem_size_0:
called_computation.1_lowered:
.L_overlay_start_0:
0x88: {  	s2 =	sld [smem:$0x3FD9]  }
0x89: {  	s3 =	sld [smem:$0x3FFE];
	_ =	sdelay $0x1  }
0x8a: {  	s1 =	srdreg.scid  }
0x8b: {  	s0 =	sand.u32 $0x1, s1  }
0x8c: {  	s17 =	sshll.u32 s0, $0xA;
	s2 =	sadd.s32 s3, s2  }
0x8d: {  	s2 =	sadd.s32 s2, s17  }
0x8e: {  	[smem:$0x3FC2] =	sst s2  }
0x8f: {  	_ = 	snop  }
0x90: {  	s2 =	sld [smem:$0x3FD0];
	(tm) =	ssettm $0x1  }
0x91: {  	s18 =	sld [smem:$0x3FFB];
	_ =	sdelay $0x3  }
0x92: {  	_ =	strace s18  }
0x93: {  	s3 =	sld [smem:$0x3FFC];
	_ =	sdelay $0x3  }
0x94: {  	_ =	strace s3  }
0x95: {  	s3 =	sld [smem:$0x3FFD];
	_ =	sdelay $0x3  }
0x96: {  	_ =	strace s3  }
0x97: {  	_ =	strace $0x8FFFFFFF  }
0x98: {  	s19 =	sld [smem:$0x3FDB];
	_ =	sdelay $0x1  }
0x99: {  	s4 =	simm.s32 $_scs_section_size  }
0x9a: {  	s5 =	simm.s32 $_size__tile_overlayer_lowered;
	s6 =	simm.s32 $_tile_overlayer_lowered  }
0x9b: {  	s22 =	simm.s32 $0x1BFF;
	s21 =	sshll.u32 s6, $0x1;
	s3 =	sadd.s32 s4, s19  }
0x9c: {  	s7 =	simm.s32 $0x0;
	s20 =	sshll.u32 s5, $0x1;
	s5 =	sadd.s32 s21, s3  }
0x9d: {  	[timem:s7], [sflag:s22] =	dma.local [hbm:s5], s20  }
0x9e: {  	_ =	swait.ge [sflag:s22], s20  }
0x9f: {  	s4 =	ssub.s32 $0x0, s20;
	[sflag:s22] =	ssyncset.done $0x0  }
0xa0: {  	[sflag:s22] =	ssyncadd.s32 s4;
	_ =	sdelay $0x1  }
0xa1: {  	s23 =	simm.s32 $0x1B8B  }
0xa2: {  	_ =	swait.ge [sflag:s23], $0x1  }
0xa3: {  	[sflag:s23] =	ssyncset.done $0x0  }
0xa4: {  	s25 =	simm.s32 $0x1B8E;
	s24 =	sld [smem:$0x3FFE];
	[sflag:s23] =	ssyncadd.s32 $0xFFFFFFFF  }
0xa5: {  	s26 =	simm.s32 $execute0_lowered;
	[smem:$0x3FD2] =	sst s25  }
0xa6: {  	s5 =	sshll.u32 s26, $0x1;
	_ =	strace $0x80000049;
	[dreg:$0x1] =	wrdreg $0xFFFFFFFF  }
0xa7: {  	s28 =	simm.s32 $_size_execute0_lowered;
	s3 =	sadd.s32 s3, s5;
	[dreg:$0x0] =	wrdreg $0x0  }
0xa8: {  	s5 =	sshll.u32 s28, $0x1;
	[dreg:$0x2] =	wrdreg s3  }
0xa9: {  	[dreg:$0x3] =	wrdreg s5  }
0xaa: {  	[dreg:$0x4] =	wrdreg $0xC0  }
0xab: {  	_ =	task [dreg:s7], $0x5FFFF  }
0xac: {  	[dreg:$0x1] =	wrdreg $0xFFFFFFFF  }
0xad: {  	[dreg:$0x0] =	wrdreg $0x60  }
0xae: {  	[dreg:$0x2] =	wrdreg s24  }
0xaf: {  	[dreg:$0x3] =	wrdreg s2  }
0xb0: {  	[dreg:$0x4] =	wrdreg $0xA4000  }
0xb1: {  	[dreg:$0x5] =	wrdreg $0x9  }
0xb2: {  	_ =	task.clear_ibuf [dreg:s7], $0x6FFFF;
	_ =	strace $0x90000049  }
0xb3: {  	s29 =	simm.s32 $0x9;
	_ =	strace $0x8000004B  }
0xb4: {  	_ =	swait.ge [sflag:s29], $0x1  }
0xb5: {  	[sflag:s29] =	ssyncadd.s32 $0xFFFFFFFF  }
0xb6: {  	_ =	strace $0x9000004B  }
0xb7: {  	_ =	sfence  }
0xb8: {  	s30 =	sld [smem:$0x0];
	_ =	sdelay $0x2  }
0xb9: {  	s31 =	sshll.u32 s1, $0xD;
	s1 =	sshrl.u32 s1, $0x2  }
0xba: {  	s3 =	sand.u32 $0x4000, s31;
	s1 =	sadd.s32 s1, s30  }
0xbb: {  	s0 =	sor.u32 s3, s0;
	s1 =	sshll.u32 s1, $0x11  }
0xbc: {  	s0 =	sor.u32 s1, s0  }
0xbd: {  	s0 =	sadd.s32 $0x8F2B, s0  }
0xbe: {  	[sflag:s0] =	ssyncadd.remote.s32 $0x1  }
0xbf: {  	_ =	sfence.sel $0xFFFF  }
0xc0: {  	[dreg:$0x0] =	wrdreg $0xFFFFFFFF;
	(pc) =	sbr.abs _section_cstart, $3  }
0xc1: {  	[dreg:$0x1] =	wrdreg $0xFFFFFFFF  }
0xc2: {  	_ =	task.clear_ibuf [dreg:s7], $0x2FFFF;
	_ =	strace $0x9FFFFFFF  }
0xc3: {  	(tm) =	ssettm $0x7FFFFFFF  }
tec
execute0_lowered:
.L_overlay_start_1:
0x0: {  	(tag) =	ssettag $0x1  }
0x1: {  	s0 =	rddreg [dreg:$0x0]  }
0x2: {  	s1 =	srdreg.scid;
	s3 =	rddreg [dreg:$0x2]  }
0x3: {  	s11 =	stileid.u32;
	s4 =	simm.s32 $0x0;
	s30 =	simm.s32 $0x50  }
0x4: {  	s31 =	simm.s32 $0x400;
	s15 =	simm.s32 $0x380;
	s16 =	simm.s32 $0xC  }
0x5: {  	s17 =	simm.s32 $0x7C00;
	s18 =	simm.s32 $0xE;
	s14 =	simm.s32 $0x10  }
0x6: {  	s1 =	sand.u32 $0x1, s1;
	s6 =	smul.u32 $0x14000, s11;
	[smem:$0x7FF] =	sst s4  }
0x7: {  	s5 =	sadd.s32 $0x36800, s0;
	s7 =	sadd.s32 $0x16800, s0;
	s8 =	smul.u32 $0x50000, s11  }
0x8: {  	s10 =	sshll.u32 s11, $0xF;
	s22 =	sshll.u32 s11, $0x6;
	s11 =	simm.s32 $0x0  }
0x9: {  	s2 =	smul.u32 $0x140000, s1;
	_ =	strace $0x8000004A;
	s19 =	ssub.s32 $0x2, s1  }
0xa: {  	s1 =	sshll.u32 s1, $0xE;
	s9 =	sshrl.u32 s19, $0x1;
	s20 =	sshrl.u32 s8, $0x2  }
0xb: {  	s8 =	sor.u32 s1, s10;
	s1 =	simm.s32 $0x2C00;
	s2 =	sadd.s32 s6, s2  }
0xc: {  	s6 =	sadd.s32 $0x26800, s0;
	s21 =	sadd.s32 s20, s3;
	s10 =	sshrl.u32 s8, $0x3  }
0xd: {  	s20 =	sor.u32 $0x1C11, s22;
	s22 =	simm.s32 $0x4;
	s2 =	sshrl.u32 s2, $0x3  }
0xe: {  	s23 =	sor.u32 $0x10, s10;
	s12 =	sadd.s32 s6, s10;
	[dreg:$0x4] =	wrdreg s20  }
0xf: {  	s24 =	sor.u32 $0x20, s10;
	s10 =	sadd.s32 s10, s7;
	[dreg:$0x5] =	wrdreg s12  }
0x10: {  	s21 =	sshrl.u32 s21, $0x3;
	s0 =	sadd.s32 s2, s0;
	[dreg:$0x9] =	wrdreg s10  }
0x11: {  	s2 =	ssub.s32 s19, s9;
	s13 =	sadd.s32 s6, s23;
	[dreg:$0xf] =	wrdreg s21  }
0x12: {  	s25 =	sadd.s32 s6, s24;
	s12 =	sadd.s32 $0x30, s12;
	[dreg:$0x6] =	wrdreg s13  }
0x13: {  	s9 =	sadd.s32 s7, s23;
	s26 =	sadd.s32 s7, s24;
	[dreg:$0x7] =	wrdreg s25  }
0x14: {  	s29 =	sadd.s32 $0x30, s10;
	s23 =	simm.s32 $0x11;
	[dreg:$0x8] =	wrdreg s12  }
.Ltmp0:
0x15: {  	s24 =	simm.s32 $0x180;
	[dreg:$0xa] =	wrdreg s9;
	(pc) =	sbr.rel .LBB2_1-.Ltmp0, $4  }
0x16: {  	s10 =	simm.s32 $0x2;
	s19 =	simm.s32 $0x8;
	[dreg:$0xb] =	wrdreg s26  }
0x17: {  	s0 =	sadd.s32 $0x5E800, s0;
	s28 =	smax.u32 s2, $0x1;
	[dreg:$0xe] =	wrdreg s29  }
0x18: {  	s2 =	simm.s32 $0xB;
	s12 =	simm.s32 $0x1;
	[dreg:$0xc] =	wrdreg s0  }
0x19: {  	s13 =	simm.s32 $0xD;
	[dreg:$0xd] =	wrdreg s28;
	s0 =	simm.s32 $0x7  }
.LBB2_4:
0x1a: {  	s9 =	simm.s32 $0x5  }
0x1b: {  	_ =	swait.ge [sflag:s9], $0x2800  }
0x1c: {  	[sflag:s9] =	ssyncset.done $0x0  }
0x1d: {  	s26 =	simm.s32 $0x6;
	[sflag:s9] =	ssyncadd.s32 $0xFFFFD800  }
0x1e: {  	_ =	swait.ge [sflag:s26], $0x2800  }
0x1f: {  	[sflag:s26] =	ssyncset.done $0x0  }
0x20: {  	[sflag:s26] =	ssyncadd.s32 $0xFFFFD800  }
0x21: {  	_ =	swait.ge [sflag:s0], $0x2800  }
0x22: {  	[sflag:s0] =	ssyncset.done $0x0  }
0x23: {  	[sflag:s0] =	ssyncadd.s32 $0xFFFFD800  }
0x24: {  	_ =	swait.ge [sflag:s19], $0x2800  }
0x25: {  	[sflag:s19] =	ssyncset.done $0x0  }
0x26: {  	[sflag:s19] =	ssyncadd.s32 $0xFFFFD800  }
0x27: {  	[bflag:$0x0] =	sbarrier.arrive $0xFFFF  }
0x28: {  	s20 =	rddreg [dreg:$0x4]  }
0x29: {  	s28 =	rddreg [dreg:$0xc]  }
0x2a: {  	s23 =	simm.s32 $0x11;
	s21 =	rddreg [dreg:$0xf]  }
0x2b: {  	[hbm:s28], [sflag:s20] =	dma.local [spmem:s21], $0x2800  }
0x2c: {  	_ =	swait.ge [sflag:s23], $0x2800  }
0x2d: {  	s11 =	rddreg [dreg:$0x10]  }
0x2e: {  	s29 =	rddreg [dreg:$0xd];
	s11 =	sadd.s32 $0x1, s11  }
0x2f: {  	p0 =	sne.s32 s11, s29  }
.Ltmp1:
0x30: {  	_ = 	snop;
	(pc) =	sbr.rel @!p0 .LBB2_5-.Ltmp1, $3  }
0x31: {  	_ =	sdelay $0x1  }
0x32: {  	[sflag:s23] =	ssyncset.done $0x0  }
0x33: {  	[sflag:s23] =	ssyncadd.s32 $0xFFFFD800  }
.LBB2_1:
0x34: {  	[dreg:$0x10] =	wrdreg s11  }
0x35: {  	s9 =	rddreg [dreg:$0x1]  }
0x36: {  	[spmem:s21], [sflag:s20] =	dma.local [hbm:s9], $0x2800  }
0x37: {  	_ =	swait.ge [sflag:s23], $0x2800  }
0x38: {  	[sflag:s23] =	ssyncset.done $0x0  }
0x39: {  	[sflag:s23] =	ssyncadd.s32 $0xFFFFD800  }
0x3a: {  	[bflag:$0x0] =	sbarrier.arrive $0xFFFF  }
0x3b: {  	s28 =	rddreg [dreg:$0x5]  }
0x3c: {  	[tilespmem:s4], [sflag:$0x9] =	stream.linear.gather [hbm4b:s28+s4], $0x80, $0x38;
	[tilespmem:$0x1E400] =	vst v63  }
0x3d: {  	s20 =	simm.s32 $0x80;
	s29 =	rddreg [dreg:$0x6]  }
0x3e: {  	[tilespmem:s20], [sflag:$0xA] =	stream.linear.gather [hbm4b:s29+s4], $0x80, $0x38;
	[tilespmem:$0x1E400] =	vst v63  }
0x3f: {  	s21 =	simm.s32 $0x100;
	s11 =	rddreg [dreg:$0x7]  }
0x40: {  	[tilespmem:s21], [sflag:$0xB] =	stream.linear.gather [hbm4b:s11+s4], $0x80, $0x38;
	[tilespmem:$0x1E400] =	vst v63  }
0x41: {  	s23 =	rddreg [dreg:$0x8]  }
0x42: {  	[tilespmem:s24], [sflag:$0xC] =	stream.linear.gather [hbm4b:s23+s4], $0x80, $0x38;
	[tilespmem:$0x1E400] =	vst v63  }
0x43: {  	s26 =	simm.s32 $0x200;
	s25 =	rddreg [dreg:$0x9]  }
0x44: {  	[tilespmem:s26], [sflag:$0xD] =	stream.linear.gather [hbm4b:s25+s4], $0x80, $0x38;
	[tilespmem:$0x1E400] =	vst v63  }
0x45: {  	s28 =	rddreg [dreg:$0xa];
	s29 =	simm.s32 $0x280  }
0x46: {  	[tilespmem:s29], [sflag:$0xE] =	stream.linear.gather [hbm4b:s28+s4], $0x80, $0x38;
	[tilespmem:$0x1E400] =	vst v63  }
0x47: {  	s23 =	rddreg [dreg:$0xb];
	s25 =	simm.s32 $0x300;
	s26 =	simm.s32 $0x9  }
0x48: {  	[tilespmem:s25], [sflag:$0xF] =	stream.linear.gather [hbm4b:s23+s4], $0x80, $0x38;
	[tilespmem:$0x1E400] =	vst v63  }
0x49: {  	_ =	swait.ge [sflag:s26], $0x80  }
0x4a: {  	[sflag:s26] =	ssyncset.done $0x0  }
0x4b: {  	s28 =	simm.s32 $0xA;
	[sflag:s26] =	ssyncadd.s32 $0xFFFFFF80  }
0x4c: {  	[tilespmem:s31], [sflag:$0x1] =	stream.indirect.gather [hbm4b:s5+s30], $0x80, s4, s30, $0xb8;
	[tilespmem:$0x1E400] =	vst v63  }
0x4d: {  	_ =	swait.ge [sflag:s28], $0x80  }
0x4e: {  	[sflag:s28] =	ssyncset.done $0x0  }
0x4f: {  	[sflag:s28] =	ssyncadd.s32 $0xFFFFFF80  }
0x50: {  	[tilespmem:s1], [sflag:$0x2] =	stream.indirect.gather [hbm4b:s5+s30], $0x80, s20, s30, $0xb8;
	[tilespmem:$0x1E400] =	vst v63  }
0x51: {  	_ =	swait.ge [sflag:s2], $0x80  }
0x52: {  	s11 =	simm.s32 $0x100;
	s29 =	simm.s32 $0x5400;
	[sflag:s2] =	ssyncset.done $0x0  }
0x53: {  	s20 =	simm.s32 $0x380;
	s9 =	rddreg [dreg:$0xe];
	[sflag:s2] =	ssyncadd.s32 $0xFFFFFF80  }
0x54: {  	[tilespmem:s29], [sflag:$0x3] =	stream.indirect.gather [hbm4b:s5+s30], $0x80, s21, s30, $0xb8;
	[tilespmem:$0x1E400] =	vst v63  }
.LBB2_2:
0x55: {  	_ =	swait.ge [sflag:s12], $0x2800  }
0x56: {  	[sflag:s12] =	ssyncset.done $0x0  }
0x57: {  	[sflag:s12] =	ssyncadd.s32 $0xFFFFD800  }
0x58: {  	_ =	swait.ge [sflag:s13], $0x80  }
0x59: {  	[sflag:s13] =	ssyncset.done $0x0  }
0x5a: {  	s21 =	simm.s32 $0x200;
	p0 =	seq.s32 s20, $0x4180;
	[sflag:s13] =	ssyncadd.s32 $0xFFFFFF80  }
0x5b: {  	[spmem:s3] =	stream.indirect.scatter.add.f32 [tilespmem:s31], [sflag:$0x5], $0x80, s21, s30, $0xb8;
	[tilespmem:$0x1E400] =	vst v63  }
0x5c: {  	s21 =	sadd.s32 @!p0 $0xFFFFFE80, s20  }
0x5d: {  	s29 =	sand.u32 @!p0 $0x7C00, s21  }
0x5e: {  	s21 =	sand.u32 @!p0 $0x200, s21;
	s29 =	sadd.s32 @!p0 s8, s29  }
0x5f: {  	s21 =	sor.u32 @!p0 s21, s29  }
0x60: {  	p1 =	seq.s32 @!p0 s20, $0x380;
	s29 =	sshrl.u32 @!p0 s21, $0x3  }
0x61: {  	p1 =	por p0, !p1;
	s21 =	simm.s32 @!p0 $0x0;
	s28 =	sadd.s32 @!p0 s6, s29  }
0x62: {  	[tilespmem:s21], [sflag:$0x9] =	stream.linear.gather @!p0 [hbm4b:s28+s21], $0x80, $0x38;
	[tilespmem:$0x1E400] =	vst v63  }
0x63: {  	_ =	swait.ge @p1 [sflag:s19], $0x2800  }
0x64: {  	[sflag:s19] =	ssyncset.done @p1 $0x0  }
0x65: {  	[sflag:s19] =	ssyncadd.s32 @p1 $0xFFFFD800  }
0x66: {  	[tilespmem:s15], [sflag:$0x10] =	stream.linear.gather [hbm4b:s9+s4], $0x80, $0x38;
	[tilespmem:$0x1E400] =	vst v63  }
0x67: {  	_ =	swait.ge [sflag:s16], $0x80  }
0x68: {  	[sflag:s16] =	ssyncset.done $0x0  }
0x69: {  	[sflag:s16] =	ssyncadd.s32 $0xFFFFFF80  }
0x6a: {  	[tilespmem:s17], [sflag:$0x4] =	stream.indirect.gather [hbm4b:s5+s30], $0x80, s24, s30, $0xb8;
	[tilespmem:$0x1E400] =	vst v63  }
0x6b: {  	_ =	swait.ge [sflag:s10], $0x2800  }
0x6c: {  	[sflag:s10] =	ssyncset.done $0x0  }
0x6d: {  	[sflag:s10] =	ssyncadd.s32 $0xFFFFD800  }
0x6e: {  	_ =	swait.ge [sflag:s18], $0x80  }
0x6f: {  	[sflag:s18] =	ssyncset.done $0x0  }
0x70: {  	s23 =	simm.s32 $0x280;
	s28 =	simm.s32 @p0 $0x3;
	[sflag:s18] =	ssyncadd.s32 $0xFFFFFF80  }
0x71: {  	[spmem:s3] =	stream.indirect.scatter.add.f32 [tilespmem:s1], [sflag:$0x6], $0x80, s23, s30, $0xb8;
	[tilespmem:$0x1E400] =	vst v63  }
0x72: {  	_ =	swait.ge @p0 [sflag:s28], $0x2800  }
0x73: {  	[sflag:s28] =	ssyncset.done @p0 $0x0  }
0x74: {  	[sflag:s28] =	ssyncadd.s32 @p0 $0xFFFFD800;
	s28 =	simm.s32 @p0 $0xF  }
0x75: {  	_ =	swait.ge @p0 [sflag:s28], $0x80  }
0x76: {  	s25 =	simm.s32 @p0 $0x5400;
	[sflag:s28] =	ssyncset.done @p0 $0x0  }
0x77: {  	s23 =	simm.s32 @p0 $0x300;
	[sflag:s28] =	ssyncadd.s32 @p0 $0xFFFFFF80;
	s28 =	simm.s32 @p0 $0x50  }
0x78: {  	[spmem:s3] =	stream.indirect.scatter.add.f32 @p0 [tilespmem:s25], [sflag:$0x7], $0x80, s23, s28, $0xb8;
	[tilespmem:$0x1E400] =	vst v63  }
0x79: {  	s23 =	sadd.s32 @!p0 $0xFFFFFF00, s20  }
0x7a: {  	s25 =	sand.u32 @!p0 $0x7C00, s23  }
0x7b: {  	s23 =	sand.u32 @!p0 $0x280, s23;
	s25 =	sadd.s32 @!p0 s8, s25  }
0x7c: {  	s23 =	sor.u32 @!p0 s23, s25  }
0x7d: {  	s23 =	sshrl.u32 @!p0 s23, $0x3  }
0x7e: {  	s28 =	simm.s32 @!p0 $0x80;
	s25 =	sadd.s32 @!p0 s6, s23  }
0x7f: {  	[tilespmem:s28], [sflag:$0xA] =	stream.linear.gather @!p0 [hbm4b:s25+s21], $0x80, $0x38;
	[tilespmem:$0x1E400] =	vst v63  }
0x80: {  	s25 =	simm.s32 @!p0 $0x5  }
0x81: {  	_ =	swait.ge @!p0 [sflag:s25], $0x2800  }
0x82: {  	[sflag:s25] =	ssyncset.done @!p0 $0x0  }
0x83: {  	[sflag:s25] =	ssyncadd.s32 @!p0 $0xFFFFD800;
	s25 =	sadd.s32 @!p0 s7, s29;
	s29 =	simm.s32 @!p0 $0x200  }
0x84: {  	[tilespmem:s29], [sflag:$0xD] =	stream.linear.gather @!p0 [hbm4b:s25+s21], $0x80, $0x38;
	[tilespmem:$0x1E400] =	vst v63  }
0x85: {  	s25 =	simm.s32 @!p0 $0x9  }
0x86: {  	_ =	swait.ge @!p0 [sflag:s25], $0x80  }
0x87: {  	[sflag:s25] =	ssyncset.done @!p0 $0x0  }
0x88: {  	s29 =	simm.s32 @!p0 $0x400;
	[sflag:s25] =	ssyncadd.s32 @!p0 $0xFFFFFF80;
	s25 =	simm.s32 @!p0 $0x50  }
0x89: {  	[tilespmem:s29], [sflag:$0x1] =	stream.indirect.gather @!p0 [hbm4b:s5+s25], $0x80, s21, s25, $0xb8;
	[tilespmem:$0x1E400] =	vst v63  }
0x8a: {  	s29 =	simm.s32 @!p0 $0x3  }
0x8b: {  	_ =	swait.ge @!p0 [sflag:s29], $0x2800  }
0x8c: {  	[sflag:s29] =	ssyncset.done @!p0 $0x0  }
0x8d: {  	[sflag:s29] =	ssyncadd.s32 @!p0 $0xFFFFD800;
	s29 =	simm.s32 @!p0 $0xF  }
0x8e: {  	_ =	swait.ge @!p0 [sflag:s29], $0x80  }
0x8f: {  	[sflag:s29] =	ssyncset.done @!p0 $0x0  }
0x90: {  	s26 =	simm.s32 @!p0 $0x5400;
	[sflag:s29] =	ssyncadd.s32 @!p0 $0xFFFFFF80;
	s29 =	simm.s32 @!p0 $0x300  }
0x91: {  	[spmem:s3] =	stream.indirect.scatter.add.f32 @!p0 [tilespmem:s26], [sflag:$0x7], $0x80, s29, s25, $0xb8;
	[tilespmem:$0x1E400] =	vst v63  }
0x92: {  	s26 =	sadd.s32 @!p0 $0xFFFFFF80, s20  }
0x93: {  	s29 =	sand.u32 @!p0 $0x7C00, s26  }
0x94: {  	s26 =	sand.u32 @!p0 $0x300, s26;
	s29 =	sadd.s32 @!p0 s8, s29  }
0x95: {  	s26 =	sor.u32 @!p0 s26, s29  }
0x96: {  	s26 =	sshrl.u32 @!p0 s26, $0x3  }
0x97: {  	s29 =	simm.s32 @!p0 $0x100;
	s26 =	sadd.s32 @!p0 s6, s26  }
0x98: {  	[tilespmem:s29], [sflag:$0xB] =	stream.linear.gather @!p0 [hbm4b:s26+s21], $0x80, $0x38;
	[tilespmem:$0x1E400] =	vst v63  }
0x99: {  	s26 =	simm.s32 @!p0 $0x6  }
0x9a: {  	_ =	swait.ge @!p0 [sflag:s26], $0x2800  }
0x9b: {  	[sflag:s26] =	ssyncset.done @!p0 $0x0  }
0x9c: {  	s23 =	sadd.s32 @!p0 s7, s23;
	[sflag:s26] =	ssyncadd.s32 @!p0 $0xFFFFD800;
	s26 =	simm.s32 @!p0 $0x280  }
0x9d: {  	[tilespmem:s26], [sflag:$0xE] =	stream.linear.gather @!p0 [hbm4b:s23+s21], $0x80, $0x38;
	[tilespmem:$0x1E400] =	vst v63  }
0x9e: {  	s21 =	simm.s32 @!p0 $0xA  }
0x9f: {  	_ =	swait.ge @!p0 [sflag:s21], $0x80  }
0xa0: {  	[sflag:s21] =	ssyncset.done @!p0 $0x0  }
0xa1: {  	[sflag:s21] =	ssyncadd.s32 @!p0 $0xFFFFFF80;
	s21 =	simm.s32 @!p0 $0x2C00  }
0xa2: {  	[tilespmem:s21], [sflag:$0x2] =	stream.indirect.gather @!p0 [hbm4b:s5+s25], $0x80, s28, s25, $0xb8;
	[tilespmem:$0x1E400] =	vst v63  }
0xa3: {  	_ =	swait.ge [sflag:s22], $0x2800  }
0xa4: {  	[sflag:s22] =	ssyncset.done $0x0  }
.Ltmp2:
0xa5: {  	[sflag:s22] =	ssyncadd.s32 $0xFFFFD800;
	(pc) =	sbr.rel @p0 .LBB2_4-.Ltmp2, $4  }
0xa6: {  	_ =	swait.ge [sflag:s14], $0x80  }
0xa7: {  	[sflag:s14] =	ssyncset.done $0x0  }
0xa8: {  	[sflag:s14] =	ssyncadd.s32 $0xFFFFFF80  }
0xa9: {  	[spmem:s3] =	stream.indirect.scatter.add.f32 [tilespmem:s17], [sflag:$0x8], $0x80, s15, s30, $0xb8;
	[tilespmem:$0x1E400] =	vst v63  }
0xaa: {  	s21 =	sand.u32 $0x7C00, s20  }
0xab: {  	s23 =	sand.u32 $0x380, s20;
	s21 =	sadd.s32 s8, s21  }
0xac: {  	s21 =	sor.u32 s23, s21  }
0xad: {  	s25 =	sadd.s32 $0xFFFFFF80, s20;
	s21 =	sshrl.u32 s21, $0x3  }
0xae: {  	s26 =	sand.u32 $0x7C00, s25;
	s21 =	sadd.s32 s6, s21  }
0xaf: {  	[tilespmem:s24], [sflag:$0xC] =	stream.linear.gather [hbm4b:s21+s4], $0x80, $0x38;
	[tilespmem:$0x1E400] =	vst v63  }
0xb0: {  	s23 =	sadd.s32 s8, s26;
	s21 =	sand.u32 $0x300, s25  }
0xb1: {  	_ =	swait.ge [sflag:s0], $0x2800;
	s21 =	sor.u32 s21, s23  }
0xb2: {  	[sflag:s0] =	ssyncset.done $0x0;
	s21 =	sshrl.u32 s21, $0x3  }
0xb3: {  	s28 =	simm.s32 $0x300;
	[sflag:s0] =	ssyncadd.s32 $0xFFFFD800;
	s21 =	sadd.s32 s7, s21  }
0xb4: {  	[tilespmem:s28], [sflag:$0xF] =	stream.linear.gather [hbm4b:s21+s4], $0x80, $0x38;
	[tilespmem:$0x1E400] =	vst v63  }
.Ltmp3:
0xb5: {  	_ = 	snop;
	(pc) =	sbr.rel .LBB2_2-.Ltmp3, $4  }
0xb6: {  	_ =	swait.ge [sflag:s2], $0x80  }
0xb7: {  	s29 =	simm.s32 $0x5400;
	[sflag:s2] =	ssyncset.done $0x0  }
0xb8: {  	s20 =	sadd.s32 $0x200, s20;
	s9 =	sadd.s32 $0x40, s9;
	[sflag:s2] =	ssyncadd.s32 $0xFFFFFF80  }
0xb9: {  	[tilespmem:s29], [sflag:$0x3] =	stream.indirect.gather [hbm4b:s5+s30], $0x80, s11, s30, $0xb8;
	[tilespmem:$0x1E400] =	vst v63  }
.LBB2_5:
0xba: {  	_ =	sfence.sel $0x180000  }
0xbb: {  	[bflag:$0x0] =	sbarrier.arrive $0xFFFF  }
0xbc: {  	_ =	strace $0x9000004A  }
0xbd: {  	s0 =	stileid.u32;
	[bflag:$0x2] =	sbarrier.arrive $0xFFFF  }
0xbe: {  	p0 =	sne.s32 s0, $0x0;
	s0 =	rddreg [dreg:$0x3]  }
0xbf: {  	s0 =	sadd.s32 @!p0 $0x100000, s0  }
0xc0: {  	[sflag:s0] =	ssyncadd.tile.s32 @!p0 $0x1;
	_ =	shalt  }
.Lfunc_end2:
_tile_overlayer_lowered:
.L_overlay_start_2:
0xc1: {  	(tag) =	ssettag $0x2  }
0xc2: {  	s0 =	rddreg [dreg:$0x0];
	s2 =	stileid.u32  }
0xc3: {  	s1 =	rddreg [dreg:$0x1];
	p0 =	sne.s32 s2, $0x0  }
0xc4: {  	s3 =	rddreg [dreg:$0x2];
	[bflag:$0x3] =	sbarrier.arrive $0xFFFF;
	s2 =	simm.s32 @!p0 $0x1C11  }
0xc5: {  	[timem:s3], [sflag:s2] =	dma.local @!p0 [hbm:s0], s1  }
0xc6: {  	s0 =	simm.s32 @!p0 $0x11  }
0xc7: {  	_ =	swait.ge @!p0 [sflag:s0], s1  }
0xc8: {  	s1 =	ssub.s32 @!p0 $0x0, s1;
	[sflag:s0] =	ssyncset.done @!p0 $0x0  }
0xc9: {  	[sflag:s0] =	ssyncadd.s32 @!p0 s1  }
0xca: {  	[bflag:$0x3] =	sbarrier.arrive $0xFFFF  }
0xcb: {  	_ =	shalt  }

// kernel: kernel.14.cloned.1.call-start
scs
__scs_entry_jumppad:
0x0: {  	(pc) =	sbr.rel $0x88, $3  }
0x1: {  	(tag) =	ssettag $0x0;
	lr =	simm.s32 $0x1  }
0x2: {  	[smem:$0x3F9B] =	sst lr;
	_ =	strace $0xD0000000  }
0x3: {  	_ = 	snop  }
0x4: {  	_ = 	snop  }
0x5: {  	_ = 	snop  }
0x6: {  	_ = 	snop  }
0x7: {  	_ = 	snop  }
__scs_overlays_trampoline_lowered:
0x8: {  	[smem:$0x3FAA] =	sst s0  }
0x9: {  	[smem:$0x3FAB] =	sst s1  }
0xa: {  	[smem:$0x3FAC] =	sst s2  }
0xb: {  	[smem:$0x3FAD] =	sst s3  }
0xc: {  	[smem:$0x3FAE] =	sst s4  }
0xd: {  	[smem:$0x3FAF] =	sst s5  }
0xe: {  	[smem:$0x3FB0] =	sst s6  }
0xf: {  	[smem:$0x3FB1] =	sst s7  }
0x10: {  	[smem:$0x3FB2] =	sst s8  }
0x11: {  	[smem:$0x3FB3] =	sst s9;
	s0 =	simm.s32 @!p0 $0x0  }
0x12: {  	s1 =	sld [smem:$0x3F99];
	s0 =	simm.s32 @p0 $0x1  }
0x13: {  	[smem:$0x3FB4] =	sst s0;
	s0 =	simm.s32 @!p1 $0x0  }
0x14: {  	s2 =	sld [smem:$0x3F98];
	s0 =	simm.s32 @p1 $0x1  }
0x15: {  	[smem:$0x3FB5] =	sst s0;
	s0 =	simm.s32 @!p2 $0x0  }
0x16: {  	s3 =	sld [smem:$0x3FDB];
	s0 =	simm.s32 @p2 $0x1  }
0x17: {  	s4 =	simm.s32 $0x1BF5;
	[smem:$0x3FB7] =	sst s0  }
0x18: {  	s0 =	sld [smem:$0x3F9A];
	_ =	swait.ge [sflag:s4], $0x0  }
0x19: {  	s7 =	sld [smem:$0x3F9B]  }
0x1a: {  	s8 =	sadd.s32 $0xFFFFE003, lr  }
0x1b: {  	s9 =	sadd.s32 $0xFFFFFEF7, lr;
	s5 =	simm.s32 $0xFFFFFFFF;
	p2 =	slt.u32 s8, $0xFFFFF086  }
0x1c: {  	p1 =	slt.u32 s9, $0xF7A;
	s5 =	simm.s32 @!p2 $0x0  }
0x1d: {  	s5 =	simm.s32 @p1 $0x1;
	p0 =	seq.s32 s7, s2  }
0x1e: {  	s7 =	smul.u32 @!p0 $0xF7A, s2;
	p2 =	seq.s32 @!p0 s5, $0x0  }
0x1f: {  	s9 =	smul.u32 $0xF7A, s1;
	s8 =	simm.s32 @!p0 $0x1BF5;
	p2 =	por !p2, p0  }
0x20: {  	[sflag:s8] =	ssyncset.s32 @!p0 $0xFFFFF086;
	s6 =	sadd.s32 @!p0 s3, s7;
	s7 =	simm.s32 @!p0 $0x108  }
0x21: {  	s3 =	sadd.s32 s3, s9;
	s6 =	sadd.s32 @!p0 $0x88, s6;
	s7 =	simm.s32 @p2 $0x1082  }
0x22: {  	[simem:s7], [sflag:s8] =	dma.local @!p0 [hbm:s6], $0xF7A  }
0x23: {  	s9 =	sor.u32 $0xD0000000, s2;
	s6 =	simm.s32 $0x108;
	_ =	swait.ge @!p0 [sflag:s8], $0x0  }
0x24: {  	s3 =	sadd.s32 $0x88, s3;
	s6 =	simm.s32 @!p1 $0x1082;
	[sflag:s4] =	ssyncset.s32 $0xFFFFF086  }
0x25: {  	[simem:s6], [sflag:s4] =	dma.local [hbm:s3], $0xF7A  }
0x26: {  	[smem:$0x3F9B] =	sst s1;
	(tag) =	ssettag s2;
	_ =	strace s9  }
0x27: {  	s1 =	sld [smem:$0x3FAB]  }
0x28: {  	s2 =	sld [smem:$0x3FAC]  }
0x29: {  	s4 =	sld [smem:$0x3FAE]  }
0x2a: {  	p0 =	seq.s32 s5, $0x0;
	s5 =	sld [smem:$0x3FAF]  }
0x2b: {  	s6 =	sld [smem:$0x3FB0]  }
0x2c: {  	s7 =	sld [smem:$0x3FB1]  }
0x2d: {  	s3 =	simm.s32 $0x108;
	s8 =	sld [smem:$0x3FB2]  }
0x2e: {  	s3 =	simm.s32 @!p0 $0x1082;
	s9 =	sld [smem:$0x3FB3]  }
0x2f: {  	lr =	sadd.s32 s0, s3;
	s0 =	sld [smem:$0x3FAA]  }
0x30: {  	s3 =	sld [smem:$0x3FAD]  }
0x31: {  	[smem:$0x3FB6] =	sst s10  }
0x32: {  	s10 =	sld [smem:$0x3FB4];
	_ =	sdelay $0x3  }
0x33: {  	p0 =	seq.s32 s10, $0x1;
	s10 =	sld [smem:$0x3FB6];
	_ =	sdelay $0x3  }
0x34: {  	[smem:$0x3FB6] =	sst s10  }
0x35: {  	s10 =	sld [smem:$0x3FB5];
	_ =	sdelay $0x3  }
0x36: {  	p1 =	seq.s32 s10, $0x1;
	s10 =	sld [smem:$0x3FB6];
	_ =	sdelay $0x3  }
0x37: {  	[smem:$0x3FB6] =	sst s10  }
0x38: {  	s10 =	sld [smem:$0x3FB7]  }
0x39: {  	_ = 	snop;
	(pc) =	sbr.ind lr, $3  }
0x3a: {  	_ = 	snop  }
0x3b: {  	_ = 	snop  }
0x3c: {  	p2 =	seq.s32 s10, $0x1;
	s10 =	sld [smem:$0x3FB6]  }
0x3d: {  	_ =	shalt  }
0x3e: {  	_ =	shalt  }
0x3f: {  	_ =	shalt  }
0x40: {  	_ =	shalt  }
0x41: {  	_ =	shalt  }
0x42: {  	_ =	shalt  }
0x43: {  	_ =	shalt  }
0x44: {  	_ =	shalt  }
0x45: {  	_ =	shalt  }
0x46: {  	_ =	shalt  }
0x47: {  	_ =	shalt  }
0x48: {  	_ =	shalt  }
0x49: {  	_ =	shalt  }
0x4a: {  	_ =	shalt  }
0x4b: {  	_ =	shalt  }
0x4c: {  	_ =	shalt  }
0x4d: {  	_ =	shalt  }
0x4e: {  	_ =	shalt  }
0x4f: {  	_ =	shalt  }
0x50: {  	_ =	shalt  }
0x51: {  	_ =	shalt  }
0x52: {  	_ =	shalt  }
0x53: {  	_ =	shalt  }
0x54: {  	_ =	shalt  }
0x55: {  	_ =	shalt  }
0x56: {  	_ =	shalt  }
0x57: {  	_ =	shalt  }
0x58: {  	_ =	shalt  }
0x59: {  	_ =	shalt  }
0x5a: {  	_ =	shalt  }
0x5b: {  	_ =	shalt  }
0x5c: {  	_ =	shalt  }
0x5d: {  	_ =	shalt  }
0x5e: {  	_ =	shalt  }
0x5f: {  	_ =	shalt  }
0x60: {  	_ =	shalt  }
0x61: {  	_ =	shalt  }
0x62: {  	_ =	shalt  }
0x63: {  	_ =	shalt  }
0x64: {  	_ =	shalt  }
0x65: {  	_ =	shalt  }
0x66: {  	_ =	shalt  }
0x67: {  	_ =	shalt  }
0x68: {  	_ =	shalt  }
0x69: {  	_ =	shalt  }
0x6a: {  	_ =	shalt  }
0x6b: {  	_ =	shalt  }
0x6c: {  	_ =	shalt  }
0x6d: {  	_ =	shalt  }
0x6e: {  	_ =	shalt  }
0x6f: {  	_ =	shalt  }
0x70: {  	_ =	shalt  }
0x71: {  	_ =	shalt  }
0x72: {  	_ =	shalt  }
0x73: {  	_ =	shalt  }
0x74: {  	_ =	shalt  }
0x75: {  	_ =	shalt  }
0x76: {  	_ =	shalt  }
0x77: {  	_ =	shalt  }
0x78: {  	_ =	shalt  }
0x79: {  	_ =	shalt  }
0x7a: {  	_ =	shalt  }
0x7b: {  	_ =	shalt  }
0x7c: {  	_ =	shalt  }
0x7d: {  	_ =	shalt  }
0x7e: {  	_ =	shalt  }
0x7f: {  	_ =	shalt  }
0x80: {  	_ =	shalt  }
0x81: {  	_ =	shalt  }
0x82: {  	_ =	shalt  }
0x83: {  	_ =	shalt  }
0x84: {  	_ =	shalt  }
0x85: {  	_ =	shalt  }
0x86: {  	_ =	shalt  }
0x87: {  	_ =	shalt  }
.Lfunc_end0:
.L_simem_size_0:
called_computation.2_lowered:
.L_overlay_start_0:
0x88: {  	s2 =	sld [smem:$0x3FD9]  }
0x89: {  	s3 =	sld [smem:$0x3FFE];
	_ =	sdelay $0x1  }
0x8a: {  	s1 =	srdreg.scid  }
0x8b: {  	s0 =	sand.u32 $0x1, s1  }
0x8c: {  	s17 =	sshll.u32 s0, $0xA;
	s2 =	sadd.s32 s3, s2  }
0x8d: {  	s2 =	sadd.s32 s2, s17  }
0x8e: {  	[smem:$0x3FC2] =	sst s2  }
0x8f: {  	_ = 	snop  }
0x90: {  	s2 =	sld [smem:$0x3FD0];
	(tm) =	ssettm $0x1  }
0x91: {  	s18 =	sld [smem:$0x3FFB];
	_ =	sdelay $0x3  }
0x92: {  	_ =	strace s18  }
0x93: {  	s3 =	sld [smem:$0x3FFC];
	_ =	sdelay $0x3  }
0x94: {  	_ =	strace s3  }
0x95: {  	s3 =	sld [smem:$0x3FFD];
	_ =	sdelay $0x3  }
0x96: {  	_ =	strace s3  }
0x97: {  	_ =	strace $0x8FFFFFFF  }
0x98: {  	s19 =	sld [smem:$0x3FDB];
	_ =	sdelay $0x1  }
0x99: {  	s4 =	simm.s32 $_scs_section_size  }
0x9a: {  	s5 =	simm.s32 $_size__tile_overlayer_lowered;
	s6 =	simm.s32 $_tile_overlayer_lowered  }
0x9b: {  	s22 =	simm.s32 $0x1BFF;
	s21 =	sshll.u32 s6, $0x1;
	s3 =	sadd.s32 s4, s19  }
0x9c: {  	s7 =	simm.s32 $0x0;
	s20 =	sshll.u32 s5, $0x1;
	s5 =	sadd.s32 s21, s3  }
0x9d: {  	[timem:s7], [sflag:s22] =	dma.local [hbm:s5], s20  }
0x9e: {  	_ =	swait.ge [sflag:s22], s20  }
0x9f: {  	s4 =	ssub.s32 $0x0, s20;
	[sflag:s22] =	ssyncset.done $0x0  }
0xa0: {  	[sflag:s22] =	ssyncadd.s32 s4;
	_ =	sdelay $0x1  }
0xa1: {  	s23 =	simm.s32 $0x1B8B  }
0xa2: {  	_ =	swait.ge [sflag:s23], $0x1  }
0xa3: {  	[sflag:s23] =	ssyncset.done $0x0  }
0xa4: {  	s25 =	simm.s32 $0x1B8E;
	s24 =	sld [smem:$0x3FFE];
	[sflag:s23] =	ssyncadd.s32 $0xFFFFFFFF  }
0xa5: {  	s26 =	simm.s32 $execute0_lowered;
	[smem:$0x3FD2] =	sst s25  }
0xa6: {  	s5 =	sshll.u32 s26, $0x1;
	_ =	strace $0x8000004C;
	[dreg:$0x1] =	wrdreg $0xFFFFFFFF  }
0xa7: {  	s28 =	simm.s32 $_size_execute0_lowered;
	s3 =	sadd.s32 s3, s5;
	[dreg:$0x0] =	wrdreg $0x0  }
0xa8: {  	s5 =	sshll.u32 s28, $0x1;
	[dreg:$0x2] =	wrdreg s3  }
0xa9: {  	[dreg:$0x3] =	wrdreg s5  }
0xaa: {  	[dreg:$0x4] =	wrdreg $0xC0  }
0xab: {  	_ =	task [dreg:s7], $0x5FFFF  }
0xac: {  	[dreg:$0x1] =	wrdreg $0xFFFFFFFF  }
0xad: {  	[dreg:$0x0] =	wrdreg $0x60  }
0xae: {  	[dreg:$0x2] =	wrdreg s24  }
0xaf: {  	[dreg:$0x3] =	wrdreg s2  }
0xb0: {  	[dreg:$0x4] =	wrdreg $0x24000  }
0xb1: {  	[dreg:$0x5] =	wrdreg $0x9  }
0xb2: {  	_ =	task.clear_ibuf [dreg:s7], $0x6FFFF;
	_ =	strace $0x9000004C  }
0xb3: {  	s29 =	simm.s32 $0x9;
	_ =	strace $0x8000004E  }
0xb4: {  	_ =	swait.ge [sflag:s29], $0x1  }
0xb5: {  	[sflag:s29] =	ssyncadd.s32 $0xFFFFFFFF  }
0xb6: {  	_ =	strace $0x9000004E  }
0xb7: {  	_ =	sfence  }
0xb8: {  	s30 =	sld [smem:$0x0];
	_ =	sdelay $0x2  }
0xb9: {  	s31 =	sshll.u32 s1, $0xD;
	s1 =	sshrl.u32 s1, $0x2  }
0xba: {  	s3 =	sand.u32 $0x4000, s31;
	s1 =	sadd.s32 s1, s30  }
0xbb: {  	s0 =	sor.u32 s3, s0;
	s1 =	sshll.u32 s1, $0x11  }
0xbc: {  	s0 =	sor.u32 s1, s0  }
0xbd: {  	s0 =	sadd.s32 $0x8F2B, s0  }
0xbe: {  	[sflag:s0] =	ssyncadd.remote.s32 $0x1  }
0xbf: {  	_ =	sfence.sel $0xFFFF  }
0xc0: {  	[dreg:$0x0] =	wrdreg $0xFFFFFFFF;
	(pc) =	sbr.abs _section_cstart, $3  }
0xc1: {  	[dreg:$0x1] =	wrdreg $0xFFFFFFFF  }
0xc2: {  	_ =	task.clear_ibuf [dreg:s7], $0x2FFFF;
	_ =	strace $0x9FFFFFFF  }
0xc3: {  	(tm) =	ssettm $0x7FFFFFFF  }
tec
execute0_lowered:
.L_overlay_start_1:
0x0: {  	(tag) =	ssettag $0x1  }
0x1: {  	s0 =	rddreg [dreg:$0x0]  }
0x2: {  	s3 =	rddreg [dreg:$0x2]  }
0x3: {  	s4 =	simm.s32 $0x0;
	s1 =	srdreg.scid;
	s12 =	stileid.u32  }
0x4: {  	s29 =	simm.s32 $0x180;
	[smem:$0x7FF] =	sst s4;
	s1 =	sand.u32 $0x1, s1  }
0x5: {  	s2 =	smul.u32 $0x2800, s12;
	s5 =	sadd.s32 $0x16600, s0;
	s7 =	sadd.s32 $0xC600, s0  }
0x6: {  	s8 =	sshll.u32 s12, $0x1;
	s11 =	sadd.s32 $0x2600, s0;
	s14 =	sshll.u32 s12, $0x6  }
0x7: {  	s15 =	smul.u32 $0x5000, s12;
	s12 =	simm.s32 $0xD;
	_ =	strace $0x8000004D  }
0x8: {  	s6 =	smul.u32 $0x28000, s1;
	s9 =	ssub.s32 $0x2, s1;
	s8 =	sor.u32 s1, s8  }
0x9: {  	s28 =	sor.u32 $0x1C11, s14;
	s1 =	smul.u32 $0x2800, s1;
	s14 =	simm.s32 $0xC  }
0xa: {  	s10 =	sshrl.u32 s9, $0x1;
	s8 =	smul.u32 $0x2800, s8;
	[dreg:$0x5] =	wrdreg s28  }
0xb: {  	s6 =	sadd.s32 s2, s6;
	s31 =	ssub.s32 s9, s10;
	s2 =	sadd.s32 s2, s3  }
0xc: {  	s1 =	sadd.s32 s1, s15;
	s10 =	simm.s32 $0xB;
	s15 =	simm.s32 $0x1C00  }
0xd: {  	s9 =	simm.s32 $0x0;
	s6 =	sshrl.u32 s6, $0x3;
	[dreg:$0x4] =	wrdreg s2  }
0xe: {  	s8 =	sshrl.u32 s8, $0x3;
	s23 =	sor.u32 $0x300, s1;
	s24 =	sor.u32 $0x380, s1  }
0xf: {  	s30 =	sor.u32 $0x200, s1;
	s0 =	sadd.s32 s6, s0;
	s13 =	sadd.s32 s7, s8  }
0x10: {  	s16 =	sor.u32 $0x10, s8;
	s17 =	sor.u32 $0x20, s8;
	s8 =	sadd.s32 s11, s8  }
0x11: {  	s25 =	sshrl.u32 s23, $0x3;
	s26 =	sshrl.u32 s24, $0x3;
	[dreg:$0x6] =	wrdreg s13  }
0x12: {  	s6 =	smax.u32 s31, $0x1;
	s31 =	sor.u32 $0x180, s1;
	[dreg:$0xa] =	wrdreg s8  }
0x13: {  	s1 =	sor.u32 $0x280, s1;
	s18 =	sadd.s32 s7, s16;
	[dreg:$0xe] =	wrdreg s6  }
0x14: {  	s19 =	sadd.s32 s7, s17;
	s20 =	sadd.s32 $0x30, s13;
	[dreg:$0x7] =	wrdreg s18  }
0x15: {  	s21 =	sadd.s32 s11, s16;
	s22 =	sadd.s32 s11, s17;
	[dreg:$0x8] =	wrdreg s19  }
0x16: {  	s0 =	sadd.s32 $0x1B600, s0;
	s17 =	sadd.s32 s25, s11;
	[dreg:$0x9] =	wrdreg s20  }
0x17: {  	s2 =	sshrl.u32 s31, $0x3;
	s1 =	sshrl.u32 s1, $0x3;
	[dreg:$0xb] =	wrdreg s21  }
0x18: {  	s8 =	simm.s32 $0x1;
	s13 =	simm.s32 $0x380;
	[dreg:$0xc] =	wrdreg s22  }
0x19: {  	s16 =	simm.s32 $0x2;
	s6 =	simm.s32 $0x4;
	[dreg:$0xd] =	wrdreg s0  }
.Ltmp0:
0x1a: {  	s18 =	sadd.s32 s26, s7;
	s19 =	sadd.s32 s25, s7;
	(pc) =	sbr.rel .LBB2_1-.Ltmp0, $4  }
0x1b: {  	s0 =	sshrl.u32 s30, $0x3;
	s21 =	sadd.s32 s2, s11;
	s22 =	sadd.s32 s1, s11  }
0x1c: {  	s23 =	sadd.s32 s1, s7;
	s26 =	simm.s32 $0x80;
	s2 =	simm.s32 $0xE  }
0x1d: {  	s25 =	simm.s32 $0x7;
	s20 =	sadd.s32 s0, s11;
	s24 =	sadd.s32 s0, s7  }
0x1e: {  	s11 =	simm.s32 $0x11;
	s7 =	simm.s32 $0x10;
	s0 =	simm.s32 $0x8  }
.LBB2_4:
0x1f: {  	s1 =	simm.s32 $0x5  }
0x20: {  	_ =	swait.ge [sflag:s1], $0x800  }
0x21: {  	[sflag:s1] =	ssyncset.done $0x0  }
0x22: {  	s9 =	simm.s32 $0x6;
	[sflag:s1] =	ssyncadd.s32 $0xFFFFF800  }
0x23: {  	_ =	swait.ge [sflag:s9], $0x800  }
0x24: {  	[sflag:s9] =	ssyncset.done $0x0  }
0x25: {  	[sflag:s9] =	ssyncadd.s32 $0xFFFFF800  }
0x26: {  	_ =	swait.ge [sflag:s25], $0x800  }
0x27: {  	[sflag:s25] =	ssyncset.done $0x0  }
0x28: {  	[sflag:s25] =	ssyncadd.s32 $0xFFFFF800  }
0x29: {  	_ =	swait.ge [sflag:s0], $0x800  }
0x2a: {  	[sflag:s0] =	ssyncset.done $0x0  }
0x2b: {  	[sflag:s0] =	ssyncadd.s32 $0xFFFFF800  }
0x2c: {  	[bflag:$0x0] =	sbarrier.arrive $0xFFFF  }
0x2d: {  	s28 =	rddreg [dreg:$0x5]  }
0x2e: {  	s11 =	rddreg [dreg:$0xd]  }
0x2f: {  	s9 =	rddreg [dreg:$0x10]  }
0x30: {  	[hbm:s11], [sflag:s28] =	dma.local [spmem:s9], $0x500  }
0x31: {  	s11 =	simm.s32 $0x11  }
0x32: {  	_ =	swait.ge [sflag:s11], $0x500  }
0x33: {  	s30 =	rddreg [dreg:$0xf]  }
0x34: {  	s31 =	rddreg [dreg:$0xe];
	s9 =	sadd.s32 $0x1, s30  }
0x35: {  	p0 =	sne.s32 s9, s31  }
.Ltmp1:
0x36: {  	_ = 	snop;
	(pc) =	sbr.rel @!p0 .LBB2_5-.Ltmp1, $3  }
0x37: {  	_ =	sdelay $0x1  }
0x38: {  	[sflag:s11] =	ssyncset.done $0x0  }
0x39: {  	[sflag:s11] =	ssyncadd.s32 $0xFFFFFB00  }
.LBB2_1:
0x3a: {  	[dreg:$0xf] =	wrdreg s9  }
0x3b: {  	s1 =	rddreg [dreg:$0x4]  }
0x3c: {  	s31 =	rddreg [dreg:$0x1];
	s30 =	sshrl.u32 s1, $0x3  }
0x3d: {  	[dreg:$0x10] =	wrdreg s30  }
0x3e: {  	[spmem:s30], [sflag:s28] =	dma.local [hbm:s31], $0x500  }
0x3f: {  	_ =	swait.ge [sflag:s11], $0x500  }
0x40: {  	[sflag:s11] =	ssyncset.done $0x0  }
0x41: {  	[sflag:s11] =	ssyncadd.s32 $0xFFFFFB00  }
0x42: {  	[bflag:$0x0] =	sbarrier.arrive $0xFFFF  }
0x43: {  	s11 =	rddreg [dreg:$0x6]  }
0x44: {  	[tilespmem:s4], [sflag:$0x9] =	stream.linear.gather [hbm4b:s11+s4], $0x80, $0x38;
	[tilespmem:$0x4C00] =	vst v63  }
0x45: {  	s30 =	rddreg [dreg:$0x7]  }
0x46: {  	[tilespmem:s26], [sflag:$0xA] =	stream.linear.gather [hbm4b:s30+s4], $0x80, $0x38;
	[tilespmem:$0x4C00] =	vst v63  }
0x47: {  	s31 =	rddreg [dreg:$0x8];
	s11 =	simm.s32 $0x100  }
0x48: {  	[tilespmem:s11], [sflag:$0xB] =	stream.linear.gather [hbm4b:s31+s4], $0x80, $0x38;
	[tilespmem:$0x4C00] =	vst v63  }
0x49: {  	s9 =	rddreg [dreg:$0x9]  }
0x4a: {  	[tilespmem:s29], [sflag:$0xC] =	stream.linear.gather [hbm4b:s9+s4], $0x80, $0x38;
	[tilespmem:$0x4C00] =	vst v63  }
0x4b: {  	s30 =	rddreg [dreg:$0xa];
	s31 =	simm.s32 $0x200  }
0x4c: {  	[tilespmem:s31], [sflag:$0xD] =	stream.linear.gather [hbm4b:s30+s4], $0x80, $0x38;
	[tilespmem:$0x4C00] =	vst v63  }
0x4d: {  	s30 =	rddreg [dreg:$0xb];
	s31 =	simm.s32 $0x280  }
0x4e: {  	[tilespmem:s31], [sflag:$0xE] =	stream.linear.gather [hbm4b:s30+s4], $0x80, $0x38;
	[tilespmem:$0x4C00] =	vst v63  }
0x4f: {  	s30 =	rddreg [dreg:$0xc];
	s31 =	simm.s32 $0x300  }
0x50: {  	[tilespmem:s31], [sflag:$0xF] =	stream.linear.gather [hbm4b:s30+s4], $0x80, $0x38;
	[tilespmem:$0x4C00] =	vst v63  }
0x51: {  	s30 =	simm.s32 $0x9  }
0x52: {  	_ =	swait.ge [sflag:s30], $0x80  }
0x53: {  	[sflag:s30] =	ssyncset.done $0x0  }
0x54: {  	s9 =	simm.s32 $0xA;
	s31 =	simm.s32 $0x400;
	[sflag:s30] =	ssyncadd.s32 $0xFFFFFF80  }
0x55: {  	[tilespmem:s31], [sflag:$0x1] =	stream.indirect.gather [hbm4b:s5+s26], $0x10, s4, s26, $0xb8;
	[tilespmem:$0x4C00] =	vst v63  }
0x56: {  	_ =	swait.ge [sflag:s9], $0x80  }
0x57: {  	[sflag:s9] =	ssyncset.done $0x0  }
0x58: {  	s30 =	simm.s32 $0xC00;
	[sflag:s9] =	ssyncadd.s32 $0xFFFFFF80  }
0x59: {  	[tilespmem:s30], [sflag:$0x2] =	stream.indirect.gather [hbm4b:s5+s26], $0x10, s26, s26, $0xb8;
	[tilespmem:$0x4C00] =	vst v63  }
0x5a: {  	_ =	swait.ge [sflag:s10], $0x80  }
0x5b: {  	s28 =	simm.s32 $0x0;
	[sflag:s10] =	ssyncset.done $0x0  }
0x5c: {  	s31 =	simm.s32 $0x1400;
	s9 =	simm.s32 $0x100;
	[sflag:s10] =	ssyncadd.s32 $0xFFFFFF80  }
0x5d: {  	[tilespmem:s31], [sflag:$0x3] =	stream.indirect.gather [hbm4b:s5+s26], $0x10, s11, s26, $0xb8;
	[tilespmem:$0x4C00] =	vst v63  }
.LBB2_2:
0x5e: {  	_ =	swait.ge [sflag:s8], $0x800  }
0x5f: {  	[sflag:s8] =	ssyncset.done $0x0  }
0x60: {  	[sflag:s8] =	ssyncadd.s32 $0xFFFFF800  }
0x61: {  	_ =	swait.ge [sflag:s12], $0x80  }
0x62: {  	s1 =	simm.s32 $0x200;
	p0 =	seq.s32 s28, $0x4C0;
	[sflag:s12] =	ssyncset.done $0x0  }
0x63: {  	s11 =	simm.s32 $0x400;
	p1 =	seq.s32 @!p0 s28, $0x0;
	[sflag:s12] =	ssyncadd.s32 $0xFFFFFF80  }
0x64: {  	[spmem:s3] =	stream.indirect.scatter.add.f32 [tilespmem:s11], [sflag:$0x5], $0x10, s1, s26, $0xb8;
	[tilespmem:$0x4C00] =	vst v63  }
0x65: {  	s31 =	sadd.s32 @!p0 s28, s24;
	s30 =	simm.s32 @!p0 $0x0;
	p1 =	por p0, !p1  }
0x66: {  	[tilespmem:s30], [sflag:$0x9] =	stream.linear.gather @!p0 [hbm4b:s31+s30], $0x80, $0x38;
	[tilespmem:$0x4C00] =	vst v63  }
0x67: {  	_ =	swait.ge @p1 [sflag:s0], $0x800  }
0x68: {  	[sflag:s0] =	ssyncset.done @p1 $0x0  }
0x69: {  	s1 =	sadd.s32 s28, s21;
	[sflag:s0] =	ssyncadd.s32 @p1 $0xFFFFF800  }
0x6a: {  	[tilespmem:s13], [sflag:$0x10] =	stream.linear.gather [hbm4b:s1+s4], $0x80, $0x38;
	[tilespmem:$0x4C00] =	vst v63  }
0x6b: {  	_ =	swait.ge [sflag:s14], $0x80  }
0x6c: {  	[sflag:s14] =	ssyncset.done $0x0  }
0x6d: {  	[sflag:s14] =	ssyncadd.s32 $0xFFFFFF80  }
0x6e: {  	[tilespmem:s15], [sflag:$0x4] =	stream.indirect.gather [hbm4b:s5+s26], $0x10, s29, s26, $0xb8;
	[tilespmem:$0x4C00] =	vst v63  }
0x6f: {  	_ =	swait.ge [sflag:s16], $0x800  }
0x70: {  	[sflag:s16] =	ssyncset.done $0x0  }
0x71: {  	[sflag:s16] =	ssyncadd.s32 $0xFFFFF800  }
0x72: {  	_ =	swait.ge [sflag:s2], $0x80  }
0x73: {  	[sflag:s2] =	ssyncset.done $0x0  }
0x74: {  	s11 =	simm.s32 $0x280;
	s31 =	simm.s32 $0xC00;
	[sflag:s2] =	ssyncadd.s32 $0xFFFFFF80  }
0x75: {  	[spmem:s3] =	stream.indirect.scatter.add.f32 [tilespmem:s31], [sflag:$0x6], $0x10, s11, s26, $0xb8;
	[tilespmem:$0x4C00] =	vst v63  }
0x76: {  	s31 =	simm.s32 @p0 $0x3  }
0x77: {  	_ =	swait.ge @p0 [sflag:s31], $0x800  }
0x78: {  	[sflag:s31] =	ssyncset.done @p0 $0x0  }
0x79: {  	[sflag:s31] =	ssyncadd.s32 @p0 $0xFFFFF800;
	s31 =	simm.s32 @p0 $0xF  }
0x7a: {  	_ =	swait.ge @p0 [sflag:s31], $0x80  }
0x7b: {  	s1 =	simm.s32 @p0 $0x1400;
	[sflag:s31] =	ssyncset.done @p0 $0x0  }
0x7c: {  	s11 =	simm.s32 @p0 $0x300;
	[sflag:s31] =	ssyncadd.s32 @p0 $0xFFFFFF80;
	s31 =	simm.s32 @p0 $0x80  }
0x7d: {  	[spmem:s3] =	stream.indirect.scatter.add.f32 @p0 [tilespmem:s1], [sflag:$0x7], $0x10, s11, s31, $0xb8;
	[tilespmem:$0x4C00] =	vst v63  }
0x7e: {  	s1 =	sadd.s32 @!p0 s28, s23;
	s11 =	simm.s32 @!p0 $0x80  }
0x7f: {  	[tilespmem:s11], [sflag:$0xA] =	stream.linear.gather @!p0 [hbm4b:s1+s30], $0x80, $0x38;
	[tilespmem:$0x4C00] =	vst v63  }
0x80: {  	s1 =	simm.s32 @!p0 $0x5  }
0x81: {  	_ =	swait.ge @!p0 [sflag:s1], $0x800  }
0x82: {  	[sflag:s1] =	ssyncset.done @!p0 $0x0  }
0x83: {  	s31 =	simm.s32 @!p0 $0x200;
	[sflag:s1] =	ssyncadd.s32 @!p0 $0xFFFFF800;
	s1 =	sadd.s32 @!p0 s28, s20  }
0x84: {  	[tilespmem:s31], [sflag:$0xD] =	stream.linear.gather @!p0 [hbm4b:s1+s30], $0x80, $0x38;
	[tilespmem:$0x4C00] =	vst v63  }
0x85: {  	s1 =	simm.s32 @!p0 $0x9  }
0x86: {  	_ =	swait.ge @!p0 [sflag:s1], $0x80  }
0x87: {  	[sflag:s1] =	ssyncset.done @!p0 $0x0  }
0x88: {  	[sflag:s1] =	ssyncadd.s32 @!p0 $0xFFFFFF80;
	s1 =	simm.s32 @!p0 $0x400  }
0x89: {  	[tilespmem:s1], [sflag:$0x1] =	stream.indirect.gather @!p0 [hbm4b:s5+s11], $0x10, s30, s11, $0xb8;
	[tilespmem:$0x4C00] =	vst v63  }
0x8a: {  	s1 =	simm.s32 @!p0 $0x3  }
0x8b: {  	_ =	swait.ge @!p0 [sflag:s1], $0x800  }
0x8c: {  	[sflag:s1] =	ssyncset.done @!p0 $0x0  }
0x8d: {  	[sflag:s1] =	ssyncadd.s32 @!p0 $0xFFFFF800;
	s1 =	simm.s32 @!p0 $0xF  }
0x8e: {  	_ =	swait.ge @!p0 [sflag:s1], $0x80  }
0x8f: {  	[sflag:s1] =	ssyncset.done @!p0 $0x0  }
0x90: {  	s31 =	simm.s32 @!p0 $0x1400;
	[sflag:s1] =	ssyncadd.s32 @!p0 $0xFFFFFF80;
	s1 =	simm.s32 @!p0 $0x300  }
0x91: {  	[spmem:s3] =	stream.indirect.scatter.add.f32 @!p0 [tilespmem:s31], [sflag:$0x7], $0x10, s1, s11, $0xb8;
	[tilespmem:$0x4C00] =	vst v63  }
0x92: {  	s1 =	sadd.s32 @!p0 s28, s19;
	s31 =	simm.s32 @!p0 $0x100  }
0x93: {  	[tilespmem:s31], [sflag:$0xB] =	stream.linear.gather @!p0 [hbm4b:s1+s30], $0x80, $0x38;
	[tilespmem:$0x4C00] =	vst v63  }
0x94: {  	s1 =	simm.s32 @!p0 $0x6  }
0x95: {  	_ =	swait.ge @!p0 [sflag:s1], $0x800  }
0x96: {  	[sflag:s1] =	ssyncset.done @!p0 $0x0  }
0x97: {  	s31 =	simm.s32 @!p0 $0x280;
	[sflag:s1] =	ssyncadd.s32 @!p0 $0xFFFFF800;
	s1 =	sadd.s32 @!p0 s28, s22  }
0x98: {  	[tilespmem:s31], [sflag:$0xE] =	stream.linear.gather @!p0 [hbm4b:s1+s30], $0x80, $0x38;
	[tilespmem:$0x4C00] =	vst v63  }
0x99: {  	s1 =	simm.s32 @!p0 $0xA  }
0x9a: {  	_ =	swait.ge @!p0 [sflag:s1], $0x80  }
0x9b: {  	[sflag:s1] =	ssyncset.done @!p0 $0x0  }
0x9c: {  	[sflag:s1] =	ssyncadd.s32 @!p0 $0xFFFFFF80;
	s1 =	simm.s32 @!p0 $0xC00  }
0x9d: {  	[tilespmem:s1], [sflag:$0x2] =	stream.indirect.gather @!p0 [hbm4b:s5+s11], $0x10, s11, s11, $0xb8;
	[tilespmem:$0x4C00] =	vst v63  }
0x9e: {  	_ =	swait.ge [sflag:s6], $0x800  }
0x9f: {  	[sflag:s6] =	ssyncset.done $0x0  }
.Ltmp2:
0xa0: {  	[sflag:s6] =	ssyncadd.s32 $0xFFFFF800;
	(pc) =	sbr.rel @p0 .LBB2_4-.Ltmp2, $4  }
0xa1: {  	_ =	swait.ge [sflag:s7], $0x80  }
0xa2: {  	[sflag:s7] =	ssyncset.done $0x0  }
0xa3: {  	[sflag:s7] =	ssyncadd.s32 $0xFFFFFF80  }
0xa4: {  	[spmem:s3] =	stream.indirect.scatter.add.f32 [tilespmem:s15], [sflag:$0x8], $0x10, s13, s26, $0xb8;
	[tilespmem:$0x4C00] =	vst v63  }
0xa5: {  	s1 =	sadd.s32 s28, s18  }
0xa6: {  	[tilespmem:s29], [sflag:$0xC] =	stream.linear.gather [hbm4b:s1+s4], $0x80, $0x38;
	[tilespmem:$0x4C00] =	vst v63  }
0xa7: {  	_ =	swait.ge [sflag:s25], $0x800  }
0xa8: {  	[sflag:s25] =	ssyncset.done $0x0  }
0xa9: {  	s30 =	sadd.s32 s28, s17;
	s11 =	simm.s32 $0x300;
	[sflag:s25] =	ssyncadd.s32 $0xFFFFF800  }
0xaa: {  	[tilespmem:s11], [sflag:$0xF] =	stream.linear.gather [hbm4b:s30+s4], $0x80, $0x38;
	[tilespmem:$0x4C00] =	vst v63  }
.Ltmp3:
0xab: {  	_ = 	snop;
	(pc) =	sbr.rel .LBB2_2-.Ltmp3, $4  }
0xac: {  	_ =	swait.ge [sflag:s10], $0x80  }
0xad: {  	[sflag:s10] =	ssyncset.done $0x0  }
0xae: {  	s31 =	simm.s32 $0x1400;
	s28 =	sadd.s32 $0x40, s28;
	[sflag:s10] =	ssyncadd.s32 $0xFFFFFF80  }
0xaf: {  	[tilespmem:s31], [sflag:$0x3] =	stream.indirect.gather [hbm4b:s5+s26], $0x10, s9, s26, $0xb8;
	[tilespmem:$0x4C00] =	vst v63  }
.LBB2_5:
0xb0: {  	_ =	sfence.sel $0x180000  }
0xb1: {  	[bflag:$0x0] =	sbarrier.arrive $0xFFFF  }
0xb2: {  	_ =	strace $0x9000004D  }
0xb3: {  	s0 =	stileid.u32;
	[bflag:$0x2] =	sbarrier.arrive $0xFFFF  }
0xb4: {  	p0 =	sne.s32 s0, $0x0;
	s0 =	rddreg [dreg:$0x3]  }
0xb5: {  	s0 =	sadd.s32 @!p0 $0x100000, s0  }
0xb6: {  	[sflag:s0] =	ssyncadd.tile.s32 @!p0 $0x1;
	_ =	shalt  }
.Lfunc_end2:
_tile_overlayer_lowered:
.L_overlay_start_2:
0xb7: {  	(tag) =	ssettag $0x2  }
0xb8: {  	s0 =	rddreg [dreg:$0x0];
	s2 =	stileid.u32  }
0xb9: {  	s1 =	rddreg [dreg:$0x1];
	p0 =	sne.s32 s2, $0x0  }
0xba: {  	s3 =	rddreg [dreg:$0x2];
	[bflag:$0x3] =	sbarrier.arrive $0xFFFF;
	s2 =	simm.s32 @!p0 $0x1C11  }
0xbb: {  	[timem:s3], [sflag:s2] =	dma.local @!p0 [hbm:s0], s1  }
0xbc: {  	s0 =	simm.s32 @!p0 $0x11  }
0xbd: {  	_ =	swait.ge @!p0 [sflag:s0], s1  }
0xbe: {  	s1 =	ssub.s32 @!p0 $0x0, s1;
	[sflag:s0] =	ssyncset.done @!p0 $0x0  }
0xbf: {  	[sflag:s0] =	ssyncadd.s32 @!p0 s1  }
0xc0: {  	[bflag:$0x3] =	sbarrier.arrive $0xFFFF  }
0xc1: {  	_ =	shalt  }

// kernel: kernel.8.cloned.1.call-start
scs
__scs_entry_jumppad:
0x0: {  	(pc) =	sbr.rel $0x88, $3  }
0x1: {  	(tag) =	ssettag $0x0;
	lr =	simm.s32 $0x1  }
0x2: {  	[smem:$0x3F9B] =	sst lr;
	_ =	strace $0xD0000000  }
0x3: {  	_ = 	snop  }
0x4: {  	_ = 	snop  }
0x5: {  	_ = 	snop  }
0x6: {  	_ = 	snop  }
0x7: {  	_ = 	snop  }
__scs_overlays_trampoline_lowered:
0x8: {  	[smem:$0x3FAA] =	sst s0  }
0x9: {  	[smem:$0x3FAB] =	sst s1  }
0xa: {  	[smem:$0x3FAC] =	sst s2  }
0xb: {  	[smem:$0x3FAD] =	sst s3  }
0xc: {  	[smem:$0x3FAE] =	sst s4  }
0xd: {  	[smem:$0x3FAF] =	sst s5  }
0xe: {  	[smem:$0x3FB0] =	sst s6  }
0xf: {  	[smem:$0x3FB1] =	sst s7  }
0x10: {  	[smem:$0x3FB2] =	sst s8  }
0x11: {  	[smem:$0x3FB3] =	sst s9;
	s0 =	simm.s32 @!p0 $0x0  }
0x12: {  	s1 =	sld [smem:$0x3F99];
	s0 =	simm.s32 @p0 $0x1  }
0x13: {  	[smem:$0x3FB4] =	sst s0;
	s0 =	simm.s32 @!p1 $0x0  }
0x14: {  	s2 =	sld [smem:$0x3F98];
	s0 =	simm.s32 @p1 $0x1  }
0x15: {  	[smem:$0x3FB5] =	sst s0;
	s0 =	simm.s32 @!p2 $0x0  }
0x16: {  	s3 =	sld [smem:$0x3FDB];
	s0 =	simm.s32 @p2 $0x1  }
0x17: {  	s4 =	simm.s32 $0x1BF5;
	[smem:$0x3FB7] =	sst s0  }
0x18: {  	s0 =	sld [smem:$0x3F9A];
	_ =	swait.ge [sflag:s4], $0x0  }
0x19: {  	s7 =	sld [smem:$0x3F9B]  }
0x1a: {  	s8 =	sadd.s32 $0xFFFFE003, lr  }
0x1b: {  	s9 =	sadd.s32 $0xFFFFFEF7, lr;
	s5 =	simm.s32 $0xFFFFFFFF;
	p2 =	slt.u32 s8, $0xFFFFF086  }
0x1c: {  	p1 =	slt.u32 s9, $0xF7A;
	s5 =	simm.s32 @!p2 $0x0  }
0x1d: {  	s5 =	simm.s32 @p1 $0x1;
	p0 =	seq.s32 s7, s2  }
0x1e: {  	s7 =	smul.u32 @!p0 $0xF7A, s2;
	p2 =	seq.s32 @!p0 s5, $0x0  }
0x1f: {  	s9 =	smul.u32 $0xF7A, s1;
	s8 =	simm.s32 @!p0 $0x1BF5;
	p2 =	por !p2, p0  }
0x20: {  	[sflag:s8] =	ssyncset.s32 @!p0 $0xFFFFF086;
	s6 =	sadd.s32 @!p0 s3, s7;
	s7 =	simm.s32 @!p0 $0x108  }
0x21: {  	s3 =	sadd.s32 s3, s9;
	s6 =	sadd.s32 @!p0 $0x88, s6;
	s7 =	simm.s32 @p2 $0x1082  }
0x22: {  	[simem:s7], [sflag:s8] =	dma.local @!p0 [hbm:s6], $0xF7A  }
0x23: {  	s9 =	sor.u32 $0xD0000000, s2;
	s6 =	simm.s32 $0x108;
	_ =	swait.ge @!p0 [sflag:s8], $0x0  }
0x24: {  	s3 =	sadd.s32 $0x88, s3;
	s6 =	simm.s32 @!p1 $0x1082;
	[sflag:s4] =	ssyncset.s32 $0xFFFFF086  }
0x25: {  	[simem:s6], [sflag:s4] =	dma.local [hbm:s3], $0xF7A  }
0x26: {  	[smem:$0x3F9B] =	sst s1;
	(tag) =	ssettag s2;
	_ =	strace s9  }
0x27: {  	s1 =	sld [smem:$0x3FAB]  }
0x28: {  	s2 =	sld [smem:$0x3FAC]  }
0x29: {  	s4 =	sld [smem:$0x3FAE]  }
0x2a: {  	p0 =	seq.s32 s5, $0x0;
	s5 =	sld [smem:$0x3FAF]  }
0x2b: {  	s6 =	sld [smem:$0x3FB0]  }
0x2c: {  	s7 =	sld [smem:$0x3FB1]  }
0x2d: {  	s3 =	simm.s32 $0x108;
	s8 =	sld [smem:$0x3FB2]  }
0x2e: {  	s3 =	simm.s32 @!p0 $0x1082;
	s9 =	sld [smem:$0x3FB3]  }
0x2f: {  	lr =	sadd.s32 s0, s3;
	s0 =	sld [smem:$0x3FAA]  }
0x30: {  	s3 =	sld [smem:$0x3FAD]  }
0x31: {  	[smem:$0x3FB6] =	sst s10  }
0x32: {  	s10 =	sld [smem:$0x3FB4];
	_ =	sdelay $0x3  }
0x33: {  	p0 =	seq.s32 s10, $0x1;
	s10 =	sld [smem:$0x3FB6];
	_ =	sdelay $0x3  }
0x34: {  	[smem:$0x3FB6] =	sst s10  }
0x35: {  	s10 =	sld [smem:$0x3FB5];
	_ =	sdelay $0x3  }
0x36: {  	p1 =	seq.s32 s10, $0x1;
	s10 =	sld [smem:$0x3FB6];
	_ =	sdelay $0x3  }
0x37: {  	[smem:$0x3FB6] =	sst s10  }
0x38: {  	s10 =	sld [smem:$0x3FB7]  }
0x39: {  	_ = 	snop;
	(pc) =	sbr.ind lr, $3  }
0x3a: {  	_ = 	snop  }
0x3b: {  	_ = 	snop  }
0x3c: {  	p2 =	seq.s32 s10, $0x1;
	s10 =	sld [smem:$0x3FB6]  }
0x3d: {  	_ =	shalt  }
0x3e: {  	_ =	shalt  }
0x3f: {  	_ =	shalt  }
0x40: {  	_ =	shalt  }
0x41: {  	_ =	shalt  }
0x42: {  	_ =	shalt  }
0x43: {  	_ =	shalt  }
0x44: {  	_ =	shalt  }
0x45: {  	_ =	shalt  }
0x46: {  	_ =	shalt  }
0x47: {  	_ =	shalt  }
0x48: {  	_ =	shalt  }
0x49: {  	_ =	shalt  }
0x4a: {  	_ =	shalt  }
0x4b: {  	_ =	shalt  }
0x4c: {  	_ =	shalt  }
0x4d: {  	_ =	shalt  }
0x4e: {  	_ =	shalt  }
0x4f: {  	_ =	shalt  }
0x50: {  	_ =	shalt  }
0x51: {  	_ =	shalt  }
0x52: {  	_ =	shalt  }
0x53: {  	_ =	shalt  }
0x54: {  	_ =	shalt  }
0x55: {  	_ =	shalt  }
0x56: {  	_ =	shalt  }
0x57: {  	_ =	shalt  }
0x58: {  	_ =	shalt  }
0x59: {  	_ =	shalt  }
0x5a: {  	_ =	shalt  }
0x5b: {  	_ =	shalt  }
0x5c: {  	_ =	shalt  }
0x5d: {  	_ =	shalt  }
0x5e: {  	_ =	shalt  }
0x5f: {  	_ =	shalt  }
0x60: {  	_ =	shalt  }
0x61: {  	_ =	shalt  }
0x62: {  	_ =	shalt  }
0x63: {  	_ =	shalt  }
0x64: {  	_ =	shalt  }
0x65: {  	_ =	shalt  }
0x66: {  	_ =	shalt  }
0x67: {  	_ =	shalt  }
0x68: {  	_ =	shalt  }
0x69: {  	_ =	shalt  }
0x6a: {  	_ =	shalt  }
0x6b: {  	_ =	shalt  }
0x6c: {  	_ =	shalt  }
0x6d: {  	_ =	shalt  }
0x6e: {  	_ =	shalt  }
0x6f: {  	_ =	shalt  }
0x70: {  	_ =	shalt  }
0x71: {  	_ =	shalt  }
0x72: {  	_ =	shalt  }
0x73: {  	_ =	shalt  }
0x74: {  	_ =	shalt  }
0x75: {  	_ =	shalt  }
0x76: {  	_ =	shalt  }
0x77: {  	_ =	shalt  }
0x78: {  	_ =	shalt  }
0x79: {  	_ =	shalt  }
0x7a: {  	_ =	shalt  }
0x7b: {  	_ =	shalt  }
0x7c: {  	_ =	shalt  }
0x7d: {  	_ =	shalt  }
0x7e: {  	_ =	shalt  }
0x7f: {  	_ =	shalt  }
0x80: {  	_ =	shalt  }
0x81: {  	_ =	shalt  }
0x82: {  	_ =	shalt  }
0x83: {  	_ =	shalt  }
0x84: {  	_ =	shalt  }
0x85: {  	_ =	shalt  }
0x86: {  	_ =	shalt  }
0x87: {  	_ =	shalt  }
.Lfunc_end0:
.L_simem_size_0:
called_computation_lowered:
.L_overlay_start_0:
0x88: {  	s2 =	sld [smem:$0x3FD9]  }
0x89: {  	s3 =	sld [smem:$0x3FFE];
	_ =	sdelay $0x1  }
0x8a: {  	s1 =	srdreg.scid  }
0x8b: {  	s0 =	sand.u32 $0x1, s1  }
0x8c: {  	s17 =	sshll.u32 s0, $0xA;
	s2 =	sadd.s32 s3, s2  }
0x8d: {  	s2 =	sadd.s32 s2, s17  }
0x8e: {  	[smem:$0x3FC2] =	sst s2  }
0x8f: {  	_ = 	snop  }
0x90: {  	s2 =	sld [smem:$0x3FD0];
	(tm) =	ssettm $0x1  }
0x91: {  	s18 =	sld [smem:$0x3FFB];
	_ =	sdelay $0x3  }
0x92: {  	_ =	strace s18  }
0x93: {  	s3 =	sld [smem:$0x3FFC];
	_ =	sdelay $0x3  }
0x94: {  	_ =	strace s3  }
0x95: {  	s3 =	sld [smem:$0x3FFD];
	_ =	sdelay $0x3  }
0x96: {  	_ =	strace s3  }
0x97: {  	_ =	strace $0x8FFFFFFF  }
0x98: {  	s19 =	sld [smem:$0x3FDB];
	_ =	sdelay $0x1  }
0x99: {  	s4 =	simm.s32 $_scs_section_size  }
0x9a: {  	s5 =	simm.s32 $_size__tile_overlayer_lowered;
	s6 =	simm.s32 $_tile_overlayer_lowered  }
0x9b: {  	s22 =	simm.s32 $0x1BFF;
	s21 =	sshll.u32 s6, $0x1;
	s3 =	sadd.s32 s4, s19  }
0x9c: {  	s7 =	simm.s32 $0x0;
	s20 =	sshll.u32 s5, $0x1;
	s5 =	sadd.s32 s21, s3  }
0x9d: {  	[timem:s7], [sflag:s22] =	dma.local [hbm:s5], s20  }
0x9e: {  	_ =	swait.ge [sflag:s22], s20  }
0x9f: {  	s4 =	ssub.s32 $0x0, s20;
	[sflag:s22] =	ssyncset.done $0x0  }
0xa0: {  	[sflag:s22] =	ssyncadd.s32 s4;
	_ =	sdelay $0x1  }
0xa1: {  	s23 =	simm.s32 $0x1B8B  }
0xa2: {  	_ =	swait.ge [sflag:s23], $0x1  }
0xa3: {  	[sflag:s23] =	ssyncset.done $0x0  }
0xa4: {  	s25 =	simm.s32 $0x1B8E;
	s24 =	sld [smem:$0x3FFE];
	[sflag:s23] =	ssyncadd.s32 $0xFFFFFFFF  }
0xa5: {  	s26 =	simm.s32 $execute0_lowered;
	[smem:$0x3FD2] =	sst s25  }
0xa6: {  	s5 =	sshll.u32 s26, $0x1;
	_ =	strace $0x80000046;
	[dreg:$0x1] =	wrdreg $0xFFFFFFFF  }
0xa7: {  	s28 =	simm.s32 $_size_execute0_lowered;
	s3 =	sadd.s32 s3, s5;
	[dreg:$0x0] =	wrdreg $0x0  }
0xa8: {  	s5 =	sshll.u32 s28, $0x1;
	[dreg:$0x2] =	wrdreg s3  }
0xa9: {  	[dreg:$0x3] =	wrdreg s5  }
0xaa: {  	[dreg:$0x4] =	wrdreg $0xC0  }
0xab: {  	_ =	task [dreg:s7], $0x5FFFF  }
0xac: {  	[dreg:$0x1] =	wrdreg $0xFFFFFFFF  }
0xad: {  	[dreg:$0x0] =	wrdreg $0x60  }
0xae: {  	[dreg:$0x2] =	wrdreg s24  }
0xaf: {  	[dreg:$0x3] =	wrdreg s2  }
0xb0: {  	[dreg:$0x4] =	wrdreg $0x28800  }
0xb1: {  	[dreg:$0x5] =	wrdreg $0x9  }
0xb2: {  	_ =	task.clear_ibuf [dreg:s7], $0x6FFFF;
	_ =	strace $0x90000046  }
0xb3: {  	s29 =	simm.s32 $0x9;
	_ =	strace $0x80000048  }
0xb4: {  	_ =	swait.ge [sflag:s29], $0x1  }
0xb5: {  	[sflag:s29] =	ssyncadd.s32 $0xFFFFFFFF  }
0xb6: {  	_ =	strace $0x90000048  }
0xb7: {  	_ =	sfence  }
0xb8: {  	s30 =	sld [smem:$0x0];
	_ =	sdelay $0x2  }
0xb9: {  	s31 =	sshll.u32 s1, $0xD;
	s1 =	sshrl.u32 s1, $0x2  }
0xba: {  	s3 =	sand.u32 $0x4000, s31;
	s1 =	sadd.s32 s1, s30  }
0xbb: {  	s0 =	sor.u32 s3, s0;
	s1 =	sshll.u32 s1, $0x11  }
0xbc: {  	s0 =	sor.u32 s1, s0  }
0xbd: {  	s0 =	sadd.s32 $0x8F2B, s0  }
0xbe: {  	[sflag:s0] =	ssyncadd.remote.s32 $0x1  }
0xbf: {  	_ =	sfence.sel $0xFFFF  }
0xc0: {  	[dreg:$0x0] =	wrdreg $0xFFFFFFFF;
	(pc) =	sbr.abs _section_cstart, $3  }
0xc1: {  	[dreg:$0x1] =	wrdreg $0xFFFFFFFF  }
0xc2: {  	_ =	task.clear_ibuf [dreg:s7], $0x2FFFF;
	_ =	strace $0x9FFFFFFF  }
0xc3: {  	(tm) =	ssettm $0x7FFFFFFF  }
tec
execute0_lowered:
.L_overlay_start_1:
0x0: {  	(tag) =	ssettag $0x1  }
0x1: {  	s1 =	srdreg.scid;
	s4 =	rddreg [dreg:$0x0]  }
0x2: {  	s0 =	stileid.u32;
	s6 =	rddreg [dreg:$0x1]  }
0x3: {  	s2 =	rddreg [dreg:$0x2];
	s3 =	simm.s32 $0x0;
	s12 =	simm.s32 $0x2800  }
0x4: {  	s13 =	simm.s32 $0x1;
	s14 =	simm.s32 $0x0;
	s5 =	sand.u32 $0x1, s1  }
0x5: {  	s30 =	sshll.u32 s0, $0x1;
	s8 =	smul.u32 $0x280, s0;
	[smem:$0x7FF] =	sst s3  }
0x6: {  	s31 =	sshll.u32 s0, $0x6;
	s1 =	sor.u32 s5, s30;
	s9 =	smul.u32 $0x2800, s5  }
0x7: {  	s5 =	ssub.s32 $0x2, s5;
	s7 =	smul.u32 $0x500, s1;
	s1 =	rddreg [dreg:$0x3]  }
0x8: {  	_ =	strace $0x80000047;
	s10 =	sshrl.u32 s5, $0x1;
	s11 =	sadd.s32 s8, s2  }
0x9: {  	s9 =	sadd.s32 s8, s9;
	s10 =	ssub.s32 s5, s10;
	s8 =	simm.s32 $0x2  }
0xa: {  	s7 =	sadd.s32 s7, s4;
	s4 =	sadd.s32 $0x16600, s4;
	s9 =	sshrl.u32 s9, $0x3  }
0xb: {  	s5 =	sadd.s32 $0x2600, s7;
	s6 =	sadd.s32 s6, s9;
	s7 =	smax.u32 s10, $0x1  }
0xc: {  	v0 =	vimm.f32 $1.000000000e+00;
	s9 =	sor.u32 $0x1C02, s31;
	s10 =	sshrl.u32 s11, $0x3;
	s11 =	simm.s32 $0x80  }
.LBB2_1:
0xd: {  	[tilespmem:s3], [sflag:$0x2] =	stream.linear.gather [hbm4b:s5+s3], $0x2800, $0x38;
	[tilespmem:$0x2B00] =	vst v63  }
0xe: {  	_ =	swait.ge [sflag:s8], $0x2800  }
0xf: {  	[sflag:s8] =	ssyncset.done $0x0  }
0x10: {  	[sflag:s8] =	ssyncadd.s32 $0xFFFFD800  }
0x11: {  	[tilespmem:$0x2800] =	vst v0  }
0x12: {  	[tilespmem:$0x2810] =	vst v0  }
0x13: {  	[tilespmem:$0x2820] =	vst v0  }
0x14: {  	[tilespmem:$0x2830] =	vst v0  }
0x15: {  	[tilespmem:$0x2840] =	vst v0  }
0x16: {  	[tilespmem:$0x2850] =	vst v0  }
0x17: {  	[tilespmem:$0x2860] =	vst v0  }
0x18: {  	[tilespmem:$0x2870] =	vst v0  }
0x19: {  	[spmem:s10], [sflag:s9] =	dma.local [hbm:s4], $0x50  }
0x1a: {  	_ =	swait.ge [sflag:s8], $0x50  }
0x1b: {  	[sflag:s8] =	ssyncset.done $0x0  }
0x1c: {  	[sflag:s8] =	ssyncadd.s32 $0xFFFFFFB0  }
0x1d: {  	s15 =	simm.s32 $0x0;
	[bflag:$0x0] =	sbarrier.arrive $0xFFFF  }
.LBB2_2:
0x1e: {  	p0 =	sne.s32 s15, $0x9E00  }
.Ltmp0:
0x1f: {  	_ = 	snop;
	(pc) =	sbr.rel @p0 .LBB2_2-.Ltmp0, $3  }
0x20: {  	_ =	sdelay $0x1  }
0x21: {  	s16 =	sshra.s32 s15, $0x2;
	s15 =	sadd.s32 $0x200, s15  }
0x22: {  	[spmem:s2] =	stream.indirect.scatter.add.f32 [tilespmem:s12], [sflag:$0x1], $0x1, s16, s11, $0xb8;
	[tilespmem:$0x2B00] =	vst v63  }
0x23: {  	_ =	swait.ge [sflag:s13], $0x80  }
0x24: {  	s15 =	simm.s32 $0x4F;
	[sflag:s13] =	ssyncset.done $0x0  }
.LBB2_4:
0x25: {  	p0 =	sne.s32 s15, $0x1;
	s15 =	sadd.s32 $0xFFFFFFFF, s15;
	[sflag:s13] =	ssyncadd.s32 $0xFFFFFF80  }
.Ltmp1:
0x26: {  	(pc) =	sbr.rel @p0 .LBB2_4-.Ltmp1, $3  }
0x27: {  	_ =	sdelay $0x1  }
0x28: {  	_ =	swait.ge [sflag:s13], $0x80  }
0x29: {  	[sflag:s13] =	ssyncset.done $0x0  }
0x2a: {  	s14 =	sadd.s32 $0x1, s14  }
0x2b: {  	[sflag:s13] =	ssyncadd.s32 $0xFFFFFF80;
	p0 =	sne.s32 s14, s7  }
.Ltmp2:
0x2c: {  	[bflag:$0x0] =	sbarrier.arrive $0xFFFF;
	(pc) =	sbr.rel @p0 .LBB2_1-.Ltmp2, $4  }
0x2d: {  	[hbm:s6], [sflag:s9] =	dma.local [spmem:s10], $0x50  }
0x2e: {  	_ =	swait.ge [sflag:s8], $0x50  }
0x2f: {  	[sflag:s8] =	ssyncset.done $0x0  }
0x30: {  	[sflag:s8] =	ssyncadd.s32 $0xFFFFFFB0  }
0x31: {  	_ =	sfence.sel $0x180000  }
0x32: {  	[bflag:$0x0] =	sbarrier.arrive $0xFFFF  }
0x33: {  	p0 =	sne.s32 s0, $0x0;
	_ =	strace $0x90000047  }
0x34: {  	s0 =	sadd.s32 @!p0 $0x100000, s1;
	[bflag:$0x2] =	sbarrier.arrive $0xFFFF  }
0x35: {  	[sflag:s0] =	ssyncadd.tile.s32 @!p0 $0x1;
	_ =	shalt  }
.Lfunc_end2:
_tile_overlayer_lowered:
.L_overlay_start_2:
0x36: {  	(tag) =	ssettag $0x2  }
0x37: {  	s0 =	rddreg [dreg:$0x0];
	s2 =	stileid.u32  }
0x38: {  	s1 =	rddreg [dreg:$0x1];
	p0 =	sne.s32 s2, $0x0  }
0x39: {  	s3 =	rddreg [dreg:$0x2];
	[bflag:$0x3] =	sbarrier.arrive $0xFFFF;
	s2 =	simm.s32 @!p0 $0x1C02  }
0x3a: {  	[timem:s3], [sflag:s2] =	dma.local @!p0 [hbm:s0], s1  }
0x3b: {  	s0 =	simm.s32 @!p0 $0x2  }
0x3c: {  	_ =	swait.ge @!p0 [sflag:s0], s1  }
0x3d: {  	s1 =	ssub.s32 @!p0 $0x0, s1;
	[sflag:s0] =	ssyncset.done @!p0 $0x0  }
0x3e: {  	[sflag:s0] =	ssyncadd.s32 @!p0 s1  }
0x3f: {  	[bflag:$0x3] =	sbarrier.arrive $0xFFFF  }
0x40: {  	_ =	shalt  }

</sc_bundles>
